<compile_context>
chip_gen: v7x
topology: tpu7x:2x2x1
jax: 0.10.2.dev20260603
libtpu: 0.0.44.dev20260713+nightly
codegen_flags: <defaults>
</compile_context>

<pallas_src>
import jax
import jax.numpy as jnp
from jax import lax
from jax.experimental import pallas as pl
from jax.experimental.pallas import tpu as pltpu
from jax.experimental.pallas import tpu_sc as plsc

T = 2048
H = 768
I = 1536
E = 8
BM = 256
NPAD = 2 * T + E * BM
NB_R = NPAD // BM
NB_S = T // BM
NCH = 32
CH = (2 * T) // NCH


def _router_body(x_ref, gw_ref, pos1_ref, pos2_ref, w1_ref, w2_ref, be_ref):
    x = x_ref[...]
    gw = gw_ref[...]
    logits = lax.dot_general(gw, x, (((1,), (1,)), ((), ())),
                             preferred_element_type=jnp.float32)
    m = jnp.max(logits, axis=0, keepdims=True)
    ex = jnp.exp(logits - m)
    scores = ex / jnp.sum(ex, axis=0, keepdims=True)

    eio = lax.broadcasted_iota(jnp.int32, (E, T), 0).astype(jnp.float32)
    s1 = jnp.max(scores, axis=0, keepdims=True)
    e1 = jnp.min(jnp.where(scores >= s1, eio, float(E)), axis=0, keepdims=True)
    oh1 = (eio == e1).astype(jnp.float32)
    masked = scores - 2.0 * oh1
    s2 = jnp.max(masked, axis=0, keepdims=True)
    e2 = jnp.min(jnp.where(masked >= s2, eio, float(E)), axis=0, keepdims=True)
    oh2 = (eio == e2).astype(jnp.float32)

    denom = s1 + s2 + 1e-8
    w1_ref[...] = s1 / denom
    w2_ref[...] = s2 / denom

    oh = jnp.concatenate([oh1, oh2], axis=1)
    ohr = oh.reshape(E * NCH, CH)
    uinc = (lax.broadcasted_iota(jnp.int32, (CH, CH), 0) <=
            lax.broadcasted_iota(jnp.int32, (CH, CH), 1)).astype(jnp.float32)
    within = lax.dot_general(ohr, uinc, (((1,), (0,)), ((), ())),
                             preferred_element_type=jnp.float32)
    tot = within[:, CH - 1:CH].reshape(E, NCH)
    uexc = (lax.broadcasted_iota(jnp.int32, (NCH, NCH), 0) <
            lax.broadcasted_iota(jnp.int32, (NCH, NCH), 1)).astype(jnp.float32)
    excl = lax.dot_general(tot, uexc, (((1,), (0,)), ((), ())),
                           preferred_element_type=jnp.float32)
    csum = (within.reshape(E, NCH, CH) + excl[:, :, None]).reshape(E, 2 * T)

    counts = csum[:, 2 * T - 1:2 * T]
    padded = jnp.floor((counts + float(BM - 1)) * (1.0 / BM)) * float(BM)
    linc = (lax.broadcasted_iota(jnp.int32, (E, E), 1) <=
            lax.broadcasted_iota(jnp.int32, (E, E), 0)).astype(jnp.float32)
    cpad = lax.dot_general(linc, padded, (((1,), (0,)), ((), ())),
                           preferred_element_type=jnp.float32)
    offs = cpad - padded

    pos1 = jnp.sum(oh1 * (offs + csum[:, :T] - 1.0), axis=0, keepdims=True)
    pos2 = jnp.sum(oh2 * (offs + csum[:, T:] - 1.0), axis=0, keepdims=True)
    pos1_ref[...] = pos1.astype(jnp.int32)
    pos2_ref[...] = pos2.astype(jnp.int32)

    bio = lax.broadcasted_iota(jnp.int32, (1, NB_R + 1), 1).astype(jnp.float32)
    base = bio * float(BM)
    nfull = jnp.sum((base >= cpad).astype(jnp.float32), axis=0, keepdims=True)
    bef = jnp.minimum(nfull, float(E - 1))
    nact = cpad[E - 1:E, 0:1] * (1.0 / BM)
    bef = jnp.where(bio >= float(NB_R), nact, bef)
    be_ref[...] = bef.astype(jnp.int32)


def _router_call(x, gate_W):
    return pl.pallas_call(
        _router_body,
        out_shape=[
            jax.ShapeDtypeStruct((1, T), jnp.int32),
            jax.ShapeDtypeStruct((1, T), jnp.int32),
            jax.ShapeDtypeStruct((1, T), jnp.float32),
            jax.ShapeDtypeStruct((1, T), jnp.float32),
            jax.ShapeDtypeStruct((1, NB_R + 1), jnp.int32),
        ],
    )(x, gate_W)


def _shared_body(xb_ref, wgs_ref, wus_ref, wds_ref, ysh_ref):
    xs = xb_ref[...]
    hg = lax.dot_general(xs, wgs_ref[0], (((1,), (1,)), ((), ())),
                         preferred_element_type=jnp.float32)
    hu = lax.dot_general(xs, wus_ref[0], (((1,), (1,)), ((), ())),
                         preferred_element_type=jnp.float32)
    act = (hg * (1.0 / (1.0 + jnp.exp(-hg))) * hu).astype(jnp.bfloat16)
    ysh_ref[...] = lax.dot_general(act, wds_ref[0], (((1,), (1,)), ((), ())),
                                   preferred_element_type=jnp.float32)


def _shared_call(x, Wg_sh, Wu_sh, Wd_sh):
    return pl.pallas_call(
        _shared_body,
        grid=(NB_S,),
        in_specs=[
            pl.BlockSpec((BM, H), lambda b: (b, 0)),
            pl.BlockSpec((1, I, H), lambda b: (0, 0, 0)),
            pl.BlockSpec((1, I, H), lambda b: (0, 0, 0)),
            pl.BlockSpec((1, H, I), lambda b: (0, 0, 0)),
        ],
        out_specs=pl.BlockSpec((BM, H), lambda b: (b, 0)),
        out_shape=jax.ShapeDtypeStruct((T, H), jnp.float32),
    )(x.astype(jnp.bfloat16), Wg_sh, Wu_sh, Wd_sh)


_SC_NC = 2
_SC_NS = 16
_NW = _SC_NC * _SC_NS
TPW = T // _NW
_DCH = 64


def _dispatch_body(x_hbm, p1_hbm, p2_hbm, xg_hbm, idx_v, buf_v, sem):
    wid = lax.axis_index("s") * _SC_NC + lax.axis_index("c")
    half = _NW // 2
    tb = jnp.where(wid < half, wid, wid - half) * (T // half)

    def _chunks(p_hbm):
        for c in range(T // half // _DCH):
            start = tb + c * _DCH
            pltpu.sync_copy(x_hbm.at[pl.ds(start, _DCH)], buf_v)
            pltpu.sync_copy(p_hbm.at[pl.ds(start, _DCH)], idx_v)
            pltpu.async_copy(buf_v, xg_hbm.at[idx_v], sem).wait()

    @pl.when(wid < half)
    def _():
        _chunks(p1_hbm)

    @pl.when(wid >= half)
    def _():
        _chunks(p2_hbm)


def _dispatch_call(x, pos1, pos2):
    return pl.kernel(
        _dispatch_body,
        mesh=plsc.VectorSubcoreMesh(core_axis_name="c", subcore_axis_name="s",
                                    num_cores=_SC_NC, num_subcores=_SC_NS),
        out_type=jax.ShapeDtypeStruct((NPAD, H), jnp.float32),
        scratch_types=[
            pltpu.VMEM((_DCH,), jnp.int32),
            pltpu.VMEM((_DCH, H), jnp.float32),
            pltpu.SemaphoreType.DMA,
        ],
    )(x, pos1, pos2)


def _mlp_body(be_ref, xg_ref, pos1_ref, pos2_ref, w1_ref, w2_ref,
              wg_ref, wu_ref, wd_ref, ys_ref):
    b = pl.program_id(0)

    @pl.when(b < be_ref[NB_R])
    def _routed():
        si = lax.broadcasted_iota(jnp.int32, (BM, 1), 0) + b * BM
        m1 = (pos1_ref[...] == si)
        m2 = (pos2_ref[...] == si)
        rw = jnp.sum(jnp.where(m1, w1_ref[...], 0.0) +
                     jnp.where(m2, w2_ref[...], 0.0), axis=1, keepdims=True)
        xs = xg_ref[...].astype(jnp.bfloat16)
        hg = lax.dot_general(xs, wg_ref[0], (((1,), (1,)), ((), ())),
                             preferred_element_type=jnp.float32)
        hu = lax.dot_general(xs, wu_ref[0], (((1,), (1,)), ((), ())),
                             preferred_element_type=jnp.float32)
        act = (hg * (1.0 / (1.0 + jnp.exp(-hg))) * hu).astype(jnp.bfloat16)
        out = lax.dot_general(act, wd_ref[0], (((1,), (1,)), ((), ())),
                              preferred_element_type=jnp.float32)
        ys_ref[...] = out * rw


def _mlp_call(be, xg, pos1, pos2, w1, w2, Wg, Wu, Wd):
    def _widx(b, be_ref):
        e = jnp.minimum(be_ref[jnp.minimum(b, NB_R - 1)], E - 1)
        return (e, 0, 0)

    grid_spec = pltpu.PrefetchScalarGridSpec(
        num_scalar_prefetch=1,
        grid=(NB_R,),
        in_specs=[
            pl.BlockSpec((BM, H), lambda b, be_ref: (b, 0)),
            pl.BlockSpec((1, T), lambda b, be_ref: (0, 0)),
            pl.BlockSpec((1, T), lambda b, be_ref: (0, 0)),
            pl.BlockSpec((1, T), lambda b, be_ref: (0, 0)),
            pl.BlockSpec((1, T), lambda b, be_ref: (0, 0)),
            pl.BlockSpec((1, I, H), _widx),
            pl.BlockSpec((1, I, H), _widx),
            pl.BlockSpec((1, H, I), _widx),
        ],
        out_specs=pl.BlockSpec((BM, H), lambda b, be_ref: (b, 0)),
    )
    return pl.pallas_call(
        _mlp_body,
        grid_spec=grid_spec,
        out_shape=jax.ShapeDtypeStruct((NPAD, H), jnp.float32),
    )(be, xg, pos1, pos2, w1, w2, Wg, Wu, Wd)


def _combine_body(ys_hbm, ysh_hbm, p1_hbm, p2_hbm, out_hbm,
                  idx_v, acc_v, buf_v, sem):
    wid = lax.axis_index("s") * _SC_NC + lax.axis_index("c")
    base = wid * TPW

    pltpu.sync_copy(ysh_hbm.at[pl.ds(base, TPW)], acc_v)

    def _accumulate(p_hbm):
        pltpu.sync_copy(p_hbm.at[pl.ds(base, TPW)], idx_v)
        pltpu.async_copy(ys_hbm.at[idx_v], buf_v, sem).wait()

        def _row(r, carry):
            for c in range(H // 16):
                sl = pl.ds(c * 16, 16)
                acc_v[r, sl] = acc_v[r, sl] + buf_v[r, sl]
            return carry
        lax.fori_loop(0, TPW, _row, 0)

    _accumulate(p1_hbm)
    _accumulate(p2_hbm)
    pltpu.sync_copy(acc_v, out_hbm.at[pl.ds(base, TPW)])


def _combine_call(ys, ysh, pos1, pos2):
    return pl.kernel(
        _combine_body,
        mesh=plsc.VectorSubcoreMesh(core_axis_name="c", subcore_axis_name="s",
                                    num_cores=_SC_NC, num_subcores=_SC_NS),
        out_type=jax.ShapeDtypeStruct((T, H), jnp.float32),
        scratch_types=[
            pltpu.VMEM((TPW,), jnp.int32),
            pltpu.VMEM((TPW, H), jnp.float32),
            pltpu.VMEM((TPW, H), jnp.float32),
            pltpu.SemaphoreType.DMA,
        ],
    )(ys, ysh, pos1, pos2)


def kernel(hidden_states, gate_W, Wg_sh, Wu_sh, Wd_sh, Wg, Wu, Wd):
    b, s, h = hidden_states.shape
    x = hidden_states.reshape(T, H)
    pos1, pos2, w1, w2, be = _router_call(x, gate_W)
    ysh = _shared_call(x, Wg_sh, Wu_sh, Wd_sh)
    p1f = pos1.reshape(T)
    p2f = pos2.reshape(T)
    xg = _dispatch_call(x, p1f, p2f)
    ys = _mlp_call(be.reshape(NB_R + 1), xg, pos1, pos2, w1, w2, Wg, Wu, Wd)
    out = _combine_call(ys, ysh, p1f, p2f)
    return out.reshape(b, s, h)

# --- scband reference (transcript-rebuilt; emitter-appended) ---
"""Pipeline reference for scband-deep-seek-mo-elayer-57999238365743 (READ-ONLY COPY).

The authoritative reference and input builder live on the scoring server;
editing this copy changes nothing except your own understanding.
"""

import jax, jax.numpy as jnp
import numpy as np

B, S, H = 1, 2048, 768
I = 1536
E = 8
TOP_K = 2
N_SHARED = 1
ROUTED_SCALE = 1.0


def setup_inputs(seed: int = 0) -> dict:
    key = jax.random.key(seed)
    ks = jax.random.split(key, 8)
    hidden_states = jax.random.normal(ks[0], (B, S, H), dtype=jnp.float32)
    gate_W = jax.random.normal(ks[1], (E, H), dtype=jnp.float32) * 0.02
    Wg_sh = jax.random.normal(ks[2], (N_SHARED, I, H), dtype=jnp.float32) * 0.02
    Wu_sh = jax.random.normal(ks[3], (N_SHARED, I, H), dtype=jnp.float32) * 0.02
    Wd_sh = jax.random.normal(ks[4], (N_SHARED, H, I), dtype=jnp.float32) * 0.02
    Wg = jax.random.normal(ks[5], (E, I, H), dtype=jnp.float32) * 0.02
    Wu = jax.random.normal(ks[6], (E, I, H), dtype=jnp.float32) * 0.02
    Wd = jax.random.normal(ks[7], (E, H, I), dtype=jnp.float32) * 0.02
    return {"hidden_states": hidden_states, "gate_W": gate_W, "Wg_sh": Wg_sh,
            "Wu_sh": Wu_sh, "Wd_sh": Wd_sh, "Wg": Wg, "Wu": Wu, "Wd": Wd}


def reference(hidden_states, gate_W, Wg_sh, Wu_sh, Wd_sh, Wg, Wu, Wd):
    b, s, h = hidden_states.shape
    xf = hidden_states.reshape(-1, h)  # [T, H]
    T = xf.shape[0]
    n_shared = Wg_sh.shape[0]
    n_exp = gate_W.shape[0]

    # ---- shared experts: always active, sum / N_shared ----
    hg_s = jnp.einsum('th,nih->tni', xf, Wg_sh)
    hu_s = jnp.einsum('th,nih->tni', xf, Wu_sh)
    act_s = jax.nn.silu(hg_s) * hu_s
    ys = jnp.einsum('tni,nhi->tnh', act_s, Wd_sh)
    shared_out = ys.sum(axis=1) / float(n_shared)

    # ---- router (token choice, softmax scoring) ----
    router_logits = xf @ gate_W.T  # [T, E]
    scores = jax.nn.softmax(router_logits, axis=-1)
    _, topk_idx = jax.lax.top_k(scores, TOP_K)  # selection on scores (no aux-free bias)
    topk_w = jnp.take_along_axis(scores, topk_idx, axis=-1)
    topk_w = topk_w / (topk_w.sum(axis=-1, keepdims=True) + 1e-8)
    topk_w = topk_w * ROUTED_SCALE

    # combine weights [T, E]: scatter-add top-k weights (SparseCore scatter)
    combine = jnp.zeros((T, n_exp), dtype=xf.dtype).at[
        jnp.arange(T)[:, None], topk_idx].add(topk_w)

    # ---- routed experts (dense dispatch/combine formulation, mathematically
    # identical to per-expert gather since no capacity/dropping) ----
    hg_r = jnp.einsum('th,eih->tei', xf, Wg)
    hu_r = jnp.einsum('th,eih->tei', xf, Wu)
    act_r = jax.nn.silu(hg_r) * hu_r
    yr = jnp.einsum('tei,ehi->teh', act_r, Wd)
    routed_out = jnp.einsum('teh,te->th', yr, combine)

    out = (shared_out + routed_out).reshape(b, s, h)
    return out

if __name__ == "__main__":
    import jax
    _d = setup_inputs()
    print(jax.jit(kernel)(*tuple(_d.values())))

</pallas_src>

<mosaic_0001>
#map = affine_map<(d0, d1) -> (0, 0)>
#map1 = affine_map<(d0, d1) -> (0)>
module attributes {stable_mosaic.version = 14 : i64} {
  func.func @_combine_body(%arg0: i32, %arg1: i32, %arg2: memref<6144x768xf32, #tpu.memory_space<hbm>>, %arg3: memref<2048x768xf32, #tpu.memory_space<hbm>>, %arg4: memref<2048xi32, #tpu.memory_space<hbm>>, %arg5: memref<2048xi32, #tpu.memory_space<hbm>>, %arg6: memref<2048x768xf32, #tpu.memory_space<hbm>>, %arg7: memref<64xi32, #tpu.memory_space<vmem>>, %arg8: memref<64x768xf32, #tpu.memory_space<vmem>>, %arg9: memref<64x768xf32, #tpu.memory_space<vmem>>, %arg10: memref<!tpu.dma_semaphore, #tpu.memory_space<semaphore_mem>>) attributes {dimension_semantics = [#tpu.dimension_semantics<core_parallel>, #tpu.dimension_semantics<subcore_parallel>], iteration_bounds = array<i64: 2, 16>, scalar_prefetch = 0 : i64, scratch_operands = 4 : i64, tpu.core_type = #tpu.core_type<sc_vector_subcore>, window_params = [{transform_indices = #map}, {transform_indices = #map}, {transform_indices = #map1}, {transform_indices = #map1}, {transform_indices = #map}]} {
    %mul3A = arith.constant 2 : i32
    %mul3A_0 = arith.muli %arg1, %mul3A : i32
    %add3A = arith.addi %mul3A_0, %arg0 : i32
    %mul3A_1 = arith.constant 64 : i32
    %mul3A_2 = arith.muli %add3A, %mul3A_1 : i32
    "tpu.region"() ({
      %run_scoped3A = tpu.sem_alloc : memref<!tpu.dma_semaphore, #tpu.memory_space<semaphore_mem>>
      %dma_start3A_24 = arith.constant 0 : i32
      %dma_start3A_25 = tpu.memref_slice %arg3[%mul3A_2, %dma_start3A_24] : memref<2048x768xf32, #tpu.memory_space<hbm>> -> memref<64x768xf32, #tpu.memory_space<hbm>>
      %dma_start3A_26 = arith.constant 0 : i32
      %dma_start3A_27 = tpu.memref_slice %arg3[%mul3A_2, %dma_start3A_26] : memref<2048x768xf32, #tpu.memory_space<hbm>> -> memref<64x768xf32, #tpu.memory_space<hbm>>
      tpu.enqueue_dma source(%dma_start3A_27 : memref<64x768xf32, #tpu.memory_space<hbm>>) target(%arg8 : memref<64x768xf32, #tpu.memory_space<vmem>>) target_semaphore(%run_scoped3A : memref<!tpu.dma_semaphore, #tpu.memory_space<semaphore_mem>>)
      %dma_wait3A_28 = arith.constant 0 : i32
      %dma_wait3A_29 = tpu.memref_slice %arg3[%mul3A_2, %dma_wait3A_28] : memref<2048x768xf32, #tpu.memory_space<hbm>> -> memref<64x768xf32, #tpu.memory_space<hbm>>
      %dma_wait3A_30 = arith.constant 0 : i32
      %dma_wait3A_31 = tpu.memref_slice %arg3[%mul3A_2, %dma_wait3A_30] : memref<2048x768xf32, #tpu.memory_space<hbm>> -> memref<64x768xf32, #tpu.memory_space<hbm>>
      tpu.wait_dma2 semaphore(%run_scoped3A : memref<!tpu.dma_semaphore, #tpu.memory_space<semaphore_mem>>) src(%dma_wait3A_31 : memref<64x768xf32, #tpu.memory_space<hbm>>) dst(%arg8 : memref<64x768xf32, #tpu.memory_space<vmem>>)
      tpu.yield
    }) : () -> ()
    "tpu.region"() ({
      %run_scoped3A = tpu.sem_alloc : memref<!tpu.dma_semaphore, #tpu.memory_space<semaphore_mem>>
      %dma_start3A_24 = tpu.memref_slice %arg4[%mul3A_2] : memref<2048xi32, #tpu.memory_space<hbm>> -> memref<64xi32, #tpu.memory_space<hbm>>
      %dma_start3A_25 = tpu.memref_slice %arg4[%mul3A_2] : memref<2048xi32, #tpu.memory_space<hbm>> -> memref<64xi32, #tpu.memory_space<hbm>>
      tpu.enqueue_dma source(%dma_start3A_25 : memref<64xi32, #tpu.memory_space<hbm>>) target(%arg7 : memref<64xi32, #tpu.memory_space<vmem>>) target_semaphore(%run_scoped3A : memref<!tpu.dma_semaphore, #tpu.memory_space<semaphore_mem>>)
      %dma_wait3A_26 = tpu.memref_slice %arg4[%mul3A_2] : memref<2048xi32, #tpu.memory_space<hbm>> -> memref<64xi32, #tpu.memory_space<hbm>>
      %dma_wait3A_27 = tpu.memref_slice %arg4[%mul3A_2] : memref<2048xi32, #tpu.memory_space<hbm>> -> memref<64xi32, #tpu.memory_space<hbm>>
      tpu.wait_dma2 semaphore(%run_scoped3A : memref<!tpu.dma_semaphore, #tpu.memory_space<semaphore_mem>>) src(%dma_wait3A_27 : memref<64xi32, #tpu.memory_space<hbm>>) dst(%arg7 : memref<64xi32, #tpu.memory_space<vmem>>)
      tpu.yield
    }) : () -> ()
    %dma_start3A = arith.constant 0 : i32
    %dma_start3A_3 = arith.constant 0 : i32
    %dma_start3A_4 = tpu.memref_slice %arg2[%dma_start3A, %dma_start3A_3] : memref<6144x768xf32, #tpu.memory_space<hbm>> -> memref<6144x768xf32, #tpu.memory_space<hbm>>
    tpu.enqueue_indirect_dma source(%dma_start3A_4 : memref<6144x768xf32, #tpu.memory_space<hbm>>) target(%arg9 : memref<64x768xf32, #tpu.memory_space<vmem>>) offsets(%arg7 : memref<64xi32, #tpu.memory_space<vmem>>) semaphore(%arg10 : memref<!tpu.dma_semaphore, #tpu.memory_space<semaphore_mem>>)
    %dma_wait3A = arith.constant 0 : i32
    %dma_wait3A_5 = arith.constant 0 : i32
    %dma_wait3A_6 = tpu.memref_slice %arg2[%dma_wait3A, %dma_wait3A_5] : memref<6144x768xf32, #tpu.memory_space<hbm>> -> memref<6144x768xf32, #tpu.memory_space<hbm>>
    tpu.wait_indirect_dma semaphore(%arg10 : memref<!tpu.dma_semaphore, #tpu.memory_space<semaphore_mem>>) src(%dma_wait3A_6 : memref<6144x768xf32, #tpu.memory_space<hbm>>) dst(%arg9 : memref<64x768xf32, #tpu.memory_space<vmem>>)
    %scan3A = arith.constant 0 : i32
    %scan3A_7 = arith.constant 0 : i32
    %scan3A_8 = arith.constant 64 : i32
    %scan3A_9 = arith.addi %scan3A_7, %scan3A_8 : i32
    %scan3A_10 = arith.constant 1 : i32
    scf.for %scan3A_24 = %scan3A_7 to %scan3A_9 step %scan3A_10  : i32 {
      %get3A = arith.index_cast %scan3A_24 : i32 to index
      %get3A_25 = arith.constant 0 : index
      %get3A_26 = tpu.vector_load %arg8[%get3A, %get3A_25] {strides = array<i32>} : memref<64x768xf32, #tpu.memory_space<vmem>>, vector<1x16xf32>,
      %get3A_27 = vector.shape_cast %get3A_26 : vector<1x16xf32> to vector<16xf32>
      %get3A_28 = arith.index_cast %scan3A_24 : i32 to index
      %get3A_29 = arith.constant 0 : index
      %get3A_30 = tpu.vector_load %arg9[%get3A_28, %get3A_29] {strides = array<i32>} : memref<64x768xf32, #tpu.memory_space<vmem>>, vector<1x16xf32>,
      %get3A_31 = vector.shape_cast %get3A_30 : vector<1x16xf32> to vector<16xf32>
      %add3A_32 = arith.addf %get3A_27, %get3A_31 : vector<16xf32>
      %swap3A = arith.index_cast %scan3A_24 : i32 to index
      %swap3A_33 = arith.constant 0 : index
      %swap3A_34 = tpu.vector_load %arg8[%swap3A, %swap3A_33] {strides = array<i32>} : memref<64x768xf32, #tpu.memory_space<vmem>>, vector<1x16xf32>,
      %swap3A_35 = vector.shape_cast %swap3A_34 : vector<1x16xf32> to vector<16xf32>
      %swap3A_36 = vector.shape_cast %add3A_32 : vector<16xf32> to vector<1x16xf32>
      tpu.vector_store %arg8[%swap3A, %swap3A_33], %swap3A_36 {strides = array<i32>} : memref<64x768xf32, #tpu.memory_space<vmem>>, vector<1x16xf32>,
      %get3A_37 = arith.index_cast %scan3A_24 : i32 to index
      %get3A_38 = arith.constant 16 : index
      %get3A_39 = tpu.vector_load %arg8[%get3A_37, %get3A_38] {strides = array<i32>} : memref<64x768xf32, #tpu.memory_space<vmem>>, vector<1x16xf32>,
      %get3A_40 = vector.shape_cast %get3A_39 : vector<1x16xf32> to vector<16xf32>
      %get3A_41 = arith.index_cast %scan3A_24 : i32 to index
      %get3A_42 = arith.constant 16 : index
      %get3A_43 = tpu.vector_load %arg9[%get3A_41, %get3A_42] {strides = array<i32>} : memref<64x768xf32, #tpu.memory_space<vmem>>, vector<1x16xf32>,
      %get3A_44 = vector.shape_cast %get3A_43 : vector<1x16xf32> to vector<16xf32>
      %add3A_45 = arith.addf %get3A_40, %get3A_44 : vector<16xf32>
      %swap3A_46 = arith.index_cast %scan3A_24 : i32 to index
      %swap3A_47 = arith.constant 16 : index
      %swap3A_48 = tpu.vector_load %arg8[%swap3A_46, %swap3A_47] {strides = array<i32>} : memref<64x768xf32, #tpu.memory_space<vmem>>, vector<1x16xf32>,
      %swap3A_49 = vector.shape_cast %swap3A_48 : vector<1x16xf32> to vector<16xf32>
      %swap3A_50 = vector.shape_cast %add3A_45 : vector<16xf32> to vector<1x16xf32>
      tpu.vector_store %arg8[%swap3A_46, %swap3A_47], %swap3A_50 {strides = array<i32>} : memref<64x768xf32, #tpu.memory_space<vmem>>, vector<1x16xf32>,
      %get3A_51 = arith.index_cast %scan3A_24 : i32 to index
      %get3A_52 = arith.constant 32 : index
      %get3A_53 = tpu.vector_load %arg8[%get3A_51, %get3A_52] {strides = array<i32>} : memref<64x768xf32, #tpu.memory_space<vmem>>, vector<1x16xf32>,
      %get3A_54 = vector.shape_cast %get3A_53 : vector<1x16xf32> to vector<16xf32>
      %get3A_55 = arith.index_cast %scan3A_24 : i32 to index
      %get3A_56 = arith.constant 32 : index
      %get3A_57 = tpu.vector_load %arg9[%get3A_55, %get3A_56] {strides = array<i32>} : memref<64x768xf32, #tpu.memory_space<vmem>>, vector<1x16xf32>,
      %get3A_58 = vector.shape_cast %get3A_57 : vector<1x16xf32> to vector<16xf32>
      %add3A_59 = arith.addf %get3A_54, %get3A_58 : vector<16xf32>
      %swap3A_60 = arith.index_cast %scan3A_24 : i32 to index
      %swap3A_61 = arith.constant 32 : index
      %swap3A_62 = tpu.vector_load %arg8[%swap3A_60, %swap3A_61] {strides = array<i32>} : memref<64x768xf32, #tpu.memory_space<vmem>>, vector<1x16xf32>,
      %swap3A_63 = vector.shape_cast %swap3A_62 : vector<1x16xf32> to vector<16xf32>
      %swap3A_64 = vector.shape_cast %add3A_59 : vector<16xf32> to vector<1x16xf32>
      tpu.vector_store %arg8[%swap3A_60, %swap3A_61], %swap3A_64 {strides = array<i32>} : memref<64x768xf32, #tpu.memory_space<vmem>>, vector<1x16xf32>,
      %get3A_65 = arith.index_cast %scan3A_24 : i32 to index
      %get3A_66 = arith.constant 48 : index
      %get3A_67 = tpu.vector_load %arg8[%get3A_65, %get3A_66] {strides = array<i32>} : memref<64x768xf32, #tpu.memory_space<vmem>>, vector<1x16xf32>,
      %get3A_68 = vector.shape_cast %get3A_67 : vector<1x16xf32> to vector<16xf32>
      %get3A_69 = arith.index_cast %scan3A_24 : i32 to index
      %get3A_70 = arith.constant 48 : index
      %get3A_71 = tpu.vector_load %arg9[%get3A_69, %get3A_70] {strides = array<i32>} : memref<64x768xf32, #tpu.memory_space<vmem>>, vector<1x16xf32>,
      %get3A_72 = vector.shape_cast %get3A_71 : vector<1x16xf32> to vector<16xf32>
      %add3A_73 = arith.addf %get3A_68, %get3A_72 : vector<16xf32>
      %swap3A_74 = arith.index_cast %scan3A_24 : i32 to index
      %swap3A_75 = arith.constant 48 : index
      %swap3A_76 = tpu.vector_load %arg8[%swap3A_74, %swap3A_75] {strides = array<i32>} : memref<64x768xf32, #tpu.memory_space<vmem>>, vector<1x16xf32>,
      %swap3A_77 = vector.shape_cast %swap3A_76 : vector<1x16xf32> to vector<16xf32>
      %swap3A_78 = vector.shape_cast %add3A_73 : vector<16xf32> to vector<1x16xf32>
      tpu.vector_store %arg8[%swap3A_74, %swap3A_75], %swap3A_78 {strides = array<i32>} : memref<64x768xf32, #tpu.memory_space<vmem>>, vector<1x16xf32>,
      %get3A_79 = arith.index_cast %scan3A_24 : i32 to index
      %get3A_80 = arith.constant 64 : index
      %get3A_81 = tpu.vector_load %arg8[%get3A_79, %get3A_80] {strides = array<i32>} : memref<64x768xf32, #tpu.memory_space<vmem>>, vector<1x16xf32>,
      %get3A_82 = vector.shape_cast %get3A_81 : vector<1x16xf32> to vector<16xf32>
      %get3A_83 = arith.index_cast %scan3A_24 : i32 to index
      %get3A_84 = arith.constant 64 : index
      %get3A_85 = tpu.vector_load %arg9[%get3A_83, %get3A_84] {strides = array<i32>} : memref<64x768xf32, #tpu.memory_space<vmem>>, vector<1x16xf32>,
      %get3A_86 = vector.shape_cast %get3A_85 : vector<1x16xf32> to vector<16xf32>
      %add3A_87 = arith.addf %get3A_82, %get3A_86 : vector<16xf32>
      %swap3A_88 = arith.index_cast %scan3A_24 : i32 to index
      %swap3A_89 = arith.constant 64 : index
      %swap3A_90 = tpu.vector_load %arg8[%swap3A_88, %swap3A_89] {strides = array<i32>} : memref<64x768xf32, #tpu.memory_space<vmem>>, vector<1x16xf32>,
      %swap3A_91 = vector.shape_cast %swap3A_90 : vector<1x16xf32> to vector<16xf32>
      %swap3A_92 = vector.shape_cast %add3A_87 : vector<16xf32> to vector<1x16xf32>
      tpu.vector_store %arg8[%swap3A_88, %swap3A_89], %swap3A_92 {strides = array<i32>} : memref<64x768xf32, #tpu.memory_space<vmem>>, vector<1x16xf32>,
      %get3A_93 = arith.index_cast %scan3A_24 : i32 to index
      %get3A_94 = arith.constant 80 : index
      %get3A_95 = tpu.vector_load %arg8[%get3A_93, %get3A_94] {strides = array<i32>} : memref<64x768xf32, #tpu.memory_space<vmem>>, vector<1x16xf32>,
      %get3A_96 = vector.shape_cast %get3A_95 : vector<1x16xf32> to vector<16xf32>
      %get3A_97 = arith.index_cast %scan3A_24 : i32 to index
      %get3A_98 = arith.constant 80 : index
      %get3A_99 = tpu.vector_load %arg9[%get3A_97, %get3A_98] {strides = array<i32>} : memref<64x768xf32, #tpu.memory_space<vmem>>, vector<1x16xf32>,
      %get3A_100 = vector.shape_cast %get3A_99 : vector<1x16xf32> to vector<16xf32>
      %add3A_101 = arith.addf %get3A_96, %get3A_100 : vector<16xf32>
      %swap3A_102 = arith.index_cast %scan3A_24 : i32 to index
      %swap3A_103 = arith.constant 80 : index
      %swap3A_104 = tpu.vector_load %arg8[%swap3A_102, %swap3A_103] {strides = array<i32>} : memref<64x768xf32, #tpu.memory_space<vmem>>, vector<1x16xf32>,
      %swap3A_105 = vector.shape_cast %swap3A_104 : vector<1x16xf32> to vector<16xf32>
      %swap3A_106 = vector.shape_cast %add3A_101 : vector<16xf32> to vector<1x16xf32>
      tpu.vector_store %arg8[%swap3A_102, %swap3A_103], %swap3A_106 {strides = array<i32>} : memref<64x768xf32, #tpu.memory_space<vmem>>, vector<1x16xf32>,
      %get3A_107 = arith.index_cast %scan3A_24 : i32 to index
      %get3A_108 = arith.constant 96 : index
      %get3A_109 = tpu.vector_load %arg8[%get3A_107, %get3A_108] {strides = array<i32>} : memref<64x768xf32, #tpu.memory_space<vmem>>, vector<1x16xf32>,
      %get3A_110 = vector.shape_cast %get3A_109 : vector<1x16xf32> to vector<16xf32>
      %get3A_111 = arith.index_cast %scan3A_24 : i32 to index
      %get3A_112 = arith.constant 96 : index
      %get3A_113 = tpu.vector_load %arg9[%get3A_111, %get3A_112] {strides = array<i32>} : memref<64x768xf32, #tpu.memory_space<vmem>>, vector<1x16xf32>,
      %get3A_114 = vector.shape_cast %get3A_113 : vector<1x16xf32> to vector<16xf32>
      %add3A_115 = arith.addf %get3A_110, %get3A_114 : vector<16xf32>
      %swap3A_116 = arith.index_cast %scan3A_24 : i32 to index
      %swap3A_117 = arith.constant 96 : index
      %swap3A_118 = tpu.vector_load %arg8[%swap3A_116, %swap3A_117] {strides = array<i32>} : memref<64x768xf32, #tpu.memory_space<vmem>>, vector<1x16xf32>,
      %swap3A_119 = vector.shape_cast %swap3A_118 : vector<1x16xf32> to vector<16xf32>
      %swap3A_120 = vector.shape_cast %add3A_115 : vector<16xf32> to vector<1x16xf32>
      tpu.vector_store %arg8[%swap3A_116, %swap3A_117], %swap3A_120 {strides = array<i32>} : memref<64x768xf32, #tpu.memory_space<vmem>>, vector<1x16xf32>,
      %get3A_121 = arith.index_cast %scan3A_24 : i32 to index
      %get3A_122 = arith.constant 112 : index
      %get3A_123 = tpu.vector_load %arg8[%get3A_121, %get3A_122] {strides = array<i32>} : memref<64x768xf32, #tpu.memory_space<vmem>>, vector<1x16xf32>,
      %get3A_124 = vector.shape_cast %get3A_123 : vector<1x16xf32> to vector<16xf32>
      %get3A_125 = arith.index_cast %scan3A_24 : i32 to index
      %get3A_126 = arith.constant 112 : index
      %get3A_127 = tpu.vector_load %arg9[%get3A_125, %get3A_126] {strides = array<i32>} : memref<64x768xf32, #tpu.memory_space<vmem>>, vector<1x16xf32>,
      %get3A_128 = vector.shape_cast %get3A_127 : vector<1x16xf32> to vector<16xf32>
      %add3A_129 = arith.addf %get3A_124, %get3A_128 : vector<16xf32>
      %swap3A_130 = arith.index_cast %scan3A_24 : i32 to index
      %swap3A_131 = arith.constant 112 : index
      %swap3A_132 = tpu.vector_load %arg8[%swap3A_130, %swap3A_131] {strides = array<i32>} : memref<64x768xf32, #tpu.memory_space<vmem>>, vector<1x16xf32>,
      %swap3A_133 = vector.shape_cast %swap3A_132 : vector<1x16xf32> to vector<16xf32>
      %swap3A_134 = vector.shape_cast %add3A_129 : vector<16xf32> to vector<1x16xf32>
      tpu.vector_store %arg8[%swap3A_130, %swap3A_131], %swap3A_134 {strides = array<i32>} : memref<64x768xf32, #tpu.memory_space<vmem>>, vector<1x16xf32>,
      %get3A_135 = arith.index_cast %scan3A_24 : i32 to index
      %get3A_136 = arith.constant 128 : index
      %get3A_137 = tpu.vector_load %arg8[%get3A_135, %get3A_136] {strides = array<i32>} : memref<64x768xf32, #tpu.memory_space<vmem>>, vector<1x16xf32>,
      %get3A_138 = vector.shape_cast %get3A_137 : vector<1x16xf32> to vector<16xf32>
      %get3A_139 = arith.index_cast %scan3A_24 : i32 to index
      %get3A_140 = arith.constant 128 : index
      %get3A_141 = tpu.vector_load %arg9[%get3A_139, %get3A_140] {strides = array<i32>} : memref<64x768xf32, #tpu.memory_space<vmem>>, vector<1x16xf32>,
      %get3A_142 = vector.shape_cast %get3A_141 : vector<1x16xf32> to vector<16xf32>
      %add3A_143 = arith.addf %get3A_138, %get3A_142 : vector<16xf32>
      %swap3A_144 = arith.index_cast %scan3A_24 : i32 to index
      %swap3A_145 = arith.constant 128 : index
      %swap3A_146 = tpu.vector_load %arg8[%swap3A_144, %swap3A_145] {strides = array<i32>} : memref<64x768xf32, #tpu.memory_space<vmem>>, vector<1x16xf32>,
      %swap3A_147 = vector.shape_cast %swap3A_146 : vector<1x16xf32> to vector<16xf32>
      %swap3A_148 = vector.shape_cast %add3A_143 : vector<16xf32> to vector<1x16xf32>
      tpu.vector_store %arg8[%swap3A_144, %swap3A_145], %swap3A_148 {strides = array<i32>} : memref<64x768xf32, #tpu.memory_space<vmem>>, vector<1x16xf32>,
      %get3A_149 = arith.index_cast %scan3A_24 : i32 to index
      %get3A_150 = arith.constant 144 : index
      %get3A_151 = tpu.vector_load %arg8[%get3A_149, %get3A_150] {strides = array<i32>} : memref<64x768xf32, #tpu.memory_space<vmem>>, vector<1x16xf32>,
      %get3A_152 = vector.shape_cast %get3A_151 : vector<1x16xf32> to vector<16xf32>
      %get3A_153 = arith.index_cast %scan3A_24 : i32 to index
      %get3A_154 = arith.constant 144 : index
      %get3A_155 = tpu.vector_load %arg9[%get3A_153, %get3A_154] {strides = array<i32>} : memref<64x768xf32, #tpu.memory_space<vmem>>, vector<1x16xf32>,
      %get3A_156 = vector.shape_cast %get3A_155 : vector<1x16xf32> to vector<16xf32>
      %add3A_157 = arith.addf %get3A_152, %get3A_156 : vector<16xf32>
      %swap3A_158 = arith.index_cast %scan3A_24 : i32 to index
      %swap3A_159 = arith.constant 144 : index
      %swap3A_160 = tpu.vector_load %arg8[%swap3A_158, %swap3A_159] {strides = array<i32>} : memref<64x768xf32, #tpu.memory_space<vmem>>, vector<1x16xf32>,
      %swap3A_161 = vector.shape_cast %swap3A_160 : vector<1x16xf32> to vector<16xf32>
      %swap3A_162 = vector.shape_cast %add3A_157 : vector<16xf32> to vector<1x16xf32>
      tpu.vector_store %arg8[%swap3A_158, %swap3A_159], %swap3A_162 {strides = array<i32>} : memref<64x768xf32, #tpu.memory_space<vmem>>, vector<1x16xf32>,
      %get3A_163 = arith.index_cast %scan3A_24 : i32 to index
      %get3A_164 = arith.constant 160 : index
      %get3A_165 = tpu.vector_load %arg8[%get3A_163, %get3A_164] {strides = array<i32>} : memref<64x768xf32, #tpu.memory_space<vmem>>, vector<1x16xf32>,
      %get3A_166 = vector.shape_cast %get3A_165 : vector<1x16xf32> to vector<16xf32>
      %get3A_167 = arith.index_cast %scan3A_24 : i32 to index
      %get3A_168 = arith.constant 160 : index
      %get3A_169 = tpu.vector_load %arg9[%get3A_167, %get3A_168] {strides = array<i32>} : memref<64x768xf32, #tpu.memory_space<vmem>>, vector<1x16xf32>,
      %get3A_170 = vector.shape_cast %get3A_169 : vector<1x16xf32> to vector<16xf32>
      %add3A_171 = arith.addf %get3A_166, %get3A_170 : vector<16xf32>
      %swap3A_172 = arith.index_cast %scan3A_24 : i32 to index
      %swap3A_173 = arith.constant 160 : index
      %swap3A_174 = tpu.vector_load %arg8[%swap3A_172, %swap3A_173] {strides = array<i32>} : memref<64x768xf32, #tpu.memory_space<vmem>>, vector<1x16xf32>,
      %swap3A_175 = vector.shape_cast %swap3A_174 : vector<1x16xf32> to vector<16xf32>
      %swap3A_176 = vector.shape_cast %add3A_171 : vector<16xf32> to vector<1x16xf32>
      tpu.vector_store %arg8[%swap3A_172, %swap3A_173], %swap3A_176 {strides = array<i32>} : memref<64x768xf32, #tpu.memory_space<vmem>>, vector<1x16xf32>,
      %get3A_177 = arith.index_cast %scan3A_24 : i32 to index
      %get3A_178 = arith.constant 176 : index
      %get3A_179 = tpu.vector_load %arg8[%get3A_177, %get3A_178] {strides = array<i32>} : memref<64x768xf32, #tpu.memory_space<vmem>>, vector<1x16xf32>,
      %get3A_180 = vector.shape_cast %get3A_179 : vector<1x16xf32> to vector<16xf32>
      %get3A_181 = arith.index_cast %scan3A_24 : i32 to index
      %get3A_182 = arith.constant 176 : index
      %get3A_183 = tpu.vector_load %arg9[%get3A_181, %get3A_182] {strides = array<i32>} : memref<64x768xf32, #tpu.memory_space<vmem>>, vector<1x16xf32>,
      %get3A_184 = vector.shape_cast %get3A_183 : vector<1x16xf32> to vector<16xf32>
      %add3A_185 = arith.addf %get3A_180, %get3A_184 : vector<16xf32>
      %swap3A_186 = arith.index_cast %scan3A_24 : i32 to index
      %swap3A_187 = arith.constant 176 : index
      %swap3A_188 = tpu.vector_load %arg8[%swap3A_186, %swap3A_187] {strides = array<i32>} : memref<64x768xf32, #tpu.memory_space<vmem>>, vector<1x16xf32>,
      %swap3A_189 = vector.shape_cast %swap3A_188 : vector<1x16xf32> to vector<16xf32>
      %swap3A_190 = vector.shape_cast %add3A_185 : vector<16xf32> to vector<1x16xf32>
      tpu.vector_store %arg8[%swap3A_186, %swap3A_187], %swap3A_190 {strides = array<i32>} : memref<64x768xf32, #tpu.memory_space<vmem>>, vector<1x16xf32>,
      %get3A_191 = arith.index_cast %scan3A_24 : i32 to index
      %get3A_192 = arith.constant 192 : index
      %get3A_193 = tpu.vector_load %arg8[%get3A_191, %get3A_192] {strides = array<i32>} : memref<64x768xf32, #tpu.memory_space<vmem>>, vector<1x16xf32>,
      %get3A_194 = vector.shape_cast %get3A_193 : vector<1x16xf32> to vector<16xf32>
      %get3A_195 = arith.index_cast %scan3A_24 : i32 to index
      %get3A_196 = arith.constant 192 : index
      %get3A_197 = tpu.vector_load %arg9[%get3A_195, %get3A_196] {strides = array<i32>} : memref<64x768xf32, #tpu.memory_space<vmem>>, vector<1x16xf32>,
      %get3A_198 = vector.shape_cast %get3A_197 : vector<1x16xf32> to vector<16xf32>
      %add3A_199 = arith.addf %get3A_194, %get3A_198 : vector<16xf32>
      %swap3A_200 = arith.index_cast %scan3A_24 : i32 to index
      %swap3A_201 = arith.constant 192 : index
      %swap3A_202 = tpu.vector_load %arg8[%swap3A_200, %swap3A_201] {strides = array<i32>} : memref<64x768xf32, #tpu.memory_space<vmem>>, vector<1x16xf32>,
      %swap3A_203 = vector.shape_cast %swap3A_202 : vector<1x16xf32> to vector<16xf32>
      %swap3A_204 = vector.shape_cast %add3A_199 : vector<16xf32> to vector<1x16xf32>
      tpu.vector_store %arg8[%swap3A_200, %swap3A_201], %swap3A_204 {strides = array<i32>} : memref<64x768xf32, #tpu.memory_space<vmem>>, vector<1x16xf32>,
      %get3A_205 = arith.index_cast %scan3A_24 : i32 to index
      %get3A_206 = arith.constant 208 : index
      %get3A_207 = tpu.vector_load %arg8[%get3A_205, %get3A_206] {strides = array<i32>} : memref<64x768xf32, #tpu.memory_space<vmem>>, vector<1x16xf32>,
      %get3A_208 = vector.shape_cast %get3A_207 : vector<1x16xf32> to vector<16xf32>
      %get3A_209 = arith.index_cast %scan3A_24 : i32 to index
      %get3A_210 = arith.constant 208 : index
      %get3A_211 = tpu.vector_load %arg9[%get3A_209, %get3A_210] {strides = array<i32>} : memref<64x768xf32, #tpu.memory_space<vmem>>, vector<1x16xf32>,
      %get3A_212 = vector.shape_cast %get3A_211 : vector<1x16xf32> to vector<16xf32>
      %add3A_213 = arith.addf %get3A_208, %get3A_212 : vector<16xf32>
      %swap3A_214 = arith.index_cast %scan3A_24 : i32 to index
      %swap3A_215 = arith.constant 208 : index
      %swap3A_216 = tpu.vector_load %arg8[%swap3A_214, %swap3A_215] {strides = array<i32>} : memref<64x768xf32, #tpu.memory_space<vmem>>, vector<1x16xf32>,
      %swap3A_217 = vector.shape_cast %swap3A_216 : vector<1x16xf32> to vector<16xf32>
      %swap3A_218 = vector.shape_cast %add3A_213 : vector<16xf32> to vector<1x16xf32>
      tpu.vector_store %arg8[%swap3A_214, %swap3A_215], %swap3A_218 {strides = array<i32>} : memref<64x768xf32, #tpu.memory_space<vmem>>, vector<1x16xf32>,
      %get3A_219 = arith.index_cast %scan3A_24 : i32 to index
      %get3A_220 = arith.constant 224 : index
      %get3A_221 = tpu.vector_load %arg8[%get3A_219, %get3A_220] {strides = array<i32>} : memref<64x768xf32, #tpu.memory_space<vmem>>, vector<1x16xf32>,
      %get3A_222 = vector.shape_cast %get3A_221 : vector<1x16xf32> to vector<16xf32>
      %get3A_223 = arith.index_cast %scan3A_24 : i32 to index
      %get3A_224 = arith.constant 224 : index
      %get3A_225 = tpu.vector_load %arg9[%get3A_223, %get3A_224] {strides = array<i32>} : memref<64x768xf32, #tpu.memory_space<vmem>>, vector<1x16xf32>,
      %get3A_226 = vector.shape_cast %get3A_225 : vector<1x16xf32> to vector<16xf32>
      %add3A_227 = arith.addf %get3A_222, %get3A_226 : vector<16xf32>
      %swap3A_228 = arith.index_cast %scan3A_24 : i32 to index
      %swap3A_229 = arith.constant 224 : index
      %swap3A_230 = tpu.vector_load %arg8[%swap3A_228, %swap3A_229] {strides = array<i32>} : memref<64x768xf32, #tpu.memory_space<vmem>>, vector<1x16xf32>,
      %swap3A_231 = vector.shape_cast %swap3A_230 : vector<1x16xf32> to vector<16xf32>
      %swap3A_232 = vector.shape_cast %add3A_227 : vector<16xf32> to vector<1x16xf32>
      tpu.vector_store %arg8[%swap3A_228, %swap3A_229], %swap3A_232 {strides = array<i32>} : memref<64x768xf32, #tpu.memory_space<vmem>>, vector<1x16xf32>,
      %get3A_233 = arith.index_cast %scan3A_24 : i32 to index
      %get3A_234 = arith.constant 240 : index
      %get3A_235 = tpu.vector_load %arg8[%get3A_233, %get3A_234] {strides = array<i32>} : memref<64x768xf32, #tpu.memory_space<vmem>>, vector<1x16xf32>,
      %get3A_236 = vector.shape_cast %get3A_235 : vector<1x16xf32> to vector<16xf32>
      %get3A_237 = arith.index_cast %scan3A_24 : i32 to index
      %get3A_238 = arith.constant 240 : index
      %get3A_239 = tpu.vector_load %arg9[%get3A_237, %get3A_238] {strides = array<i32>} : memref<64x768xf32, #tpu.memory_space<vmem>>, vector<1x16xf32>,
      %get3A_240 = vector.shape_cast %get3A_239 : vector<1x16xf32> to vector<16xf32>
      %add3A_241 = arith.addf %get3A_236, %get3A_240 : vector<16xf32>
      %swap3A_242 = arith.index_cast %scan3A_24 : i32 to index
      %swap3A_243 = arith.constant 240 : index
      %swap3A_244 = tpu.vector_load %arg8[%swap3A_242, %swap3A_243] {strides = array<i32>} : memref<64x768xf32, #tpu.memory_space<vmem>>, vector<1x16xf32>,
      %swap3A_245 = vector.shape_cast %swap3A_244 : vector<1x16xf32> to vector<16xf32>
      %swap3A_246 = vector.shape_cast %add3A_241 : vector<16xf32> to vector<1x16xf32>
      tpu.vector_store %arg8[%swap3A_242, %swap3A_243], %swap3A_246 {strides = array<i32>} : memref<64x768xf32, #tpu.memory_space<vmem>>, vector<1x16xf32>,
      %get3A_247 = arith.index_cast %scan3A_24 : i32 to index
      %get3A_248 = arith.constant 256 : index
      %get3A_249 = tpu.vector_load %arg8[%get3A_247, %get3A_248] {strides = array<i32>} : memref<64x768xf32, #tpu.memory_space<vmem>>, vector<1x16xf32>,
      %get3A_250 = vector.shape_cast %get3A_249 : vector<1x16xf32> to vector<16xf32>
      %get3A_251 = arith.index_cast %scan3A_24 : i32 to index
      %get3A_252 = arith.constant 256 : index
      %get3A_253 = tpu.vector_load %arg9[%get3A_251, %get3A_252] {strides = array<i32>} : memref<64x768xf32, #tpu.memory_space<vmem>>, vector<1x16xf32>,
      %get3A_254 = vector.shape_cast %get3A_253 : vector<1x16xf32> to vector<16xf32>
      %add3A_255 = arith.addf %get3A_250, %get3A_254 : vector<16xf32>
      %swap3A_256 = arith.index_cast %scan3A_24 : i32 to index
      %swap3A_257 = arith.constant 256 : index
      %swap3A_258 = tpu.vector_load %arg8[%swap3A_256, %swap3A_257] {strides = array<i32>} : memref<64x768xf32, #tpu.memory_space<vmem>>, vector<1x16xf32>,
      %swap3A_259 = vector.shape_cast %swap3A_258 : vector<1x16xf32> to vector<16xf32>
      %swap3A_260 = vector.shape_cast %add3A_255 : vector<16xf32> to vector<1x16xf32>
      tpu.vector_store %arg8[%swap3A_256, %swap3A_257], %swap3A_260 {strides = array<i32>} : memref<64x768xf32, #tpu.memory_space<vmem>>, vector<1x16xf32>,
      %get3A_261 = arith.index_cast %scan3A_24 : i32 to index
      %get3A_262 = arith.constant 272 : index
      %get3A_263 = tpu.vector_load %arg8[%get3A_261, %get3A_262] {strides = array<i32>} : memref<64x768xf32, #tpu.memory_space<vmem>>, vector<1x16xf32>,
      %get3A_264 = vector.shape_cast %get3A_263 : vector<1x16xf32> to vector<16xf32>
      %get3A_265 = arith.index_cast %scan3A_24 : i32 to index
      %get3A_266 = arith.constant 272 : index
      %get3A_267 = tpu.vector_load %arg9[%get3A_265, %get3A_266] {strides = array<i32>} : memref<64x768xf32, #tpu.memory_space<vmem>>, vector<1x16xf32>,
      %get3A_268 = vector.shape_cast %get3A_267 : vector<1x16xf32> to vector<16xf32>
      %add3A_269 = arith.addf %get3A_264, %get3A_268 : vector<16xf32>
      %swap3A_270 = arith.index_cast %scan3A_24 : i32 to index
      %swap3A_271 = arith.constant 272 : index
      %swap3A_272 = tpu.vector_load %arg8[%swap3A_270, %swap3A_271] {strides = array<i32>} : memref<64x768xf32, #tpu.memory_space<vmem>>, vector<1x16xf32>,
      %swap3A_273 = vector.shape_cast %swap3A_272 : vector<1x16xf32> to vector<16xf32>
      %swap3A_274 = vector.shape_cast %add3A_269 : vector<16xf32> to vector<1x16xf32>
      tpu.vector_store %arg8[%swap3A_270, %swap3A_271], %swap3A_274 {strides = array<i32>} : memref<64x768xf32, #tpu.memory_space<vmem>>, vector<1x16xf32>,
      %get3A_275 = arith.index_cast %scan3A_24 : i32 to index
      %get3A_276 = arith.constant 288 : index
      %get3A_277 = tpu.vector_load %arg8[%get3A_275, %get3A_276] {strides = array<i32>} : memref<64x768xf32, #tpu.memory_space<vmem>>, vector<1x16xf32>,
      %get3A_278 = vector.shape_cast %get3A_277 : vector<1x16xf32> to vector<16xf32>
      %get3A_279 = arith.index_cast %scan3A_24 : i32 to index
      %get3A_280 = arith.constant 288 : index
      %get3A_281 = tpu.vector_load %arg9[%get3A_279, %get3A_280] {strides = array<i32>} : memref<64x768xf32, #tpu.memory_space<vmem>>, vector<1x16xf32>,
      %get3A_282 = vector.shape_cast %get3A_281 : vector<1x16xf32> to vector<16xf32>
      %add3A_283 = arith.addf %get3A_278, %get3A_282 : vector<16xf32>
      %swap3A_284 = arith.index_cast %scan3A_24 : i32 to index
      %swap3A_285 = arith.constant 288 : index
      %swap3A_286 = tpu.vector_load %arg8[%swap3A_284, %swap3A_285] {strides = array<i32>} : memref<64x768xf32, #tpu.memory_space<vmem>>, vector<1x16xf32>,
      %swap3A_287 = vector.shape_cast %swap3A_286 : vector<1x16xf32> to vector<16xf32>
      %swap3A_288 = vector.shape_cast %add3A_283 : vector<16xf32> to vector<1x16xf32>
      tpu.vector_store %arg8[%swap3A_284, %swap3A_285], %swap3A_288 {strides = array<i32>} : memref<64x768xf32, #tpu.memory_space<vmem>>, vector<1x16xf32>,
      %get3A_289 = arith.index_cast %scan3A_24 : i32 to index
      %get3A_290 = arith.constant 304 : index
      %get3A_291 = tpu.vector_load %arg8[%get3A_289, %get3A_290] {strides = array<i32>} : memref<64x768xf32, #tpu.memory_space<vmem>>, vector<1x16xf32>,
      %get3A_292 = vector.shape_cast %get3A_291 : vector<1x16xf32> to vector<16xf32>
      %get3A_293 = arith.index_cast %scan3A_24 : i32 to index
      %get3A_294 = arith.constant 304 : index
      %get3A_295 = tpu.vector_load %arg9[%get3A_293, %get3A_294] {strides = array<i32>} : memref<64x768xf32, #tpu.memory_space<vmem>>, vector<1x16xf32>,
      %get3A_296 = vector.shape_cast %get3A_295 : vector<1x16xf32> to vector<16xf32>
      %add3A_297 = arith.addf %get3A_292, %get3A_296 : vector<16xf32>
      %swap3A_298 = arith.index_cast %scan3A_24 : i32 to index
      %swap3A_299 = arith.constant 304 : index
      %swap3A_300 = tpu.vector_load %arg8[%swap3A_298, %swap3A_299] {strides = array<i32>} : memref<64x768xf32, #tpu.memory_space<vmem>>, vector<1x16xf32>,
      %swap3A_301 = vector.shape_cast %swap3A_300 : vector<1x16xf32> to vector<16xf32>
      %swap3A_302 = vector.shape_cast %add3A_297 : vector<16xf32> to vector<1x16xf32>
      tpu.vector_store %arg8[%swap3A_298, %swap3A_299], %swap3A_302 {strides = array<i32>} : memref<64x768xf32, #tpu.memory_space<vmem>>, vector<1x16xf32>,
      %get3A_303 = arith.index_cast %scan3A_24 : i32 to index
      %get3A_304 = arith.constant 320 : index
      %get3A_305 = tpu.vector_load %arg8[%get3A_303, %get3A_304] {strides = array<i32>} : memref<64x768xf32, #tpu.memory_space<vmem>>, vector<1x16xf32>,
      %get3A_306 = vector.shape_cast %get3A_305 : vector<1x16xf32> to vector<16xf32>
      %get3A_307 = arith.index_cast %scan3A_24 : i32 to index
      %get3A_308 = arith.constant 320 : index
      %get3A_309 = tpu.vector_load %arg9[%get3A_307, %get3A_308] {strides = array<i32>} : memref<64x768xf32, #tpu.memory_space<vmem>>, vector<1x16xf32>,
      %get3A_310 = vector.shape_cast %get3A_309 : vector<1x16xf32> to vector<16xf32>
      %add3A_311 = arith.addf %get3A_306, %get3A_310 : vector<16xf32>
      %swap3A_312 = arith.index_cast %scan3A_24 : i32 to index
      %swap3A_313 = arith.constant 320 : index
      %swap3A_314 = tpu.vector_load %arg8[%swap3A_312, %swap3A_313] {strides = array<i32>} : memref<64x768xf32, #tpu.memory_space<vmem>>, vector<1x16xf32>,
      %swap3A_315 = vector.shape_cast %swap3A_314 : vector<1x16xf32> to vector<16xf32>
      %swap3A_316 = vector.shape_cast %add3A_311 : vector<16xf32> to vector<1x16xf32>
      tpu.vector_store %arg8[%swap3A_312, %swap3A_313], %swap3A_316 {strides = array<i32>} : memref<64x768xf32, #tpu.memory_space<vmem>>, vector<1x16xf32>,
      %get3A_317 = arith.index_cast %scan3A_24 : i32 to index
      %get3A_318 = arith.constant 336 : index
      %get3A_319 = tpu.vector_load %arg8[%get3A_317, %get3A_318] {strides = array<i32>} : memref<64x768xf32, #tpu.memory_space<vmem>>, vector<1x16xf32>,
      %get3A_320 = vector.shape_cast %get3A_319 : vector<1x16xf32> to vector<16xf32>
      %get3A_321 = arith.index_cast %scan3A_24 : i32 to index
      %get3A_322 = arith.constant 336 : index
      %get3A_323 = tpu.vector_load %arg9[%get3A_321, %get3A_322] {strides = array<i32>} : memref<64x768xf32, #tpu.memory_space<vmem>>, vector<1x16xf32>,
      %get3A_324 = vector.shape_cast %get3A_323 : vector<1x16xf32> to vector<16xf32>
      %add3A_325 = arith.addf %get3A_320, %get3A_324 : vector<16xf32>
      %swap3A_326 = arith.index_cast %scan3A_24 : i32 to index
      %swap3A_327 = arith.constant 336 : index
      %swap3A_328 = tpu.vector_load %arg8[%swap3A_326, %swap3A_327] {strides = array<i32>} : memref<64x768xf32, #tpu.memory_space<vmem>>, vector<1x16xf32>,
      %swap3A_329 = vector.shape_cast %swap3A_328 : vector<1x16xf32> to vector<16xf32>
      %swap3A_330 = vector.shape_cast %add3A_325 : vector<16xf32> to vector<1x16xf32>
      tpu.vector_store %arg8[%swap3A_326, %swap3A_327], %swap3A_330 {strides = array<i32>} : memref<64x768xf32, #tpu.memory_space<vmem>>, vector<1x16xf32>,
      %get3A_331 = arith.index_cast %scan3A_24 : i32 to index
      %get3A_332 = arith.constant 352 : index
      %get3A_333 = tpu.vector_load %arg8[%get3A_331, %get3A_332] {strides = array<i32>} : memref<64x768xf32, #tpu.memory_space<vmem>>, vector<1x16xf32>,
      %get3A_334 = vector.shape_cast %get3A_333 : vector<1x16xf32> to vector<16xf32>
      %get3A_335 = arith.index_cast %scan3A_24 : i32 to index
      %get3A_336 = arith.constant 352 : index
      %get3A_337 = tpu.vector_load %arg9[%get3A_335, %get3A_336] {strides = array<i32>} : memref<64x768xf32, #tpu.memory_space<vmem>>, vector<1x16xf32>,
      %get3A_338 = vector.shape_cast %get3A_337 : vector<1x16xf32> to vector<16xf32>
      %add3A_339 = arith.addf %get3A_334, %get3A_338 : vector<16xf32>
      %swap3A_340 = arith.index_cast %scan3A_24 : i32 to index
      %swap3A_341 = arith.constant 352 : index
      %swap3A_342 = tpu.vector_load %arg8[%swap3A_340, %swap3A_341] {strides = array<i32>} : memref<64x768xf32, #tpu.memory_space<vmem>>, vector<1x16xf32>,
      %swap3A_343 = vector.shape_cast %swap3A_342 : vector<1x16xf32> to vector<16xf32>
      %swap3A_344 = vector.shape_cast %add3A_339 : vector<16xf32> to vector<1x16xf32>
      tpu.vector_store %arg8[%swap3A_340, %swap3A_341], %swap3A_344 {strides = array<i32>} : memref<64x768xf32, #tpu.memory_space<vmem>>, vector<1x16xf32>,
      %get3A_345 = arith.index_cast %scan3A_24 : i32 to index
      %get3A_346 = arith.constant 368 : index
      %get3A_347 = tpu.vector_load %arg8[%get3A_345, %get3A_346] {strides = array<i32>} : memref<64x768xf32, #tpu.memory_space<vmem>>, vector<1x16xf32>,
      %get3A_348 = vector.shape_cast %get3A_347 : vector<1x16xf32> to vector<16xf32>
      %get3A_349 = arith.index_cast %scan3A_24 : i32 to index
      %get3A_350 = arith.constant 368 : index
      %get3A_351 = tpu.vector_load %arg9[%get3A_349, %get3A_350] {strides = array<i32>} : memref<64x768xf32, #tpu.memory_space<vmem>>, vector<1x16xf32>,
      %get3A_352 = vector.shape_cast %get3A_351 : vector<1x16xf32> to vector<16xf32>
      %add3A_353 = arith.addf %get3A_348, %get3A_352 : vector<16xf32>
      %swap3A_354 = arith.index_cast %scan3A_24 : i32 to index
      %swap3A_355 = arith.constant 368 : index
      %swap3A_356 = tpu.vector_load %arg8[%swap3A_354, %swap3A_355] {strides = array<i32>} : memref<64x768xf32, #tpu.memory_space<vmem>>, vector<1x16xf32>,
      %swap3A_357 = vector.shape_cast %swap3A_356 : vector<1x16xf32> to vector<16xf32>
      %swap3A_358 = vector.shape_cast %add3A_353 : vector<16xf32> to vector<1x16xf32>
      tpu.vector_store %arg8[%swap3A_354, %swap3A_355], %swap3A_358 {strides = array<i32>} : memref<64x768xf32, #tpu.memory_space<vmem>>, vector<1x16xf32>,
      %get3A_359 = arith.index_cast %scan3A_24 : i32 to index
      %get3A_360 = arith.constant 384 : index
      %get3A_361 = tpu.vector_load %arg8[%get3A_359, %get3A_360] {strides = array<i32>} : memref<64x768xf32, #tpu.memory_space<vmem>>, vector<1x16xf32>,
      %get3A_362 = vector.shape_cast %get3A_361 : vector<1x16xf32> to vector<16xf32>
      %get3A_363 = arith.index_cast %scan3A_24 : i32 to index
      %get3A_364 = arith.constant 384 : index
      %get3A_365 = tpu.vector_load %arg9[%get3A_363, %get3A_364] {strides = array<i32>} : memref<64x768xf32, #tpu.memory_space<vmem>>, vector<1x16xf32>,
      %get3A_366 = vector.shape_cast %get3A_365 : vector<1x16xf32> to vector<16xf32>
      %add3A_367 = arith.addf %get3A_362, %get3A_366 : vector<16xf32>
      %swap3A_368 = arith.index_cast %scan3A_24 : i32 to index
      %swap3A_369 = arith.constant 384 : index
      %swap3A_370 = tpu.vector_load %arg8[%swap3A_368, %swap3A_369] {strides = array<i32>} : memref<64x768xf32, #tpu.memory_space<vmem>>, vector<1x16xf32>,
      %swap3A_371 = vector.shape_cast %swap3A_370 : vector<1x16xf32> to vector<16xf32>
      %swap3A_372 = vector.shape_cast %add3A_367 : vector<16xf32> to vector<1x16xf32>
      tpu.vector_store %arg8[%swap3A_368, %swap3A_369], %swap3A_372 {strides = array<i32>} : memref<64x768xf32, #tpu.memory_space<vmem>>, vector<1x16xf32>,
      %get3A_373 = arith.index_cast %scan3A_24 : i32 to index
      %get3A_374 = arith.constant 400 : index
      %get3A_375 = tpu.vector_load %arg8[%get3A_373, %get3A_374] {strides = array<i32>} : memref<64x768xf32, #tpu.memory_space<vmem>>, vector<1x16xf32>,
      %get3A_376 = vector.shape_cast %get3A_375 : vector<1x16xf32> to vector<16xf32>
      %get3A_377 = arith.index_cast %scan3A_24 : i32 to index
      %get3A_378 = arith.constant 400 : index
      %get3A_379 = tpu.vector_load %arg9[%get3A_377, %get3A_378] {strides = array<i32>} : memref<64x768xf32, #tpu.memory_space<vmem>>, vector<1x16xf32>,
      %get3A_380 = vector.shape_cast %get3A_379 : vector<1x16xf32> to vector<16xf32>
      %add3A_381 = arith.addf %get3A_376, %get3A_380 : vector<16xf32>
      %swap3A_382 = arith.index_cast %scan3A_24 : i32 to index
      %swap3A_383 = arith.constant 400 : index
      %swap3A_384 = tpu.vector_load %arg8[%swap3A_382, %swap3A_383] {strides = array<i32>} : memref<64x768xf32, #tpu.memory_space<vmem>>, vector<1x16xf32>,
      %swap3A_385 = vector.shape_cast %swap3A_384 : vector<1x16xf32> to vector<16xf32>
      %swap3A_386 = vector.shape_cast %add3A_381 : vector<16xf32> to vector<1x16xf32>
      tpu.vector_store %arg8[%swap3A_382, %swap3A_383], %swap3A_386 {strides = array<i32>} : memref<64x768xf32, #tpu.memory_space<vmem>>, vector<1x16xf32>,
      %get3A_387 = arith.index_cast %scan3A_24 : i32 to index
      %get3A_388 = arith.constant 416 : index
      %get3A_389 = tpu.vector_load %arg8[%get3A_387, %get3A_388] {strides = array<i32>} : memref<64x768xf32, #tpu.memory_space<vmem>>, vector<1x16xf32>,
      %get3A_390 = vector.shape_cast %get3A_389 : vector<1x16xf32> to vector<16xf32>
      %get3A_391 = arith.index_cast %scan3A_24 : i32 to index
      %get3A_392 = arith.constant 416 : index
      %get3A_393 = tpu.vector_load %arg9[%get3A_391, %get3A_392] {strides = array<i32>} : memref<64x768xf32, #tpu.memory_space<vmem>>, vector<1x16xf32>,
      %get3A_394 = vector.shape_cast %get3A_393 : vector<1x16xf32> to vector<16xf32>
      %add3A_395 = arith.addf %get3A_390, %get3A_394 : vector<16xf32>
      %swap3A_396 = arith.index_cast %scan3A_24 : i32 to index
      %swap3A_397 = arith.constant 416 : index
      %swap3A_398 = tpu.vector_load %arg8[%swap3A_396, %swap3A_397] {strides = array<i32>} : memref<64x768xf32, #tpu.memory_space<vmem>>, vector<1x16xf32>,
      %swap3A_399 = vector.shape_cast %swap3A_398 : vector<1x16xf32> to vector<16xf32>
      %swap3A_400 = vector.shape_cast %add3A_395 : vector<16xf32> to vector<1x16xf32>
      tpu.vector_store %arg8[%swap3A_396, %swap3A_397], %swap3A_400 {strides = array<i32>} : memref<64x768xf32, #tpu.memory_space<vmem>>, vector<1x16xf32>,
      %get3A_401 = arith.index_cast %scan3A_24 : i32 to index
      %get3A_402 = arith.constant 432 : index
      %get3A_403 = tpu.vector_load %arg8[%get3A_401, %get3A_402] {strides = array<i32>} : memref<64x768xf32, #tpu.memory_space<vmem>>, vector<1x16xf32>,
      %get3A_404 = vector.shape_cast %get3A_403 : vector<1x16xf32> to vector<16xf32>
      %get3A_405 = arith.index_cast %scan3A_24 : i32 to index
      %get3A_406 = arith.constant 432 : index
      %get3A_407 = tpu.vector_load %arg9[%get3A_405, %get3A_406] {strides = array<i32>} : memref<64x768xf32, #tpu.memory_space<vmem>>, vector<1x16xf32>,
      %get3A_408 = vector.shape_cast %get3A_407 : vector<1x16xf32> to vector<16xf32>
      %add3A_409 = arith.addf %get3A_404, %get3A_408 : vector<16xf32>
      %swap3A_410 = arith.index_cast %scan3A_24 : i32 to index
      %swap3A_411 = arith.constant 432 : index
      %swap3A_412 = tpu.vector_load %arg8[%swap3A_410, %swap3A_411] {strides = array<i32>} : memref<64x768xf32, #tpu.memory_space<vmem>>, vector<1x16xf32>,
      %swap3A_413 = vector.shape_cast %swap3A_412 : vector<1x16xf32> to vector<16xf32>
      %swap3A_414 = vector.shape_cast %add3A_409 : vector<16xf32> to vector<1x16xf32>
      tpu.vector_store %arg8[%swap3A_410, %swap3A_411], %swap3A_414 {strides = array<i32>} : memref<64x768xf32, #tpu.memory_space<vmem>>, vector<1x16xf32>,
      %get3A_415 = arith.index_cast %scan3A_24 : i32 to index
      %get3A_416 = arith.constant 448 : index
      %get3A_417 = tpu.vector_load %arg8[%get3A_415, %get3A_416] {strides = array<i32>} : memref<64x768xf32, #tpu.memory_space<vmem>>, vector<1x16xf32>,
      %get3A_418 = vector.shape_cast %get3A_417 : vector<1x16xf32> to vector<16xf32>
      %get3A_419 = arith.index_cast %scan3A_24 : i32 to index
      %get3A_420 = arith.constant 448 : index
      %get3A_421 = tpu.vector_load %arg9[%get3A_419, %get3A_420] {strides = array<i32>} : memref<64x768xf32, #tpu.memory_space<vmem>>, vector<1x16xf32>,
      %get3A_422 = vector.shape_cast %get3A_421 : vector<1x16xf32> to vector<16xf32>
      %add3A_423 = arith.addf %get3A_418, %get3A_422 : vector<16xf32>
      %swap3A_424 = arith.index_cast %scan3A_24 : i32 to index
      %swap3A_425 = arith.constant 448 : index
      %swap3A_426 = tpu.vector_load %arg8[%swap3A_424, %swap3A_425] {strides = array<i32>} : memref<64x768xf32, #tpu.memory_space<vmem>>, vector<1x16xf32>,
      %swap3A_427 = vector.shape_cast %swap3A_426 : vector<1x16xf32> to vector<16xf32>
      %swap3A_428 = vector.shape_cast %add3A_423 : vector<16xf32> to vector<1x16xf32>
      tpu.vector_store %arg8[%swap3A_424, %swap3A_425], %swap3A_428 {strides = array<i32>} : memref<64x768xf32, #tpu.memory_space<vmem>>, vector<1x16xf32>,
      %get3A_429 = arith.index_cast %scan3A_24 : i32 to index
      %get3A_430 = arith.constant 464 : index
      %get3A_431 = tpu.vector_load %arg8[%get3A_429, %get3A_430] {strides = array<i32>} : memref<64x768xf32, #tpu.memory_space<vmem>>, vector<1x16xf32>,
      %get3A_432 = vector.shape_cast %get3A_431 : vector<1x16xf32> to vector<16xf32>
      %get3A_433 = arith.index_cast %scan3A_24 : i32 to index
      %get3A_434 = arith.constant 464 : index
      %get3A_435 = tpu.vector_load %arg9[%get3A_433, %get3A_434] {strides = array<i32>} : memref<64x768xf32, #tpu.memory_space<vmem>>, vector<1x16xf32>,
      %get3A_436 = vector.shape_cast %get3A_435 : vector<1x16xf32> to vector<16xf32>
      %add3A_437 = arith.addf %get3A_432, %get3A_436 : vector<16xf32>
      %swap3A_438 = arith.index_cast %scan3A_24 : i32 to index
      %swap3A_439 = arith.constant 464 : index
      %swap3A_440 = tpu.vector_load %arg8[%swap3A_438, %swap3A_439] {strides = array<i32>} : memref<64x768xf32, #tpu.memory_space<vmem>>, vector<1x16xf32>,
      %swap3A_441 = vector.shape_cast %swap3A_440 : vector<1x16xf32> to vector<16xf32>
      %swap3A_442 = vector.shape_cast %add3A_437 : vector<16xf32> to vector<1x16xf32>
      tpu.vector_store %arg8[%swap3A_438, %swap3A_439], %swap3A_442 {strides = array<i32>} : memref<64x768xf32, #tpu.memory_space<vmem>>, vector<1x16xf32>,
      %get3A_443 = arith.index_cast %scan3A_24 : i32 to index
      %get3A_444 = arith.constant 480 : index
      %get3A_445 = tpu.vector_load %arg8[%get3A_443, %get3A_444] {strides = array<i32>} : memref<64x768xf32, #tpu.memory_space<vmem>>, vector<1x16xf32>,
      %get3A_446 = vector.shape_cast %get3A_445 : vector<1x16xf32> to vector<16xf32>
      %get3A_447 = arith.index_cast %scan3A_24 : i32 to index
      %get3A_448 = arith.constant 480 : index
      %get3A_449 = tpu.vector_load %arg9[%get3A_447, %get3A_448] {strides = array<i32>} : memref<64x768xf32, #tpu.memory_space<vmem>>, vector<1x16xf32>,
      %get3A_450 = vector.shape_cast %get3A_449 : vector<1x16xf32> to vector<16xf32>
      %add3A_451 = arith.addf %get3A_446, %get3A_450 : vector<16xf32>
      %swap3A_452 = arith.index_cast %scan3A_24 : i32 to index
      %swap3A_453 = arith.constant 480 : index
      %swap3A_454 = tpu.vector_load %arg8[%swap3A_452, %swap3A_453] {strides = array<i32>} : memref<64x768xf32, #tpu.memory_space<vmem>>, vector<1x16xf32>,
      %swap3A_455 = vector.shape_cast %swap3A_454 : vector<1x16xf32> to vector<16xf32>
      %swap3A_456 = vector.shape_cast %add3A_451 : vector<16xf32> to vector<1x16xf32>
      tpu.vector_store %arg8[%swap3A_452, %swap3A_453], %swap3A_456 {strides = array<i32>} : memref<64x768xf32, #tpu.memory_space<vmem>>, vector<1x16xf32>,
      %get3A_457 = arith.index_cast %scan3A_24 : i32 to index
      %get3A_458 = arith.constant 496 : index
      %get3A_459 = tpu.vector_load %arg8[%get3A_457, %get3A_458] {strides = array<i32>} : memref<64x768xf32, #tpu.memory_space<vmem>>, vector<1x16xf32>,
      %get3A_460 = vector.shape_cast %get3A_459 : vector<1x16xf32> to vector<16xf32>
      %get3A_461 = arith.index_cast %scan3A_24 : i32 to index
      %get3A_462 = arith.constant 496 : index
      %get3A_463 = tpu.vector_load %arg9[%get3A_461, %get3A_462] {strides = array<i32>} : memref<64x768xf32, #tpu.memory_space<vmem>>, vector<1x16xf32>,
      %get3A_464 = vector.shape_cast %get3A_463 : vector<1x16xf32> to vector<16xf32>
      %add3A_465 = arith.addf %get3A_460, %get3A_464 : vector<16xf32>
      %swap3A_466 = arith.index_cast %scan3A_24 : i32 to index
      %swap3A_467 = arith.constant 496 : index
      %swap3A_468 = tpu.vector_load %arg8[%swap3A_466, %swap3A_467] {strides = array<i32>} : memref<64x768xf32, #tpu.memory_space<vmem>>, vector<1x16xf32>,
      %swap3A_469 = vector.shape_cast %swap3A_468 : vector<1x16xf32> to vector<16xf32>
      %swap3A_470 = vector.shape_cast %add3A_465 : vector<16xf32> to vector<1x16xf32>
      tpu.vector_store %arg8[%swap3A_466, %swap3A_467], %swap3A_470 {strides = array<i32>} : memref<64x768xf32, #tpu.memory_space<vmem>>, vector<1x16xf32>,
      %get3A_471 = arith.index_cast %scan3A_24 : i32 to index
      %get3A_472 = arith.constant 512 : index
      %get3A_473 = tpu.vector_load %arg8[%get3A_471, %get3A_472] {strides = array<i32>} : memref<64x768xf32, #tpu.memory_space<vmem>>, vector<1x16xf32>,
      %get3A_474 = vector.shape_cast %get3A_473 : vector<1x16xf32> to vector<16xf32>
      %get3A_475 = arith.index_cast %scan3A_24 : i32 to index
      %get3A_476 = arith.constant 512 : index
      %get3A_477 = tpu.vector_load %arg9[%get3A_475, %get3A_476] {strides = array<i32>} : memref<64x768xf32, #tpu.memory_space<vmem>>, vector<1x16xf32>,
      %get3A_478 = vector.shape_cast %get3A_477 : vector<1x16xf32> to vector<16xf32>
      %add3A_479 = arith.addf %get3A_474, %get3A_478 : vector<16xf32>
      %swap3A_480 = arith.index_cast %scan3A_24 : i32 to index
      %swap3A_481 = arith.constant 512 : index
      %swap3A_482 = tpu.vector_load %arg8[%swap3A_480, %swap3A_481] {strides = array<i32>} : memref<64x768xf32, #tpu.memory_space<vmem>>, vector<1x16xf32>,
      %swap3A_483 = vector.shape_cast %swap3A_482 : vector<1x16xf32> to vector<16xf32>
      %swap3A_484 = vector.shape_cast %add3A_479 : vector<16xf32> to vector<1x16xf32>
      tpu.vector_store %arg8[%swap3A_480, %swap3A_481], %swap3A_484 {strides = array<i32>} : memref<64x768xf32, #tpu.memory_space<vmem>>, vector<1x16xf32>,
      %get3A_485 = arith.index_cast %scan3A_24 : i32 to index
      %get3A_486 = arith.constant 528 : index
      %get3A_487 = tpu.vector_load %arg8[%get3A_485, %get3A_486] {strides = array<i32>} : memref<64x768xf32, #tpu.memory_space<vmem>>, vector<1x16xf32>,
      %get3A_488 = vector.shape_cast %get3A_487 : vector<1x16xf32> to vector<16xf32>
      %get3A_489 = arith.index_cast %scan3A_24 : i32 to index
      %get3A_490 = arith.constant 528 : index
      %get3A_491 = tpu.vector_load %arg9[%get3A_489, %get3A_490] {strides = array<i32>} : memref<64x768xf32, #tpu.memory_space<vmem>>, vector<1x16xf32>,
      %get3A_492 = vector.shape_cast %get3A_491 : vector<1x16xf32> to vector<16xf32>
      %add3A_493 = arith.addf %get3A_488, %get3A_492 : vector<16xf32>
      %swap3A_494 = arith.index_cast %scan3A_24 : i32 to index
      %swap3A_495 = arith.constant 528 : index
      %swap3A_496 = tpu.vector_load %arg8[%swap3A_494, %swap3A_495] {strides = array<i32>} : memref<64x768xf32, #tpu.memory_space<vmem>>, vector<1x16xf32>,
      %swap3A_497 = vector.shape_cast %swap3A_496 : vector<1x16xf32> to vector<16xf32>
      %swap3A_498 = vector.shape_cast %add3A_493 : vector<16xf32> to vector<1x16xf32>
      tpu.vector_store %arg8[%swap3A_494, %swap3A_495], %swap3A_498 {strides = array<i32>} : memref<64x768xf32, #tpu.memory_space<vmem>>, vector<1x16xf32>,
      %get3A_499 = arith.index_cast %scan3A_24 : i32 to index
      %get3A_500 = arith.constant 544 : index
      %get3A_501 = tpu.vector_load %arg8[%get3A_499, %get3A_500] {strides = array<i32>} : memref<64x768xf32, #tpu.memory_space<vmem>>, vector<1x16xf32>,
      %get3A_502 = vector.shape_cast %get3A_501 : vector<1x16xf32> to vector<16xf32>
      %get3A_503 = arith.index_cast %scan3A_24 : i32 to index
      %get3A_504 = arith.constant 544 : index
      %get3A_505 = tpu.vector_load %arg9[%get3A_503, %get3A_504] {strides = array<i32>} : memref<64x768xf32, #tpu.memory_space<vmem>>, vector<1x16xf32>,
      %get3A_506 = vector.shape_cast %get3A_505 : vector<1x16xf32> to vector<16xf32>
      %add3A_507 = arith.addf %get3A_502, %get3A_506 : vector<16xf32>
      %swap3A_508 = arith.index_cast %scan3A_24 : i32 to index
      %swap3A_509 = arith.constant 544 : index
      %swap3A_510 = tpu.vector_load %arg8[%swap3A_508, %swap3A_509] {strides = array<i32>} : memref<64x768xf32, #tpu.memory_space<vmem>>, vector<1x16xf32>,
      %swap3A_511 = vector.shape_cast %swap3A_510 : vector<1x16xf32> to vector<16xf32>
      %swap3A_512 = vector.shape_cast %add3A_507 : vector<16xf32> to vector<1x16xf32>
      tpu.vector_store %arg8[%swap3A_508, %swap3A_509], %swap3A_512 {strides = array<i32>} : memref<64x768xf32, #tpu.memory_space<vmem>>, vector<1x16xf32>,
      %get3A_513 = arith.index_cast %scan3A_24 : i32 to index
      %get3A_514 = arith.constant 560 : index
      %get3A_515 = tpu.vector_load %arg8[%get3A_513, %get3A_514] {strides = array<i32>} : memref<64x768xf32, #tpu.memory_space<vmem>>, vector<1x16xf32>,
      %get3A_516 = vector.shape_cast %get3A_515 : vector<1x16xf32> to vector<16xf32>
      %get3A_517 = arith.index_cast %scan3A_24 : i32 to index
      %get3A_518 = arith.constant 560 : index
      %get3A_519 = tpu.vector_load %arg9[%get3A_517, %get3A_518] {strides = array<i32>} : memref<64x768xf32, #tpu.memory_space<vmem>>, vector<1x16xf32>,
      %get3A_520 = vector.shape_cast %get3A_519 : vector<1x16xf32> to vector<16xf32>
      %add3A_521 = arith.addf %get3A_516, %get3A_520 : vector<16xf32>
      %swap3A_522 = arith.index_cast %scan3A_24 : i32 to index
      %swap3A_523 = arith.constant 560 : index
      %swap3A_524 = tpu.vector_load %arg8[%swap3A_522, %swap3A_523] {strides = array<i32>} : memref<64x768xf32, #tpu.memory_space<vmem>>, vector<1x16xf32>,
      %swap3A_525 = vector.shape_cast %swap3A_524 : vector<1x16xf32> to vector<16xf32>
      %swap3A_526 = vector.shape_cast %add3A_521 : vector<16xf32> to vector<1x16xf32>
      tpu.vector_store %arg8[%swap3A_522, %swap3A_523], %swap3A_526 {strides = array<i32>} : memref<64x768xf32, #tpu.memory_space<vmem>>, vector<1x16xf32>,
      %get3A_527 = arith.index_cast %scan3A_24 : i32 to index
      %get3A_528 = arith.constant 576 : index
      %get3A_529 = tpu.vector_load %arg8[%get3A_527, %get3A_528] {strides = array<i32>} : memref<64x768xf32, #tpu.memory_space<vmem>>, vector<1x16xf32>,
      %get3A_530 = vector.shape_cast %get3A_529 : vector<1x16xf32> to vector<16xf32>
      %get3A_531 = arith.index_cast %scan3A_24 : i32 to index
      %get3A_532 = arith.constant 576 : index
      %get3A_533 = tpu.vector_load %arg9[%get3A_531, %get3A_532] {strides = array<i32>} : memref<64x768xf32, #tpu.memory_space<vmem>>, vector<1x16xf32>,
      %get3A_534 = vector.shape_cast %get3A_533 : vector<1x16xf32> to vector<16xf32>
      %add3A_535 = arith.addf %get3A_530, %get3A_534 : vector<16xf32>
      %swap3A_536 = arith.index_cast %scan3A_24 : i32 to index
      %swap3A_537 = arith.constant 576 : index
      %swap3A_538 = tpu.vector_load %arg8[%swap3A_536, %swap3A_537] {strides = array<i32>} : memref<64x768xf32, #tpu.memory_space<vmem>>, vector<1x16xf32>,
      %swap3A_539 = vector.shape_cast %swap3A_538 : vector<1x16xf32> to vector<16xf32>
      %swap3A_540 = vector.shape_cast %add3A_535 : vector<16xf32> to vector<1x16xf32>
      tpu.vector_store %arg8[%swap3A_536, %swap3A_537], %swap3A_540 {strides = array<i32>} : memref<64x768xf32, #tpu.memory_space<vmem>>, vector<1x16xf32>,
      %get3A_541 = arith.index_cast %scan3A_24 : i32 to index
      %get3A_542 = arith.constant 592 : index
      %get3A_543 = tpu.vector_load %arg8[%get3A_541, %get3A_542] {strides = array<i32>} : memref<64x768xf32, #tpu.memory_space<vmem>>, vector<1x16xf32>,
      %get3A_544 = vector.shape_cast %get3A_543 : vector<1x16xf32> to vector<16xf32>
      %get3A_545 = arith.index_cast %scan3A_24 : i32 to index
      %get3A_546 = arith.constant 592 : index
      %get3A_547 = tpu.vector_load %arg9[%get3A_545, %get3A_546] {strides = array<i32>} : memref<64x768xf32, #tpu.memory_space<vmem>>, vector<1x16xf32>,
      %get3A_548 = vector.shape_cast %get3A_547 : vector<1x16xf32> to vector<16xf32>
      %add3A_549 = arith.addf %get3A_544, %get3A_548 : vector<16xf32>
      %swap3A_550 = arith.index_cast %scan3A_24 : i32 to index
      %swap3A_551 = arith.constant 592 : index
      %swap3A_552 = tpu.vector_load %arg8[%swap3A_550, %swap3A_551] {strides = array<i32>} : memref<64x768xf32, #tpu.memory_space<vmem>>, vector<1x16xf32>,
      %swap3A_553 = vector.shape_cast %swap3A_552 : vector<1x16xf32> to vector<16xf32>
      %swap3A_554 = vector.shape_cast %add3A_549 : vector<16xf32> to vector<1x16xf32>
      tpu.vector_store %arg8[%swap3A_550, %swap3A_551], %swap3A_554 {strides = array<i32>} : memref<64x768xf32, #tpu.memory_space<vmem>>, vector<1x16xf32>,
      %get3A_555 = arith.index_cast %scan3A_24 : i32 to index
      %get3A_556 = arith.constant 608 : index
      %get3A_557 = tpu.vector_load %arg8[%get3A_555, %get3A_556] {strides = array<i32>} : memref<64x768xf32, #tpu.memory_space<vmem>>, vector<1x16xf32>,
      %get3A_558 = vector.shape_cast %get3A_557 : vector<1x16xf32> to vector<16xf32>
      %get3A_559 = arith.index_cast %scan3A_24 : i32 to index
      %get3A_560 = arith.constant 608 : index
      %get3A_561 = tpu.vector_load %arg9[%get3A_559, %get3A_560] {strides = array<i32>} : memref<64x768xf32, #tpu.memory_space<vmem>>, vector<1x16xf32>,
      %get3A_562 = vector.shape_cast %get3A_561 : vector<1x16xf32> to vector<16xf32>
      %add3A_563 = arith.addf %get3A_558, %get3A_562 : vector<16xf32>
      %swap3A_564 = arith.index_cast %scan3A_24 : i32 to index
      %swap3A_565 = arith.constant 608 : index
      %swap3A_566 = tpu.vector_load %arg8[%swap3A_564, %swap3A_565] {strides = array<i32>} : memref<64x768xf32, #tpu.memory_space<vmem>>, vector<1x16xf32>,
      %swap3A_567 = vector.shape_cast %swap3A_566 : vector<1x16xf32> to vector<16xf32>
      %swap3A_568 = vector.shape_cast %add3A_563 : vector<16xf32> to vector<1x16xf32>
      tpu.vector_store %arg8[%swap3A_564, %swap3A_565], %swap3A_568 {strides = array<i32>} : memref<64x768xf32, #tpu.memory_space<vmem>>, vector<1x16xf32>,
      %get3A_569 = arith.index_cast %scan3A_24 : i32 to index
      %get3A_570 = arith.constant 624 : index
      %get3A_571 = tpu.vector_load %arg8[%get3A_569, %get3A_570] {strides = array<i32>} : memref<64x768xf32, #tpu.memory_space<vmem>>, vector<1x16xf32>,
      %get3A_572 = vector.shape_cast %get3A_571 : vector<1x16xf32> to vector<16xf32>
      %get3A_573 = arith.index_cast %scan3A_24 : i32 to index
      %get3A_574 = arith.constant 624 : index
      %get3A_575 = tpu.vector_load %arg9[%get3A_573, %get3A_574] {strides = array<i32>} : memref<64x768xf32, #tpu.memory_space<vmem>>, vector<1x16xf32>,
      %get3A_576 = vector.shape_cast %get3A_575 : vector<1x16xf32> to vector<16xf32>
      %add3A_577 = arith.addf %get3A_572, %get3A_576 : vector<16xf32>
      %swap3A_578 = arith.index_cast %scan3A_24 : i32 to index
      %swap3A_579 = arith.constant 624 : index
      %swap3A_580 = tpu.vector_load %arg8[%swap3A_578, %swap3A_579] {strides = array<i32>} : memref<64x768xf32, #tpu.memory_space<vmem>>, vector<1x16xf32>,
      %swap3A_581 = vector.shape_cast %swap3A_580 : vector<1x16xf32> to vector<16xf32>
      %swap3A_582 = vector.shape_cast %add3A_577 : vector<16xf32> to vector<1x16xf32>
      tpu.vector_store %arg8[%swap3A_578, %swap3A_579], %swap3A_582 {strides = array<i32>} : memref<64x768xf32, #tpu.memory_space<vmem>>, vector<1x16xf32>,
      %get3A_583 = arith.index_cast %scan3A_24 : i32 to index
      %get3A_584 = arith.constant 640 : index
      %get3A_585 = tpu.vector_load %arg8[%get3A_583, %get3A_584] {strides = array<i32>} : memref<64x768xf32, #tpu.memory_space<vmem>>, vector<1x16xf32>,
      %get3A_586 = vector.shape_cast %get3A_585 : vector<1x16xf32> to vector<16xf32>
      %get3A_587 = arith.index_cast %scan3A_24 : i32 to index
      %get3A_588 = arith.constant 640 : index
      %get3A_589 = tpu.vector_load %arg9[%get3A_587, %get3A_588] {strides = array<i32>} : memref<64x768xf32, #tpu.memory_space<vmem>>, vector<1x16xf32>,
      %get3A_590 = vector.shape_cast %get3A_589 : vector<1x16xf32> to vector<16xf32>
      %add3A_591 = arith.addf %get3A_586, %get3A_590 : vector<16xf32>
      %swap3A_592 = arith.index_cast %scan3A_24 : i32 to index
      %swap3A_593 = arith.constant 640 : index
      %swap3A_594 = tpu.vector_load %arg8[%swap3A_592, %swap3A_593] {strides = array<i32>} : memref<64x768xf32, #tpu.memory_space<vmem>>, vector<1x16xf32>,
      %swap3A_595 = vector.shape_cast %swap3A_594 : vector<1x16xf32> to vector<16xf32>
      %swap3A_596 = vector.shape_cast %add3A_591 : vector<16xf32> to vector<1x16xf32>
      tpu.vector_store %arg8[%swap3A_592, %swap3A_593], %swap3A_596 {strides = array<i32>} : memref<64x768xf32, #tpu.memory_space<vmem>>, vector<1x16xf32>,
      %get3A_597 = arith.index_cast %scan3A_24 : i32 to index
      %get3A_598 = arith.constant 656 : index
      %get3A_599 = tpu.vector_load %arg8[%get3A_597, %get3A_598] {strides = array<i32>} : memref<64x768xf32, #tpu.memory_space<vmem>>, vector<1x16xf32>,
      %get3A_600 = vector.shape_cast %get3A_599 : vector<1x16xf32> to vector<16xf32>
      %get3A_601 = arith.index_cast %scan3A_24 : i32 to index
      %get3A_602 = arith.constant 656 : index
      %get3A_603 = tpu.vector_load %arg9[%get3A_601, %get3A_602] {strides = array<i32>} : memref<64x768xf32, #tpu.memory_space<vmem>>, vector<1x16xf32>,
      %get3A_604 = vector.shape_cast %get3A_603 : vector<1x16xf32> to vector<16xf32>
      %add3A_605 = arith.addf %get3A_600, %get3A_604 : vector<16xf32>
      %swap3A_606 = arith.index_cast %scan3A_24 : i32 to index
      %swap3A_607 = arith.constant 656 : index
      %swap3A_608 = tpu.vector_load %arg8[%swap3A_606, %swap3A_607] {strides = array<i32>} : memref<64x768xf32, #tpu.memory_space<vmem>>, vector<1x16xf32>,
      %swap3A_609 = vector.shape_cast %swap3A_608 : vector<1x16xf32> to vector<16xf32>
      %swap3A_610 = vector.shape_cast %add3A_605 : vector<16xf32> to vector<1x16xf32>
      tpu.vector_store %arg8[%swap3A_606, %swap3A_607], %swap3A_610 {strides = array<i32>} : memref<64x768xf32, #tpu.memory_space<vmem>>, vector<1x16xf32>,
      %get3A_611 = arith.index_cast %scan3A_24 : i32 to index
      %get3A_612 = arith.constant 672 : index
      %get3A_613 = tpu.vector_load %arg8[%get3A_611, %get3A_612] {strides = array<i32>} : memref<64x768xf32, #tpu.memory_space<vmem>>, vector<1x16xf32>,
      %get3A_614 = vector.shape_cast %get3A_613 : vector<1x16xf32> to vector<16xf32>
      %get3A_615 = arith.index_cast %scan3A_24 : i32 to index
      %get3A_616 = arith.constant 672 : index
      %get3A_617 = tpu.vector_load %arg9[%get3A_615, %get3A_616] {strides = array<i32>} : memref<64x768xf32, #tpu.memory_space<vmem>>, vector<1x16xf32>,
      %get3A_618 = vector.shape_cast %get3A_617 : vector<1x16xf32> to vector<16xf32>
      %add3A_619 = arith.addf %get3A_614, %get3A_618 : vector<16xf32>
      %swap3A_620 = arith.index_cast %scan3A_24 : i32 to index
      %swap3A_621 = arith.constant 672 : index
      %swap3A_622 = tpu.vector_load %arg8[%swap3A_620, %swap3A_621] {strides = array<i32>} : memref<64x768xf32, #tpu.memory_space<vmem>>, vector<1x16xf32>,
      %swap3A_623 = vector.shape_cast %swap3A_622 : vector<1x16xf32> to vector<16xf32>
      %swap3A_624 = vector.shape_cast %add3A_619 : vector<16xf32> to vector<1x16xf32>
      tpu.vector_store %arg8[%swap3A_620, %swap3A_621], %swap3A_624 {strides = array<i32>} : memref<64x768xf32, #tpu.memory_space<vmem>>, vector<1x16xf32>,
      %get3A_625 = arith.index_cast %scan3A_24 : i32 to index
      %get3A_626 = arith.constant 688 : index
      %get3A_627 = tpu.vector_load %arg8[%get3A_625, %get3A_626] {strides = array<i32>} : memref<64x768xf32, #tpu.memory_space<vmem>>, vector<1x16xf32>,
      %get3A_628 = vector.shape_cast %get3A_627 : vector<1x16xf32> to vector<16xf32>
      %get3A_629 = arith.index_cast %scan3A_24 : i32 to index
      %get3A_630 = arith.constant 688 : index
      %get3A_631 = tpu.vector_load %arg9[%get3A_629, %get3A_630] {strides = array<i32>} : memref<64x768xf32, #tpu.memory_space<vmem>>, vector<1x16xf32>,
      %get3A_632 = vector.shape_cast %get3A_631 : vector<1x16xf32> to vector<16xf32>
      %add3A_633 = arith.addf %get3A_628, %get3A_632 : vector<16xf32>
      %swap3A_634 = arith.index_cast %scan3A_24 : i32 to index
      %swap3A_635 = arith.constant 688 : index
      %swap3A_636 = tpu.vector_load %arg8[%swap3A_634, %swap3A_635] {strides = array<i32>} : memref<64x768xf32, #tpu.memory_space<vmem>>, vector<1x16xf32>,
      %swap3A_637 = vector.shape_cast %swap3A_636 : vector<1x16xf32> to vector<16xf32>
      %swap3A_638 = vector.shape_cast %add3A_633 : vector<16xf32> to vector<1x16xf32>
      tpu.vector_store %arg8[%swap3A_634, %swap3A_635], %swap3A_638 {strides = array<i32>} : memref<64x768xf32, #tpu.memory_space<vmem>>, vector<1x16xf32>,
      %get3A_639 = arith.index_cast %scan3A_24 : i32 to index
      %get3A_640 = arith.constant 704 : index
      %get3A_641 = tpu.vector_load %arg8[%get3A_639, %get3A_640] {strides = array<i32>} : memref<64x768xf32, #tpu.memory_space<vmem>>, vector<1x16xf32>,
      %get3A_642 = vector.shape_cast %get3A_641 : vector<1x16xf32> to vector<16xf32>
      %get3A_643 = arith.index_cast %scan3A_24 : i32 to index
      %get3A_644 = arith.constant 704 : index
      %get3A_645 = tpu.vector_load %arg9[%get3A_643, %get3A_644] {strides = array<i32>} : memref<64x768xf32, #tpu.memory_space<vmem>>, vector<1x16xf32>,
      %get3A_646 = vector.shape_cast %get3A_645 : vector<1x16xf32> to vector<16xf32>
      %add3A_647 = arith.addf %get3A_642, %get3A_646 : vector<16xf32>
      %swap3A_648 = arith.index_cast %scan3A_24 : i32 to index
      %swap3A_649 = arith.constant 704 : index
      %swap3A_650 = tpu.vector_load %arg8[%swap3A_648, %swap3A_649] {strides = array<i32>} : memref<64x768xf32, #tpu.memory_space<vmem>>, vector<1x16xf32>,
      %swap3A_651 = vector.shape_cast %swap3A_650 : vector<1x16xf32> to vector<16xf32>
      %swap3A_652 = vector.shape_cast %add3A_647 : vector<16xf32> to vector<1x16xf32>
      tpu.vector_store %arg8[%swap3A_648, %swap3A_649], %swap3A_652 {strides = array<i32>} : memref<64x768xf32, #tpu.memory_space<vmem>>, vector<1x16xf32>,
      %get3A_653 = arith.index_cast %scan3A_24 : i32 to index
      %get3A_654 = arith.constant 720 : index
      %get3A_655 = tpu.vector_load %arg8[%get3A_653, %get3A_654] {strides = array<i32>} : memref<64x768xf32, #tpu.memory_space<vmem>>, vector<1x16xf32>,
      %get3A_656 = vector.shape_cast %get3A_655 : vector<1x16xf32> to vector<16xf32>
      %get3A_657 = arith.index_cast %scan3A_24 : i32 to index
      %get3A_658 = arith.constant 720 : index
      %get3A_659 = tpu.vector_load %arg9[%get3A_657, %get3A_658] {strides = array<i32>} : memref<64x768xf32, #tpu.memory_space<vmem>>, vector<1x16xf32>,
      %get3A_660 = vector.shape_cast %get3A_659 : vector<1x16xf32> to vector<16xf32>
      %add3A_661 = arith.addf %get3A_656, %get3A_660 : vector<16xf32>
      %swap3A_662 = arith.index_cast %scan3A_24 : i32 to index
      %swap3A_663 = arith.constant 720 : index
      %swap3A_664 = tpu.vector_load %arg8[%swap3A_662, %swap3A_663] {strides = array<i32>} : memref<64x768xf32, #tpu.memory_space<vmem>>, vector<1x16xf32>,
      %swap3A_665 = vector.shape_cast %swap3A_664 : vector<1x16xf32> to vector<16xf32>
      %swap3A_666 = vector.shape_cast %add3A_661 : vector<16xf32> to vector<1x16xf32>
      tpu.vector_store %arg8[%swap3A_662, %swap3A_663], %swap3A_666 {strides = array<i32>} : memref<64x768xf32, #tpu.memory_space<vmem>>, vector<1x16xf32>,
      %get3A_667 = arith.index_cast %scan3A_24 : i32 to index
      %get3A_668 = arith.constant 736 : index
      %get3A_669 = tpu.vector_load %arg8[%get3A_667, %get3A_668] {strides = array<i32>} : memref<64x768xf32, #tpu.memory_space<vmem>>, vector<1x16xf32>,
      %get3A_670 = vector.shape_cast %get3A_669 : vector<1x16xf32> to vector<16xf32>
      %get3A_671 = arith.index_cast %scan3A_24 : i32 to index
      %get3A_672 = arith.constant 736 : index
      %get3A_673 = tpu.vector_load %arg9[%get3A_671, %get3A_672] {strides = array<i32>} : memref<64x768xf32, #tpu.memory_space<vmem>>, vector<1x16xf32>,
      %get3A_674 = vector.shape_cast %get3A_673 : vector<1x16xf32> to vector<16xf32>
      %add3A_675 = arith.addf %get3A_670, %get3A_674 : vector<16xf32>
      %swap3A_676 = arith.index_cast %scan3A_24 : i32 to index
      %swap3A_677 = arith.constant 736 : index
      %swap3A_678 = tpu.vector_load %arg8[%swap3A_676, %swap3A_677] {strides = array<i32>} : memref<64x768xf32, #tpu.memory_space<vmem>>, vector<1x16xf32>,
      %swap3A_679 = vector.shape_cast %swap3A_678 : vector<1x16xf32> to vector<16xf32>
      %swap3A_680 = vector.shape_cast %add3A_675 : vector<16xf32> to vector<1x16xf32>
      tpu.vector_store %arg8[%swap3A_676, %swap3A_677], %swap3A_680 {strides = array<i32>} : memref<64x768xf32, #tpu.memory_space<vmem>>, vector<1x16xf32>,
      %get3A_681 = arith.index_cast %scan3A_24 : i32 to index
      %get3A_682 = arith.constant 752 : index
      %get3A_683 = tpu.vector_load %arg8[%get3A_681, %get3A_682] {strides = array<i32>} : memref<64x768xf32, #tpu.memory_space<vmem>>, vector<1x16xf32>,
      %get3A_684 = vector.shape_cast %get3A_683 : vector<1x16xf32> to vector<16xf32>
      %get3A_685 = arith.index_cast %scan3A_24 : i32 to index
      %get3A_686 = arith.constant 752 : index
      %get3A_687 = tpu.vector_load %arg9[%get3A_685, %get3A_686] {strides = array<i32>} : memref<64x768xf32, #tpu.memory_space<vmem>>, vector<1x16xf32>,
      %get3A_688 = vector.shape_cast %get3A_687 : vector<1x16xf32> to vector<16xf32>
      %add3A_689 = arith.addf %get3A_684, %get3A_688 : vector<16xf32>
      %swap3A_690 = arith.index_cast %scan3A_24 : i32 to index
      %swap3A_691 = arith.constant 752 : index
      %swap3A_692 = tpu.vector_load %arg8[%swap3A_690, %swap3A_691] {strides = array<i32>} : memref<64x768xf32, #tpu.memory_space<vmem>>, vector<1x16xf32>,
      %swap3A_693 = vector.shape_cast %swap3A_692 : vector<1x16xf32> to vector<16xf32>
      %swap3A_694 = vector.shape_cast %add3A_689 : vector<16xf32> to vector<1x16xf32>
      tpu.vector_store %arg8[%swap3A_690, %swap3A_691], %swap3A_694 {strides = array<i32>} : memref<64x768xf32, #tpu.memory_space<vmem>>, vector<1x16xf32>,
    }
    %scan3A_11 = arith.constant 64 : i32
    "tpu.region"() ({
      %run_scoped3A = tpu.sem_alloc : memref<!tpu.dma_semaphore, #tpu.memory_space<semaphore_mem>>
      %dma_start3A_24 = tpu.memref_slice %arg5[%mul3A_2] : memref<2048xi32, #tpu.memory_space<hbm>> -> memref<64xi32, #tpu.memory_space<hbm>>
      %dma_start3A_25 = tpu.memref_slice %arg5[%mul3A_2] : memref<2048xi32, #tpu.memory_space<hbm>> -> memref<64xi32, #tpu.memory_space<hbm>>
      tpu.enqueue_dma source(%dma_start3A_25 : memref<64xi32, #tpu.memory_space<hbm>>) target(%arg7 : memref<64xi32, #tpu.memory_space<vmem>>) target_semaphore(%run_scoped3A : memref<!tpu.dma_semaphore, #tpu.memory_space<semaphore_mem>>)
      %dma_wait3A_26 = tpu.memref_slice %arg5[%mul3A_2] : memref<2048xi32, #tpu.memory_space<hbm>> -> memref<64xi32, #tpu.memory_space<hbm>>
      %dma_wait3A_27 = tpu.memref_slice %arg5[%mul3A_2] : memref<2048xi32, #tpu.memory_space<hbm>> -> memref<64xi32, #tpu.memory_space<hbm>>
      tpu.wait_dma2 semaphore(%run_scoped3A : memref<!tpu.dma_semaphore, #tpu.memory_space<semaphore_mem>>) src(%dma_wait3A_27 : memref<64xi32, #tpu.memory_space<hbm>>) dst(%arg7 : memref<64xi32, #tpu.memory_space<vmem>>)
      tpu.yield
    }) : () -> ()
    %dma_start3A_12 = arith.constant 0 : i32
    %dma_start3A_13 = arith.constant 0 : i32
    %dma_start3A_14 = tpu.memref_slice %arg2[%dma_start3A_12, %dma_start3A_13] : memref<6144x768xf32, #tpu.memory_space<hbm>> -> memref<6144x768xf32, #tpu.memory_space<hbm>>
    tpu.enqueue_indirect_dma source(%dma_start3A_14 : memref<6144x768xf32, #tpu.memory_space<hbm>>) target(%arg9 : memref<64x768xf32, #tpu.memory_space<vmem>>) offsets(%arg7 : memref<64xi32, #tpu.memory_space<vmem>>) semaphore(%arg10 : memref<!tpu.dma_semaphore, #tpu.memory_space<semaphore_mem>>)
    %dma_wait3A_15 = arith.constant 0 : i32
    %dma_wait3A_16 = arith.constant 0 : i32
    %dma_wait3A_17 = tpu.memref_slice %arg2[%dma_wait3A_15, %dma_wait3A_16] : memref<6144x768xf32, #tpu.memory_space<hbm>> -> memref<6144x768xf32, #tpu.memory_space<hbm>>
    tpu.wait_indirect_dma semaphore(%arg10 : memref<!tpu.dma_semaphore, #tpu.memory_space<semaphore_mem>>) src(%dma_wait3A_17 : memref<6144x768xf32, #tpu.memory_space<hbm>>) dst(%arg9 : memref<64x768xf32, #tpu.memory_space<vmem>>)
    %scan3A_18 = arith.constant 0 : i32
    %scan3A_19 = arith.constant 0 : i32
    %scan3A_20 = arith.constant 64 : i32
    %scan3A_21 = arith.addi %scan3A_19, %scan3A_20 : i32
    %scan3A_22 = arith.constant 1 : i32
    scf.for %scan3A_24 = %scan3A_19 to %scan3A_21 step %scan3A_22  : i32 {
      %get3A = arith.index_cast %scan3A_24 : i32 to index
      %get3A_25 = arith.constant 0 : index
      %get3A_26 = tpu.vector_load %arg8[%get3A, %get3A_25] {strides = array<i32>} : memref<64x768xf32, #tpu.memory_space<vmem>>, vector<1x16xf32>,
      %get3A_27 = vector.shape_cast %get3A_26 : vector<1x16xf32> to vector<16xf32>
      %get3A_28 = arith.index_cast %scan3A_24 : i32 to index
      %get3A_29 = arith.constant 0 : index
      %get3A_30 = tpu.vector_load %arg9[%get3A_28, %get3A_29] {strides = array<i32>} : memref<64x768xf32, #tpu.memory_space<vmem>>, vector<1x16xf32>,
      %get3A_31 = vector.shape_cast %get3A_30 : vector<1x16xf32> to vector<16xf32>
      %add3A_32 = arith.addf %get3A_27, %get3A_31 : vector<16xf32>
      %swap3A = arith.index_cast %scan3A_24 : i32 to index
      %swap3A_33 = arith.constant 0 : index
      %swap3A_34 = tpu.vector_load %arg8[%swap3A, %swap3A_33] {strides = array<i32>} : memref<64x768xf32, #tpu.memory_space<vmem>>, vector<1x16xf32>,
      %swap3A_35 = vector.shape_cast %swap3A_34 : vector<1x16xf32> to vector<16xf32>
      %swap3A_36 = vector.shape_cast %add3A_32 : vector<16xf32> to vector<1x16xf32>
      tpu.vector_store %arg8[%swap3A, %swap3A_33], %swap3A_36 {strides = array<i32>} : memref<64x768xf32, #tpu.memory_space<vmem>>, vector<1x16xf32>,
      %get3A_37 = arith.index_cast %scan3A_24 : i32 to index
      %get3A_38 = arith.constant 16 : index
      %get3A_39 = tpu.vector_load %arg8[%get3A_37, %get3A_38] {strides = array<i32>} : memref<64x768xf32, #tpu.memory_space<vmem>>, vector<1x16xf32>,
      %get3A_40 = vector.shape_cast %get3A_39 : vector<1x16xf32> to vector<16xf32>
      %get3A_41 = arith.index_cast %scan3A_24 : i32 to index
      %get3A_42 = arith.constant 16 : index
      %get3A_43 = tpu.vector_load %arg9[%get3A_41, %get3A_42] {strides = array<i32>} : memref<64x768xf32, #tpu.memory_space<vmem>>, vector<1x16xf32>,
      %get3A_44 = vector.shape_cast %get3A_43 : vector<1x16xf32> to vector<16xf32>
      %add3A_45 = arith.addf %get3A_40, %get3A_44 : vector<16xf32>
      %swap3A_46 = arith.index_cast %scan3A_24 : i32 to index
      %swap3A_47 = arith.constant 16 : index
      %swap3A_48 = tpu.vector_load %arg8[%swap3A_46, %swap3A_47] {strides = array<i32>} : memref<64x768xf32, #tpu.memory_space<vmem>>, vector<1x16xf32>,
      %swap3A_49 = vector.shape_cast %swap3A_48 : vector<1x16xf32> to vector<16xf32>
      %swap3A_50 = vector.shape_cast %add3A_45 : vector<16xf32> to vector<1x16xf32>
      tpu.vector_store %arg8[%swap3A_46, %swap3A_47], %swap3A_50 {strides = array<i32>} : memref<64x768xf32, #tpu.memory_space<vmem>>, vector<1x16xf32>,
      %get3A_51 = arith.index_cast %scan3A_24 : i32 to index
      %get3A_52 = arith.constant 32 : index
      %get3A_53 = tpu.vector_load %arg8[%get3A_51, %get3A_52] {strides = array<i32>} : memref<64x768xf32, #tpu.memory_space<vmem>>, vector<1x16xf32>,
      %get3A_54 = vector.shape_cast %get3A_53 : vector<1x16xf32> to vector<16xf32>
      %get3A_55 = arith.index_cast %scan3A_24 : i32 to index
      %get3A_56 = arith.constant 32 : index
      %get3A_57 = tpu.vector_load %arg9[%get3A_55, %get3A_56] {strides = array<i32>} : memref<64x768xf32, #tpu.memory_space<vmem>>, vector<1x16xf32>,
      %get3A_58 = vector.shape_cast %get3A_57 : vector<1x16xf32> to vector<16xf32>
      %add3A_59 = arith.addf %get3A_54, %get3A_58 : vector<16xf32>
      %swap3A_60 = arith.index_cast %scan3A_24 : i32 to index
      %swap3A_61 = arith.constant 32 : index
      %swap3A_62 = tpu.vector_load %arg8[%swap3A_60, %swap3A_61] {strides = array<i32>} : memref<64x768xf32, #tpu.memory_space<vmem>>, vector<1x16xf32>,
      %swap3A_63 = vector.shape_cast %swap3A_62 : vector<1x16xf32> to vector<16xf32>
      %swap3A_64 = vector.shape_cast %add3A_59 : vector<16xf32> to vector<1x16xf32>
      tpu.vector_store %arg8[%swap3A_60, %swap3A_61], %swap3A_64 {strides = array<i32>} : memref<64x768xf32, #tpu.memory_space<vmem>>, vector<1x16xf32>,
      %get3A_65 = arith.index_cast %scan3A_24 : i32 to index
      %get3A_66 = arith.constant 48 : index
      %get3A_67 = tpu.vector_load %arg8[%get3A_65, %get3A_66] {strides = array<i32>} : memref<64x768xf32, #tpu.memory_space<vmem>>, vector<1x16xf32>,
      %get3A_68 = vector.shape_cast %get3A_67 : vector<1x16xf32> to vector<16xf32>
      %get3A_69 = arith.index_cast %scan3A_24 : i32 to index
      %get3A_70 = arith.constant 48 : index
      %get3A_71 = tpu.vector_load %arg9[%get3A_69, %get3A_70] {strides = array<i32>} : memref<64x768xf32, #tpu.memory_space<vmem>>, vector<1x16xf32>,
      %get3A_72 = vector.shape_cast %get3A_71 : vector<1x16xf32> to vector<16xf32>
      %add3A_73 = arith.addf %get3A_68, %get3A_72 : vector<16xf32>
      %swap3A_74 = arith.index_cast %scan3A_24 : i32 to index
      %swap3A_75 = arith.constant 48 : index
      %swap3A_76 = tpu.vector_load %arg8[%swap3A_74, %swap3A_75] {strides = array<i32>} : memref<64x768xf32, #tpu.memory_space<vmem>>, vector<1x16xf32>,
      %swap3A_77 = vector.shape_cast %swap3A_76 : vector<1x16xf32> to vector<16xf32>
      %swap3A_78 = vector.shape_cast %add3A_73 : vector<16xf32> to vector<1x16xf32>
      tpu.vector_store %arg8[%swap3A_74, %swap3A_75], %swap3A_78 {strides = array<i32>} : memref<64x768xf32, #tpu.memory_space<vmem>>, vector<1x16xf32>,
      %get3A_79 = arith.index_cast %scan3A_24 : i32 to index
      %get3A_80 = arith.constant 64 : index
      %get3A_81 = tpu.vector_load %arg8[%get3A_79, %get3A_80] {strides = array<i32>} : memref<64x768xf32, #tpu.memory_space<vmem>>, vector<1x16xf32>,
      %get3A_82 = vector.shape_cast %get3A_81 : vector<1x16xf32> to vector<16xf32>
      %get3A_83 = arith.index_cast %scan3A_24 : i32 to index
      %get3A_84 = arith.constant 64 : index
      %get3A_85 = tpu.vector_load %arg9[%get3A_83, %get3A_84] {strides = array<i32>} : memref<64x768xf32, #tpu.memory_space<vmem>>, vector<1x16xf32>,
      %get3A_86 = vector.shape_cast %get3A_85 : vector<1x16xf32> to vector<16xf32>
      %add3A_87 = arith.addf %get3A_82, %get3A_86 : vector<16xf32>
      %swap3A_88 = arith.index_cast %scan3A_24 : i32 to index
      %swap3A_89 = arith.constant 64 : index
      %swap3A_90 = tpu.vector_load %arg8[%swap3A_88, %swap3A_89] {strides = array<i32>} : memref<64x768xf32, #tpu.memory_space<vmem>>, vector<1x16xf32>,
      %swap3A_91 = vector.shape_cast %swap3A_90 : vector<1x16xf32> to vector<16xf32>
      %swap3A_92 = vector.shape_cast %add3A_87 : vector<16xf32> to vector<1x16xf32>
      tpu.vector_store %arg8[%swap3A_88, %swap3A_89], %swap3A_92 {strides = array<i32>} : memref<64x768xf32, #tpu.memory_space<vmem>>, vector<1x16xf32>,
      %get3A_93 = arith.index_cast %scan3A_24 : i32 to index
      %get3A_94 = arith.constant 80 : index
      %get3A_95 = tpu.vector_load %arg8[%get3A_93, %get3A_94] {strides = array<i32>} : memref<64x768xf32, #tpu.memory_space<vmem>>, vector<1x16xf32>,
      %get3A_96 = vector.shape_cast %get3A_95 : vector<1x16xf32> to vector<16xf32>
      %get3A_97 = arith.index_cast %scan3A_24 : i32 to index
      %get3A_98 = arith.constant 80 : index
      %get3A_99 = tpu.vector_load %arg9[%get3A_97, %get3A_98] {strides = array<i32>} : memref<64x768xf32, #tpu.memory_space<vmem>>, vector<1x16xf32>,
      %get3A_100 = vector.shape_cast %get3A_99 : vector<1x16xf32> to vector<16xf32>
      %add3A_101 = arith.addf %get3A_96, %get3A_100 : vector<16xf32>
      %swap3A_102 = arith.index_cast %scan3A_24 : i32 to index
      %swap3A_103 = arith.constant 80 : index
      %swap3A_104 = tpu.vector_load %arg8[%swap3A_102, %swap3A_103] {strides = array<i32>} : memref<64x768xf32, #tpu.memory_space<vmem>>, vector<1x16xf32>,
      %swap3A_105 = vector.shape_cast %swap3A_104 : vector<1x16xf32> to vector<16xf32>
      %swap3A_106 = vector.shape_cast %add3A_101 : vector<16xf32> to vector<1x16xf32>
      tpu.vector_store %arg8[%swap3A_102, %swap3A_103], %swap3A_106 {strides = array<i32>} : memref<64x768xf32, #tpu.memory_space<vmem>>, vector<1x16xf32>,
      %get3A_107 = arith.index_cast %scan3A_24 : i32 to index
      %get3A_108 = arith.constant 96 : index
      %get3A_109 = tpu.vector_load %arg8[%get3A_107, %get3A_108] {strides = array<i32>} : memref<64x768xf32, #tpu.memory_space<vmem>>, vector<1x16xf32>,
      %get3A_110 = vector.shape_cast %get3A_109 : vector<1x16xf32> to vector<16xf32>
      %get3A_111 = arith.index_cast %scan3A_24 : i32 to index
      %get3A_112 = arith.constant 96 : index
      %get3A_113 = tpu.vector_load %arg9[%get3A_111, %get3A_112] {strides = array<i32>} : memref<64x768xf32, #tpu.memory_space<vmem>>, vector<1x16xf32>,
      %get3A_114 = vector.shape_cast %get3A_113 : vector<1x16xf32> to vector<16xf32>
      %add3A_115 = arith.addf %get3A_110, %get3A_114 : vector<16xf32>
      %swap3A_116 = arith.index_cast %scan3A_24 : i32 to index
      %swap3A_117 = arith.constant 96 : index
      %swap3A_118 = tpu.vector_load %arg8[%swap3A_116, %swap3A_117] {strides = array<i32>} : memref<64x768xf32, #tpu.memory_space<vmem>>, vector<1x16xf32>,
      %swap3A_119 = vector.shape_cast %swap3A_118 : vector<1x16xf32> to vector<16xf32>
      %swap3A_120 = vector.shape_cast %add3A_115 : vector<16xf32> to vector<1x16xf32>
      tpu.vector_store %arg8[%swap3A_116, %swap3A_117], %swap3A_120 {strides = array<i32>} : memref<64x768xf32, #tpu.memory_space<vmem>>, vector<1x16xf32>,
      %get3A_121 = arith.index_cast %scan3A_24 : i32 to index
      %get3A_122 = arith.constant 112 : index
      %get3A_123 = tpu.vector_load %arg8[%get3A_121, %get3A_122] {strides = array<i32>} : memref<64x768xf32, #tpu.memory_space<vmem>>, vector<1x16xf32>,
      %get3A_124 = vector.shape_cast %get3A_123 : vector<1x16xf32> to vector<16xf32>
      %get3A_125 = arith.index_cast %scan3A_24 : i32 to index
      %get3A_126 = arith.constant 112 : index
      %get3A_127 = tpu.vector_load %arg9[%get3A_125, %get3A_126] {strides = array<i32>} : memref<64x768xf32, #tpu.memory_space<vmem>>, vector<1x16xf32>,
      %get3A_128 = vector.shape_cast %get3A_127 : vector<1x16xf32> to vector<16xf32>
      %add3A_129 = arith.addf %get3A_124, %get3A_128 : vector<16xf32>
      %swap3A_130 = arith.index_cast %scan3A_24 : i32 to index
      %swap3A_131 = arith.constant 112 : index
      %swap3A_132 = tpu.vector_load %arg8[%swap3A_130, %swap3A_131] {strides = array<i32>} : memref<64x768xf32, #tpu.memory_space<vmem>>, vector<1x16xf32>,
      %swap3A_133 = vector.shape_cast %swap3A_132 : vector<1x16xf32> to vector<16xf32>
      %swap3A_134 = vector.shape_cast %add3A_129 : vector<16xf32> to vector<1x16xf32>
      tpu.vector_store %arg8[%swap3A_130, %swap3A_131], %swap3A_134 {strides = array<i32>} : memref<64x768xf32, #tpu.memory_space<vmem>>, vector<1x16xf32>,
      %get3A_135 = arith.index_cast %scan3A_24 : i32 to index
      %get3A_136 = arith.constant 128 : index
      %get3A_137 = tpu.vector_load %arg8[%get3A_135, %get3A_136] {strides = array<i32>} : memref<64x768xf32, #tpu.memory_space<vmem>>, vector<1x16xf32>,
      %get3A_138 = vector.shape_cast %get3A_137 : vector<1x16xf32> to vector<16xf32>
      %get3A_139 = arith.index_cast %scan3A_24 : i32 to index
      %get3A_140 = arith.constant 128 : index
      %get3A_141 = tpu.vector_load %arg9[%get3A_139, %get3A_140] {strides = array<i32>} : memref<64x768xf32, #tpu.memory_space<vmem>>, vector<1x16xf32>,
      %get3A_142 = vector.shape_cast %get3A_141 : vector<1x16xf32> to vector<16xf32>
      %add3A_143 = arith.addf %get3A_138, %get3A_142 : vector<16xf32>
      %swap3A_144 = arith.index_cast %scan3A_24 : i32 to index
      %swap3A_145 = arith.constant 128 : index
      %swap3A_146 = tpu.vector_load %arg8[%swap3A_144, %swap3A_145] {strides = array<i32>} : memref<64x768xf32, #tpu.memory_space<vmem>>, vector<1x16xf32>,
      %swap3A_147 = vector.shape_cast %swap3A_146 : vector<1x16xf32> to vector<16xf32>
      %swap3A_148 = vector.shape_cast %add3A_143 : vector<16xf32> to vector<1x16xf32>
      tpu.vector_store %arg8[%swap3A_144, %swap3A_145], %swap3A_148 {strides = array<i32>} : memref<64x768xf32, #tpu.memory_space<vmem>>, vector<1x16xf32>,
      %get3A_149 = arith.index_cast %scan3A_24 : i32 to index
      %get3A_150 = arith.constant 144 : index
      %get3A_151 = tpu.vector_load %arg8[%get3A_149, %get3A_150] {strides = array<i32>} : memref<64x768xf32, #tpu.memory_space<vmem>>, vector<1x16xf32>,
      %get3A_152 = vector.shape_cast %get3A_151 : vector<1x16xf32> to vector<16xf32>
      %get3A_153 = arith.index_cast %scan3A_24 : i32 to index
      %get3A_154 = arith.constant 144 : index
      %get3A_155 = tpu.vector_load %arg9[%get3A_153, %get3A_154] {strides = array<i32>} : memref<64x768xf32, #tpu.memory_space<vmem>>, vector<1x16xf32>,
      %get3A_156 = vector.shape_cast %get3A_155 : vector<1x16xf32> to vector<16xf32>
      %add3A_157 = arith.addf %get3A_152, %get3A_156 : vector<16xf32>
      %swap3A_158 = arith.index_cast %scan3A_24 : i32 to index
      %swap3A_159 = arith.constant 144 : index
      %swap3A_160 = tpu.vector_load %arg8[%swap3A_158, %swap3A_159] {strides = array<i32>} : memref<64x768xf32, #tpu.memory_space<vmem>>, vector<1x16xf32>,
      %swap3A_161 = vector.shape_cast %swap3A_160 : vector<1x16xf32> to vector<16xf32>
      %swap3A_162 = vector.shape_cast %add3A_157 : vector<16xf32> to vector<1x16xf32>
      tpu.vector_store %arg8[%swap3A_158, %swap3A_159], %swap3A_162 {strides = array<i32>} : memref<64x768xf32, #tpu.memory_space<vmem>>, vector<1x16xf32>,
      %get3A_163 = arith.index_cast %scan3A_24 : i32 to index
      %get3A_164 = arith.constant 160 : index
      %get3A_165 = tpu.vector_load %arg8[%get3A_163, %get3A_164] {strides = array<i32>} : memref<64x768xf32, #tpu.memory_space<vmem>>, vector<1x16xf32>,
      %get3A_166 = vector.shape_cast %get3A_165 : vector<1x16xf32> to vector<16xf32>
      %get3A_167 = arith.index_cast %scan3A_24 : i32 to index
      %get3A_168 = arith.constant 160 : index
      %get3A_169 = tpu.vector_load %arg9[%get3A_167, %get3A_168] {strides = array<i32>} : memref<64x768xf32, #tpu.memory_space<vmem>>, vector<1x16xf32>,
      %get3A_170 = vector.shape_cast %get3A_169 : vector<1x16xf32> to vector<16xf32>
      %add3A_171 = arith.addf %get3A_166, %get3A_170 : vector<16xf32>
      %swap3A_172 = arith.index_cast %scan3A_24 : i32 to index
      %swap3A_173 = arith.constant 160 : index
      %swap3A_174 = tpu.vector_load %arg8[%swap3A_172, %swap3A_173] {strides = array<i32>} : memref<64x768xf32, #tpu.memory_space<vmem>>, vector<1x16xf32>,
      %swap3A_175 = vector.shape_cast %swap3A_174 : vector<1x16xf32> to vector<16xf32>
      %swap3A_176 = vector.shape_cast %add3A_171 : vector<16xf32> to vector<1x16xf32>
      tpu.vector_store %arg8[%swap3A_172, %swap3A_173], %swap3A_176 {strides = array<i32>} : memref<64x768xf32, #tpu.memory_space<vmem>>, vector<1x16xf32>,
      %get3A_177 = arith.index_cast %scan3A_24 : i32 to index
      %get3A_178 = arith.constant 176 : index
      %get3A_179 = tpu.vector_load %arg8[%get3A_177, %get3A_178] {strides = array<i32>} : memref<64x768xf32, #tpu.memory_space<vmem>>, vector<1x16xf32>,
      %get3A_180 = vector.shape_cast %get3A_179 : vector<1x16xf32> to vector<16xf32>
      %get3A_181 = arith.index_cast %scan3A_24 : i32 to index
      %get3A_182 = arith.constant 176 : index
      %get3A_183 = tpu.vector_load %arg9[%get3A_181, %get3A_182] {strides = array<i32>} : memref<64x768xf32, #tpu.memory_space<vmem>>, vector<1x16xf32>,
      %get3A_184 = vector.shape_cast %get3A_183 : vector<1x16xf32> to vector<16xf32>
      %add3A_185 = arith.addf %get3A_180, %get3A_184 : vector<16xf32>
      %swap3A_186 = arith.index_cast %scan3A_24 : i32 to index
      %swap3A_187 = arith.constant 176 : index
      %swap3A_188 = tpu.vector_load %arg8[%swap3A_186, %swap3A_187] {strides = array<i32>} : memref<64x768xf32, #tpu.memory_space<vmem>>, vector<1x16xf32>,
      %swap3A_189 = vector.shape_cast %swap3A_188 : vector<1x16xf32> to vector<16xf32>
      %swap3A_190 = vector.shape_cast %add3A_185 : vector<16xf32> to vector<1x16xf32>
      tpu.vector_store %arg8[%swap3A_186, %swap3A_187], %swap3A_190 {strides = array<i32>} : memref<64x768xf32, #tpu.memory_space<vmem>>, vector<1x16xf32>,
      %get3A_191 = arith.index_cast %scan3A_24 : i32 to index
      %get3A_192 = arith.constant 192 : index
      %get3A_193 = tpu.vector_load %arg8[%get3A_191, %get3A_192] {strides = array<i32>} : memref<64x768xf32, #tpu.memory_space<vmem>>, vector<1x16xf32>,
      %get3A_194 = vector.shape_cast %get3A_193 : vector<1x16xf32> to vector<16xf32>
      %get3A_195 = arith.index_cast %scan3A_24 : i32 to index
      %get3A_196 = arith.constant 192 : index
      %get3A_197 = tpu.vector_load %arg9[%get3A_195, %get3A_196] {strides = array<i32>} : memref<64x768xf32, #tpu.memory_space<vmem>>, vector<1x16xf32>,
      %get3A_198 = vector.shape_cast %get3A_197 : vector<1x16xf32> to vector<16xf32>
      %add3A_199 = arith.addf %get3A_194, %get3A_198 : vector<16xf32>
      %swap3A_200 = arith.index_cast %scan3A_24 : i32 to index
      %swap3A_201 = arith.constant 192 : index
      %swap3A_202 = tpu.vector_load %arg8[%swap3A_200, %swap3A_201] {strides = array<i32>} : memref<64x768xf32, #tpu.memory_space<vmem>>, vector<1x16xf32>,
      %swap3A_203 = vector.shape_cast %swap3A_202 : vector<1x16xf32> to vector<16xf32>
      %swap3A_204 = vector.shape_cast %add3A_199 : vector<16xf32> to vector<1x16xf32>
      tpu.vector_store %arg8[%swap3A_200, %swap3A_201], %swap3A_204 {strides = array<i32>} : memref<64x768xf32, #tpu.memory_space<vmem>>, vector<1x16xf32>,
      %get3A_205 = arith.index_cast %scan3A_24 : i32 to index
      %get3A_206 = arith.constant 208 : index
      %get3A_207 = tpu.vector_load %arg8[%get3A_205, %get3A_206] {strides = array<i32>} : memref<64x768xf32, #tpu.memory_space<vmem>>, vector<1x16xf32>,
      %get3A_208 = vector.shape_cast %get3A_207 : vector<1x16xf32> to vector<16xf32>
      %get3A_209 = arith.index_cast %scan3A_24 : i32 to index
      %get3A_210 = arith.constant 208 : index
      %get3A_211 = tpu.vector_load %arg9[%get3A_209, %get3A_210] {strides = array<i32>} : memref<64x768xf32, #tpu.memory_space<vmem>>, vector<1x16xf32>,
      %get3A_212 = vector.shape_cast %get3A_211 : vector<1x16xf32> to vector<16xf32>
      %add3A_213 = arith.addf %get3A_208, %get3A_212 : vector<16xf32>
      %swap3A_214 = arith.index_cast %scan3A_24 : i32 to index
      %swap3A_215 = arith.constant 208 : index
      %swap3A_216 = tpu.vector_load %arg8[%swap3A_214, %swap3A_215] {strides = array<i32>} : memref<64x768xf32, #tpu.memory_space<vmem>>, vector<1x16xf32>,
      %swap3A_217 = vector.shape_cast %swap3A_216 : vector<1x16xf32> to vector<16xf32>
      %swap3A_218 = vector.shape_cast %add3A_213 : vector<16xf32> to vector<1x16xf32>
      tpu.vector_store %arg8[%swap3A_214, %swap3A_215], %swap3A_218 {strides = array<i32>} : memref<64x768xf32, #tpu.memory_space<vmem>>, vector<1x16xf32>,
      %get3A_219 = arith.index_cast %scan3A_24 : i32 to index
      %get3A_220 = arith.constant 224 : index
      %get3A_221 = tpu.vector_load %arg8[%get3A_219, %get3A_220] {strides = array<i32>} : memref<64x768xf32, #tpu.memory_space<vmem>>, vector<1x16xf32>,
      %get3A_222 = vector.shape_cast %get3A_221 : vector<1x16xf32> to vector<16xf32>
      %get3A_223 = arith.index_cast %scan3A_24 : i32 to index
      %get3A_224 = arith.constant 224 : index
      %get3A_225 = tpu.vector_load %arg9[%get3A_223, %get3A_224] {strides = array<i32>} : memref<64x768xf32, #tpu.memory_space<vmem>>, vector<1x16xf32>,
      %get3A_226 = vector.shape_cast %get3A_225 : vector<1x16xf32> to vector<16xf32>
      %add3A_227 = arith.addf %get3A_222, %get3A_226 : vector<16xf32>
      %swap3A_228 = arith.index_cast %scan3A_24 : i32 to index
      %swap3A_229 = arith.constant 224 : index
      %swap3A_230 = tpu.vector_load %arg8[%swap3A_228, %swap3A_229] {strides = array<i32>} : memref<64x768xf32, #tpu.memory_space<vmem>>, vector<1x16xf32>,
      %swap3A_231 = vector.shape_cast %swap3A_230 : vector<1x16xf32> to vector<16xf32>
      %swap3A_232 = vector.shape_cast %add3A_227 : vector<16xf32> to vector<1x16xf32>
      tpu.vector_store %arg8[%swap3A_228, %swap3A_229], %swap3A_232 {strides = array<i32>} : memref<64x768xf32, #tpu.memory_space<vmem>>, vector<1x16xf32>,
      %get3A_233 = arith.index_cast %scan3A_24 : i32 to index
      %get3A_234 = arith.constant 240 : index
      %get3A_235 = tpu.vector_load %arg8[%get3A_233, %get3A_234] {strides = array<i32>} : memref<64x768xf32, #tpu.memory_space<vmem>>, vector<1x16xf32>,
      %get3A_236 = vector.shape_cast %get3A_235 : vector<1x16xf32> to vector<16xf32>
      %get3A_237 = arith.index_cast %scan3A_24 : i32 to index
      %get3A_238 = arith.constant 240 : index
      %get3A_239 = tpu.vector_load %arg9[%get3A_237, %get3A_238] {strides = array<i32>} : memref<64x768xf32, #tpu.memory_space<vmem>>, vector<1x16xf32>,
      %get3A_240 = vector.shape_cast %get3A_239 : vector<1x16xf32> to vector<16xf32>
      %add3A_241 = arith.addf %get3A_236, %get3A_240 : vector<16xf32>
      %swap3A_242 = arith.index_cast %scan3A_24 : i32 to index
      %swap3A_243 = arith.constant 240 : index
      %swap3A_244 = tpu.vector_load %arg8[%swap3A_242, %swap3A_243] {strides = array<i32>} : memref<64x768xf32, #tpu.memory_space<vmem>>, vector<1x16xf32>,
      %swap3A_245 = vector.shape_cast %swap3A_244 : vector<1x16xf32> to vector<16xf32>
      %swap3A_246 = vector.shape_cast %add3A_241 : vector<16xf32> to vector<1x16xf32>
      tpu.vector_store %arg8[%swap3A_242, %swap3A_243], %swap3A_246 {strides = array<i32>} : memref<64x768xf32, #tpu.memory_space<vmem>>, vector<1x16xf32>,
      %get3A_247 = arith.index_cast %scan3A_24 : i32 to index
      %get3A_248 = arith.constant 256 : index
      %get3A_249 = tpu.vector_load %arg8[%get3A_247, %get3A_248] {strides = array<i32>} : memref<64x768xf32, #tpu.memory_space<vmem>>, vector<1x16xf32>,
      %get3A_250 = vector.shape_cast %get3A_249 : vector<1x16xf32> to vector<16xf32>
      %get3A_251 = arith.index_cast %scan3A_24 : i32 to index
      %get3A_252 = arith.constant 256 : index
      %get3A_253 = tpu.vector_load %arg9[%get3A_251, %get3A_252] {strides = array<i32>} : memref<64x768xf32, #tpu.memory_space<vmem>>, vector<1x16xf32>,
      %get3A_254 = vector.shape_cast %get3A_253 : vector<1x16xf32> to vector<16xf32>
      %add3A_255 = arith.addf %get3A_250, %get3A_254 : vector<16xf32>
      %swap3A_256 = arith.index_cast %scan3A_24 : i32 to index
      %swap3A_257 = arith.constant 256 : index
      %swap3A_258 = tpu.vector_load %arg8[%swap3A_256, %swap3A_257] {strides = array<i32>} : memref<64x768xf32, #tpu.memory_space<vmem>>, vector<1x16xf32>,
      %swap3A_259 = vector.shape_cast %swap3A_258 : vector<1x16xf32> to vector<16xf32>
      %swap3A_260 = vector.shape_cast %add3A_255 : vector<16xf32> to vector<1x16xf32>
      tpu.vector_store %arg8[%swap3A_256, %swap3A_257], %swap3A_260 {strides = array<i32>} : memref<64x768xf32, #tpu.memory_space<vmem>>, vector<1x16xf32>,
      %get3A_261 = arith.index_cast %scan3A_24 : i32 to index
      %get3A_262 = arith.constant 272 : index
      %get3A_263 = tpu.vector_load %arg8[%get3A_261, %get3A_262] {strides = array<i32>} : memref<64x768xf32, #tpu.memory_space<vmem>>, vector<1x16xf32>,
      %get3A_264 = vector.shape_cast %get3A_263 : vector<1x16xf32> to vector<16xf32>
      %get3A_265 = arith.index_cast %scan3A_24 : i32 to index
      %get3A_266 = arith.constant 272 : index
      %get3A_267 = tpu.vector_load %arg9[%get3A_265, %get3A_266] {strides = array<i32>} : memref<64x768xf32, #tpu.memory_space<vmem>>, vector<1x16xf32>,
      %get3A_268 = vector.shape_cast %get3A_267 : vector<1x16xf32> to vector<16xf32>
      %add3A_269 = arith.addf %get3A_264, %get3A_268 : vector<16xf32>
      %swap3A_270 = arith.index_cast %scan3A_24 : i32 to index
      %swap3A_271 = arith.constant 272 : index
      %swap3A_272 = tpu.vector_load %arg8[%swap3A_270, %swap3A_271] {strides = array<i32>} : memref<64x768xf32, #tpu.memory_space<vmem>>, vector<1x16xf32>,
      %swap3A_273 = vector.shape_cast %swap3A_272 : vector<1x16xf32> to vector<16xf32>
      %swap3A_274 = vector.shape_cast %add3A_269 : vector<16xf32> to vector<1x16xf32>
      tpu.vector_store %arg8[%swap3A_270, %swap3A_271], %swap3A_274 {strides = array<i32>} : memref<64x768xf32, #tpu.memory_space<vmem>>, vector<1x16xf32>,
      %get3A_275 = arith.index_cast %scan3A_24 : i32 to index
      %get3A_276 = arith.constant 288 : index
      %get3A_277 = tpu.vector_load %arg8[%get3A_275, %get3A_276] {strides = array<i32>} : memref<64x768xf32, #tpu.memory_space<vmem>>, vector<1x16xf32>,
      %get3A_278 = vector.shape_cast %get3A_277 : vector<1x16xf32> to vector<16xf32>
      %get3A_279 = arith.index_cast %scan3A_24 : i32 to index
      %get3A_280 = arith.constant 288 : index
      %get3A_281 = tpu.vector_load %arg9[%get3A_279, %get3A_280] {strides = array<i32>} : memref<64x768xf32, #tpu.memory_space<vmem>>, vector<1x16xf32>,
      %get3A_282 = vector.shape_cast %get3A_281 : vector<1x16xf32> to vector<16xf32>
      %add3A_283 = arith.addf %get3A_278, %get3A_282 : vector<16xf32>
      %swap3A_284 = arith.index_cast %scan3A_24 : i32 to index
      %swap3A_285 = arith.constant 288 : index
      %swap3A_286 = tpu.vector_load %arg8[%swap3A_284, %swap3A_285] {strides = array<i32>} : memref<64x768xf32, #tpu.memory_space<vmem>>, vector<1x16xf32>,
      %swap3A_287 = vector.shape_cast %swap3A_286 : vector<1x16xf32> to vector<16xf32>
      %swap3A_288 = vector.shape_cast %add3A_283 : vector<16xf32> to vector<1x16xf32>
      tpu.vector_store %arg8[%swap3A_284, %swap3A_285], %swap3A_288 {strides = array<i32>} : memref<64x768xf32, #tpu.memory_space<vmem>>, vector<1x16xf32>,
      %get3A_289 = arith.index_cast %scan3A_24 : i32 to index
      %get3A_290 = arith.constant 304 : index
      %get3A_291 = tpu.vector_load %arg8[%get3A_289, %get3A_290] {strides = array<i32>} : memref<64x768xf32, #tpu.memory_space<vmem>>, vector<1x16xf32>,
      %get3A_292 = vector.shape_cast %get3A_291 : vector<1x16xf32> to vector<16xf32>
      %get3A_293 = arith.index_cast %scan3A_24 : i32 to index
      %get3A_294 = arith.constant 304 : index
      %get3A_295 = tpu.vector_load %arg9[%get3A_293, %get3A_294] {strides = array<i32>} : memref<64x768xf32, #tpu.memory_space<vmem>>, vector<1x16xf32>,
      %get3A_296 = vector.shape_cast %get3A_295 : vector<1x16xf32> to vector<16xf32>
      %add3A_297 = arith.addf %get3A_292, %get3A_296 : vector<16xf32>
      %swap3A_298 = arith.index_cast %scan3A_24 : i32 to index
      %swap3A_299 = arith.constant 304 : index
      %swap3A_300 = tpu.vector_load %arg8[%swap3A_298, %swap3A_299] {strides = array<i32>} : memref<64x768xf32, #tpu.memory_space<vmem>>, vector<1x16xf32>,
      %swap3A_301 = vector.shape_cast %swap3A_300 : vector<1x16xf32> to vector<16xf32>
      %swap3A_302 = vector.shape_cast %add3A_297 : vector<16xf32> to vector<1x16xf32>
      tpu.vector_store %arg8[%swap3A_298, %swap3A_299], %swap3A_302 {strides = array<i32>} : memref<64x768xf32, #tpu.memory_space<vmem>>, vector<1x16xf32>,
      %get3A_303 = arith.index_cast %scan3A_24 : i32 to index
      %get3A_304 = arith.constant 320 : index
      %get3A_305 = tpu.vector_load %arg8[%get3A_303, %get3A_304] {strides = array<i32>} : memref<64x768xf32, #tpu.memory_space<vmem>>, vector<1x16xf32>,
      %get3A_306 = vector.shape_cast %get3A_305 : vector<1x16xf32> to vector<16xf32>
      %get3A_307 = arith.index_cast %scan3A_24 : i32 to index
      %get3A_308 = arith.constant 320 : index
      %get3A_309 = tpu.vector_load %arg9[%get3A_307, %get3A_308] {strides = array<i32>} : memref<64x768xf32, #tpu.memory_space<vmem>>, vector<1x16xf32>,
      %get3A_310 = vector.shape_cast %get3A_309 : vector<1x16xf32> to vector<16xf32>
      %add3A_311 = arith.addf %get3A_306, %get3A_310 : vector<16xf32>
      %swap3A_312 = arith.index_cast %scan3A_24 : i32 to index
      %swap3A_313 = arith.constant 320 : index
      %swap3A_314 = tpu.vector_load %arg8[%swap3A_312, %swap3A_313] {strides = array<i32>} : memref<64x768xf32, #tpu.memory_space<vmem>>, vector<1x16xf32>,
      %swap3A_315 = vector.shape_cast %swap3A_314 : vector<1x16xf32> to vector<16xf32>
      %swap3A_316 = vector.shape_cast %add3A_311 : vector<16xf32> to vector<1x16xf32>
      tpu.vector_store %arg8[%swap3A_312, %swap3A_313], %swap3A_316 {strides = array<i32>} : memref<64x768xf32, #tpu.memory_space<vmem>>, vector<1x16xf32>,
      %get3A_317 = arith.index_cast %scan3A_24 : i32 to index
      %get3A_318 = arith.constant 336 : index
      %get3A_319 = tpu.vector_load %arg8[%get3A_317, %get3A_318] {strides = array<i32>} : memref<64x768xf32, #tpu.memory_space<vmem>>, vector<1x16xf32>,
      %get3A_320 = vector.shape_cast %get3A_319 : vector<1x16xf32> to vector<16xf32>
      %get3A_321 = arith.index_cast %scan3A_24 : i32 to index
      %get3A_322 = arith.constant 336 : index
      %get3A_323 = tpu.vector_load %arg9[%get3A_321, %get3A_322] {strides = array<i32>} : memref<64x768xf32, #tpu.memory_space<vmem>>, vector<1x16xf32>,
      %get3A_324 = vector.shape_cast %get3A_323 : vector<1x16xf32> to vector<16xf32>
      %add3A_325 = arith.addf %get3A_320, %get3A_324 : vector<16xf32>
      %swap3A_326 = arith.index_cast %scan3A_24 : i32 to index
      %swap3A_327 = arith.constant 336 : index
      %swap3A_328 = tpu.vector_load %arg8[%swap3A_326, %swap3A_327] {strides = array<i32>} : memref<64x768xf32, #tpu.memory_space<vmem>>, vector<1x16xf32>,
      %swap3A_329 = vector.shape_cast %swap3A_328 : vector<1x16xf32> to vector<16xf32>
      %swap3A_330 = vector.shape_cast %add3A_325 : vector<16xf32> to vector<1x16xf32>
      tpu.vector_store %arg8[%swap3A_326, %swap3A_327], %swap3A_330 {strides = array<i32>} : memref<64x768xf32, #tpu.memory_space<vmem>>, vector<1x16xf32>,
      %get3A_331 = arith.index_cast %scan3A_24 : i32 to index
      %get3A_332 = arith.constant 352 : index
      %get3A_333 = tpu.vector_load %arg8[%get3A_331, %get3A_332] {strides = array<i32>} : memref<64x768xf32, #tpu.memory_space<vmem>>, vector<1x16xf32>,
      %get3A_334 = vector.shape_cast %get3A_333 : vector<1x16xf32> to vector<16xf32>
      %get3A_335 = arith.index_cast %scan3A_24 : i32 to index
      %get3A_336 = arith.constant 352 : index
      %get3A_337 = tpu.vector_load %arg9[%get3A_335, %get3A_336] {strides = array<i32>} : memref<64x768xf32, #tpu.memory_space<vmem>>, vector<1x16xf32>,
      %get3A_338 = vector.shape_cast %get3A_337 : vector<1x16xf32> to vector<16xf32>
      %add3A_339 = arith.addf %get3A_334, %get3A_338 : vector<16xf32>
      %swap3A_340 = arith.index_cast %scan3A_24 : i32 to index
      %swap3A_341 = arith.constant 352 : index
      %swap3A_342 = tpu.vector_load %arg8[%swap3A_340, %swap3A_341] {strides = array<i32>} : memref<64x768xf32, #tpu.memory_space<vmem>>, vector<1x16xf32>,
      %swap3A_343 = vector.shape_cast %swap3A_342 : vector<1x16xf32> to vector<16xf32>
      %swap3A_344 = vector.shape_cast %add3A_339 : vector<16xf32> to vector<1x16xf32>
      tpu.vector_store %arg8[%swap3A_340, %swap3A_341], %swap3A_344 {strides = array<i32>} : memref<64x768xf32, #tpu.memory_space<vmem>>, vector<1x16xf32>,
      %get3A_345 = arith.index_cast %scan3A_24 : i32 to index
      %get3A_346 = arith.constant 368 : index
      %get3A_347 = tpu.vector_load %arg8[%get3A_345, %get3A_346] {strides = array<i32>} : memref<64x768xf32, #tpu.memory_space<vmem>>, vector<1x16xf32>,
      %get3A_348 = vector.shape_cast %get3A_347 : vector<1x16xf32> to vector<16xf32>
      %get3A_349 = arith.index_cast %scan3A_24 : i32 to index
      %get3A_350 = arith.constant 368 : index
      %get3A_351 = tpu.vector_load %arg9[%get3A_349, %get3A_350] {strides = array<i32>} : memref<64x768xf32, #tpu.memory_space<vmem>>, vector<1x16xf32>,
      %get3A_352 = vector.shape_cast %get3A_351 : vector<1x16xf32> to vector<16xf32>
      %add3A_353 = arith.addf %get3A_348, %get3A_352 : vector<16xf32>
      %swap3A_354 = arith.index_cast %scan3A_24 : i32 to index
      %swap3A_355 = arith.constant 368 : index
      %swap3A_356 = tpu.vector_load %arg8[%swap3A_354, %swap3A_355] {strides = array<i32>} : memref<64x768xf32, #tpu.memory_space<vmem>>, vector<1x16xf32>,
      %swap3A_357 = vector.shape_cast %swap3A_356 : vector<1x16xf32> to vector<16xf32>
      %swap3A_358 = vector.shape_cast %add3A_353 : vector<16xf32> to vector<1x16xf32>
      tpu.vector_store %arg8[%swap3A_354, %swap3A_355], %swap3A_358 {strides = array<i32>} : memref<64x768xf32, #tpu.memory_space<vmem>>, vector<1x16xf32>,
      %get3A_359 = arith.index_cast %scan3A_24 : i32 to index
      %get3A_360 = arith.constant 384 : index
      %get3A_361 = tpu.vector_load %arg8[%get3A_359, %get3A_360] {strides = array<i32>} : memref<64x768xf32, #tpu.memory_space<vmem>>, vector<1x16xf32>,
      %get3A_362 = vector.shape_cast %get3A_361 : vector<1x16xf32> to vector<16xf32>
      %get3A_363 = arith.index_cast %scan3A_24 : i32 to index
      %get3A_364 = arith.constant 384 : index
      %get3A_365 = tpu.vector_load %arg9[%get3A_363, %get3A_364] {strides = array<i32>} : memref<64x768xf32, #tpu.memory_space<vmem>>, vector<1x16xf32>,
      %get3A_366 = vector.shape_cast %get3A_365 : vector<1x16xf32> to vector<16xf32>
      %add3A_367 = arith.addf %get3A_362, %get3A_366 : vector<16xf32>
      %swap3A_368 = arith.index_cast %scan3A_24 : i32 to index
      %swap3A_369 = arith.constant 384 : index
      %swap3A_370 = tpu.vector_load %arg8[%swap3A_368, %swap3A_369] {strides = array<i32>} : memref<64x768xf32, #tpu.memory_space<vmem>>, vector<1x16xf32>,
      %swap3A_371 = vector.shape_cast %swap3A_370 : vector<1x16xf32> to vector<16xf32>
      %swap3A_372 = vector.shape_cast %add3A_367 : vector<16xf32> to vector<1x16xf32>
      tpu.vector_store %arg8[%swap3A_368, %swap3A_369], %swap3A_372 {strides = array<i32>} : memref<64x768xf32, #tpu.memory_space<vmem>>, vector<1x16xf32>,
      %get3A_373 = arith.index_cast %scan3A_24 : i32 to index
      %get3A_374 = arith.constant 400 : index
      %get3A_375 = tpu.vector_load %arg8[%get3A_373, %get3A_374] {strides = array<i32>} : memref<64x768xf32, #tpu.memory_space<vmem>>, vector<1x16xf32>,
      %get3A_376 = vector.shape_cast %get3A_375 : vector<1x16xf32> to vector<16xf32>
      %get3A_377 = arith.index_cast %scan3A_24 : i32 to index
      %get3A_378 = arith.constant 400 : index
      %get3A_379 = tpu.vector_load %arg9[%get3A_377, %get3A_378] {strides = array<i32>} : memref<64x768xf32, #tpu.memory_space<vmem>>, vector<1x16xf32>,
      %get3A_380 = vector.shape_cast %get3A_379 : vector<1x16xf32> to vector<16xf32>
      %add3A_381 = arith.addf %get3A_376, %get3A_380 : vector<16xf32>
      %swap3A_382 = arith.index_cast %scan3A_24 : i32 to index
      %swap3A_383 = arith.constant 400 : index
      %swap3A_384 = tpu.vector_load %arg8[%swap3A_382, %swap3A_383] {strides = array<i32>} : memref<64x768xf32, #tpu.memory_space<vmem>>, vector<1x16xf32>,
      %swap3A_385 = vector.shape_cast %swap3A_384 : vector<1x16xf32> to vector<16xf32>
      %swap3A_386 = vector.shape_cast %add3A_381 : vector<16xf32> to vector<1x16xf32>
      tpu.vector_store %arg8[%swap3A_382, %swap3A_383], %swap3A_386 {strides = array<i32>} : memref<64x768xf32, #tpu.memory_space<vmem>>, vector<1x16xf32>,
      %get3A_387 = arith.index_cast %scan3A_24 : i32 to index
      %get3A_388 = arith.constant 416 : index
      %get3A_389 = tpu.vector_load %arg8[%get3A_387, %get3A_388] {strides = array<i32>} : memref<64x768xf32, #tpu.memory_space<vmem>>, vector<1x16xf32>,
      %get3A_390 = vector.shape_cast %get3A_389 : vector<1x16xf32> to vector<16xf32>
      %get3A_391 = arith.index_cast %scan3A_24 : i32 to index
      %get3A_392 = arith.constant 416 : index
      %get3A_393 = tpu.vector_load %arg9[%get3A_391, %get3A_392] {strides = array<i32>} : memref<64x768xf32, #tpu.memory_space<vmem>>, vector<1x16xf32>,
      %get3A_394 = vector.shape_cast %get3A_393 : vector<1x16xf32> to vector<16xf32>
      %add3A_395 = arith.addf %get3A_390, %get3A_394 : vector<16xf32>
      %swap3A_396 = arith.index_cast %scan3A_24 : i32 to index
      %swap3A_397 = arith.constant 416 : index
      %swap3A_398 = tpu.vector_load %arg8[%swap3A_396, %swap3A_397] {strides = array<i32>} : memref<64x768xf32, #tpu.memory_space<vmem>>, vector<1x16xf32>,
      %swap3A_399 = vector.shape_cast %swap3A_398 : vector<1x16xf32> to vector<16xf32>
      %swap3A_400 = vector.shape_cast %add3A_395 : vector<16xf32> to vector<1x16xf32>
      tpu.vector_store %arg8[%swap3A_396, %swap3A_397], %swap3A_400 {strides = array<i32>} : memref<64x768xf32, #tpu.memory_space<vmem>>, vector<1x16xf32>,
      %get3A_401 = arith.index_cast %scan3A_24 : i32 to index
      %get3A_402 = arith.constant 432 : index
      %get3A_403 = tpu.vector_load %arg8[%get3A_401, %get3A_402] {strides = array<i32>} : memref<64x768xf32, #tpu.memory_space<vmem>>, vector<1x16xf32>,
      %get3A_404 = vector.shape_cast %get3A_403 : vector<1x16xf32> to vector<16xf32>
      %get3A_405 = arith.index_cast %scan3A_24 : i32 to index
      %get3A_406 = arith.constant 432 : index
      %get3A_407 = tpu.vector_load %arg9[%get3A_405, %get3A_406] {strides = array<i32>} : memref<64x768xf32, #tpu.memory_space<vmem>>, vector<1x16xf32>,
      %get3A_408 = vector.shape_cast %get3A_407 : vector<1x16xf32> to vector<16xf32>
      %add3A_409 = arith.addf %get3A_404, %get3A_408 : vector<16xf32>
      %swap3A_410 = arith.index_cast %scan3A_24 : i32 to index
      %swap3A_411 = arith.constant 432 : index
      %swap3A_412 = tpu.vector_load %arg8[%swap3A_410, %swap3A_411] {strides = array<i32>} : memref<64x768xf32, #tpu.memory_space<vmem>>, vector<1x16xf32>,
      %swap3A_413 = vector.shape_cast %swap3A_412 : vector<1x16xf32> to vector<16xf32>
      %swap3A_414 = vector.shape_cast %add3A_409 : vector<16xf32> to vector<1x16xf32>
      tpu.vector_store %arg8[%swap3A_410, %swap3A_411], %swap3A_414 {strides = array<i32>} : memref<64x768xf32, #tpu.memory_space<vmem>>, vector<1x16xf32>,
      %get3A_415 = arith.index_cast %scan3A_24 : i32 to index
      %get3A_416 = arith.constant 448 : index
      %get3A_417 = tpu.vector_load %arg8[%get3A_415, %get3A_416] {strides = array<i32>} : memref<64x768xf32, #tpu.memory_space<vmem>>, vector<1x16xf32>,
      %get3A_418 = vector.shape_cast %get3A_417 : vector<1x16xf32> to vector<16xf32>
      %get3A_419 = arith.index_cast %scan3A_24 : i32 to index
      %get3A_420 = arith.constant 448 : index
      %get3A_421 = tpu.vector_load %arg9[%get3A_419, %get3A_420] {strides = array<i32>} : memref<64x768xf32, #tpu.memory_space<vmem>>, vector<1x16xf32>,
      %get3A_422 = vector.shape_cast %get3A_421 : vector<1x16xf32> to vector<16xf32>
      %add3A_423 = arith.addf %get3A_418, %get3A_422 : vector<16xf32>
      %swap3A_424 = arith.index_cast %scan3A_24 : i32 to index
      %swap3A_425 = arith.constant 448 : index
      %swap3A_426 = tpu.vector_load %arg8[%swap3A_424, %swap3A_425] {strides = array<i32>} : memref<64x768xf32, #tpu.memory_space<vmem>>, vector<1x16xf32>,
      %swap3A_427 = vector.shape_cast %swap3A_426 : vector<1x16xf32> to vector<16xf32>
      %swap3A_428 = vector.shape_cast %add3A_423 : vector<16xf32> to vector<1x16xf32>
      tpu.vector_store %arg8[%swap3A_424, %swap3A_425], %swap3A_428 {strides = array<i32>} : memref<64x768xf32, #tpu.memory_space<vmem>>, vector<1x16xf32>,
      %get3A_429 = arith.index_cast %scan3A_24 : i32 to index
      %get3A_430 = arith.constant 464 : index
      %get3A_431 = tpu.vector_load %arg8[%get3A_429, %get3A_430] {strides = array<i32>} : memref<64x768xf32, #tpu.memory_space<vmem>>, vector<1x16xf32>,
      %get3A_432 = vector.shape_cast %get3A_431 : vector<1x16xf32> to vector<16xf32>
      %get3A_433 = arith.index_cast %scan3A_24 : i32 to index
      %get3A_434 = arith.constant 464 : index
      %get3A_435 = tpu.vector_load %arg9[%get3A_433, %get3A_434] {strides = array<i32>} : memref<64x768xf32, #tpu.memory_space<vmem>>, vector<1x16xf32>,
      %get3A_436 = vector.shape_cast %get3A_435 : vector<1x16xf32> to vector<16xf32>
      %add3A_437 = arith.addf %get3A_432, %get3A_436 : vector<16xf32>
      %swap3A_438 = arith.index_cast %scan3A_24 : i32 to index
      %swap3A_439 = arith.constant 464 : index
      %swap3A_440 = tpu.vector_load %arg8[%swap3A_438, %swap3A_439] {strides = array<i32>} : memref<64x768xf32, #tpu.memory_space<vmem>>, vector<1x16xf32>,
      %swap3A_441 = vector.shape_cast %swap3A_440 : vector<1x16xf32> to vector<16xf32>
      %swap3A_442 = vector.shape_cast %add3A_437 : vector<16xf32> to vector<1x16xf32>
      tpu.vector_store %arg8[%swap3A_438, %swap3A_439], %swap3A_442 {strides = array<i32>} : memref<64x768xf32, #tpu.memory_space<vmem>>, vector<1x16xf32>,
      %get3A_443 = arith.index_cast %scan3A_24 : i32 to index
      %get3A_444 = arith.constant 480 : index
      %get3A_445 = tpu.vector_load %arg8[%get3A_443, %get3A_444] {strides = array<i32>} : memref<64x768xf32, #tpu.memory_space<vmem>>, vector<1x16xf32>,
      %get3A_446 = vector.shape_cast %get3A_445 : vector<1x16xf32> to vector<16xf32>
      %get3A_447 = arith.index_cast %scan3A_24 : i32 to index
      %get3A_448 = arith.constant 480 : index
      %get3A_449 = tpu.vector_load %arg9[%get3A_447, %get3A_448] {strides = array<i32>} : memref<64x768xf32, #tpu.memory_space<vmem>>, vector<1x16xf32>,
      %get3A_450 = vector.shape_cast %get3A_449 : vector<1x16xf32> to vector<16xf32>
      %add3A_451 = arith.addf %get3A_446, %get3A_450 : vector<16xf32>
      %swap3A_452 = arith.index_cast %scan3A_24 : i32 to index
      %swap3A_453 = arith.constant 480 : index
      %swap3A_454 = tpu.vector_load %arg8[%swap3A_452, %swap3A_453] {strides = array<i32>} : memref<64x768xf32, #tpu.memory_space<vmem>>, vector<1x16xf32>,
      %swap3A_455 = vector.shape_cast %swap3A_454 : vector<1x16xf32> to vector<16xf32>
      %swap3A_456 = vector.shape_cast %add3A_451 : vector<16xf32> to vector<1x16xf32>
      tpu.vector_store %arg8[%swap3A_452, %swap3A_453], %swap3A_456 {strides = array<i32>} : memref<64x768xf32, #tpu.memory_space<vmem>>, vector<1x16xf32>,
      %get3A_457 = arith.index_cast %scan3A_24 : i32 to index
      %get3A_458 = arith.constant 496 : index
      %get3A_459 = tpu.vector_load %arg8[%get3A_457, %get3A_458] {strides = array<i32>} : memref<64x768xf32, #tpu.memory_space<vmem>>, vector<1x16xf32>,
      %get3A_460 = vector.shape_cast %get3A_459 : vector<1x16xf32> to vector<16xf32>
      %get3A_461 = arith.index_cast %scan3A_24 : i32 to index
      %get3A_462 = arith.constant 496 : index
      %get3A_463 = tpu.vector_load %arg9[%get3A_461, %get3A_462] {strides = array<i32>} : memref<64x768xf32, #tpu.memory_space<vmem>>, vector<1x16xf32>,
      %get3A_464 = vector.shape_cast %get3A_463 : vector<1x16xf32> to vector<16xf32>
      %add3A_465 = arith.addf %get3A_460, %get3A_464 : vector<16xf32>
      %swap3A_466 = arith.index_cast %scan3A_24 : i32 to index
      %swap3A_467 = arith.constant 496 : index
      %swap3A_468 = tpu.vector_load %arg8[%swap3A_466, %swap3A_467] {strides = array<i32>} : memref<64x768xf32, #tpu.memory_space<vmem>>, vector<1x16xf32>,
      %swap3A_469 = vector.shape_cast %swap3A_468 : vector<1x16xf32> to vector<16xf32>
      %swap3A_470 = vector.shape_cast %add3A_465 : vector<16xf32> to vector<1x16xf32>
      tpu.vector_store %arg8[%swap3A_466, %swap3A_467], %swap3A_470 {strides = array<i32>} : memref<64x768xf32, #tpu.memory_space<vmem>>, vector<1x16xf32>,
      %get3A_471 = arith.index_cast %scan3A_24 : i32 to index
      %get3A_472 = arith.constant 512 : index
      %get3A_473 = tpu.vector_load %arg8[%get3A_471, %get3A_472] {strides = array<i32>} : memref<64x768xf32, #tpu.memory_space<vmem>>, vector<1x16xf32>,
      %get3A_474 = vector.shape_cast %get3A_473 : vector<1x16xf32> to vector<16xf32>
      %get3A_475 = arith.index_cast %scan3A_24 : i32 to index
      %get3A_476 = arith.constant 512 : index
      %get3A_477 = tpu.vector_load %arg9[%get3A_475, %get3A_476] {strides = array<i32>} : memref<64x768xf32, #tpu.memory_space<vmem>>, vector<1x16xf32>,
      %get3A_478 = vector.shape_cast %get3A_477 : vector<1x16xf32> to vector<16xf32>
      %add3A_479 = arith.addf %get3A_474, %get3A_478 : vector<16xf32>
      %swap3A_480 = arith.index_cast %scan3A_24 : i32 to index
      %swap3A_481 = arith.constant 512 : index
      %swap3A_482 = tpu.vector_load %arg8[%swap3A_480, %swap3A_481] {strides = array<i32>} : memref<64x768xf32, #tpu.memory_space<vmem>>, vector<1x16xf32>,
      %swap3A_483 = vector.shape_cast %swap3A_482 : vector<1x16xf32> to vector<16xf32>
      %swap3A_484 = vector.shape_cast %add3A_479 : vector<16xf32> to vector<1x16xf32>
      tpu.vector_store %arg8[%swap3A_480, %swap3A_481], %swap3A_484 {strides = array<i32>} : memref<64x768xf32, #tpu.memory_space<vmem>>, vector<1x16xf32>,
      %get3A_485 = arith.index_cast %scan3A_24 : i32 to index
      %get3A_486 = arith.constant 528 : index
      %get3A_487 = tpu.vector_load %arg8[%get3A_485, %get3A_486] {strides = array<i32>} : memref<64x768xf32, #tpu.memory_space<vmem>>, vector<1x16xf32>,
      %get3A_488 = vector.shape_cast %get3A_487 : vector<1x16xf32> to vector<16xf32>
      %get3A_489 = arith.index_cast %scan3A_24 : i32 to index
      %get3A_490 = arith.constant 528 : index
      %get3A_491 = tpu.vector_load %arg9[%get3A_489, %get3A_490] {strides = array<i32>} : memref<64x768xf32, #tpu.memory_space<vmem>>, vector<1x16xf32>,
      %get3A_492 = vector.shape_cast %get3A_491 : vector<1x16xf32> to vector<16xf32>
      %add3A_493 = arith.addf %get3A_488, %get3A_492 : vector<16xf32>
      %swap3A_494 = arith.index_cast %scan3A_24 : i32 to index
      %swap3A_495 = arith.constant 528 : index
      %swap3A_496 = tpu.vector_load %arg8[%swap3A_494, %swap3A_495] {strides = array<i32>} : memref<64x768xf32, #tpu.memory_space<vmem>>, vector<1x16xf32>,
      %swap3A_497 = vector.shape_cast %swap3A_496 : vector<1x16xf32> to vector<16xf32>
      %swap3A_498 = vector.shape_cast %add3A_493 : vector<16xf32> to vector<1x16xf32>
      tpu.vector_store %arg8[%swap3A_494, %swap3A_495], %swap3A_498 {strides = array<i32>} : memref<64x768xf32, #tpu.memory_space<vmem>>, vector<1x16xf32>,
      %get3A_499 = arith.index_cast %scan3A_24 : i32 to index
      %get3A_500 = arith.constant 544 : index
      %get3A_501 = tpu.vector_load %arg8[%get3A_499, %get3A_500] {strides = array<i32>} : memref<64x768xf32, #tpu.memory_space<vmem>>, vector<1x16xf32>,
      %get3A_502 = vector.shape_cast %get3A_501 : vector<1x16xf32> to vector<16xf32>
      %get3A_503 = arith.index_cast %scan3A_24 : i32 to index
      %get3A_504 = arith.constant 544 : index
      %get3A_505 = tpu.vector_load %arg9[%get3A_503, %get3A_504] {strides = array<i32>} : memref<64x768xf32, #tpu.memory_space<vmem>>, vector<1x16xf32>,
      %get3A_506 = vector.shape_cast %get3A_505 : vector<1x16xf32> to vector<16xf32>
      %add3A_507 = arith.addf %get3A_502, %get3A_506 : vector<16xf32>
      %swap3A_508 = arith.index_cast %scan3A_24 : i32 to index
      %swap3A_509 = arith.constant 544 : index
      %swap3A_510 = tpu.vector_load %arg8[%swap3A_508, %swap3A_509] {strides = array<i32>} : memref<64x768xf32, #tpu.memory_space<vmem>>, vector<1x16xf32>,
      %swap3A_511 = vector.shape_cast %swap3A_510 : vector<1x16xf32> to vector<16xf32>
      %swap3A_512 = vector.shape_cast %add3A_507 : vector<16xf32> to vector<1x16xf32>
      tpu.vector_store %arg8[%swap3A_508, %swap3A_509], %swap3A_512 {strides = array<i32>} : memref<64x768xf32, #tpu.memory_space<vmem>>, vector<1x16xf32>,
      %get3A_513 = arith.index_cast %scan3A_24 : i32 to index
      %get3A_514 = arith.constant 560 : index
      %get3A_515 = tpu.vector_load %arg8[%get3A_513, %get3A_514] {strides = array<i32>} : memref<64x768xf32, #tpu.memory_space<vmem>>, vector<1x16xf32>,
      %get3A_516 = vector.shape_cast %get3A_515 : vector<1x16xf32> to vector<16xf32>
      %get3A_517 = arith.index_cast %scan3A_24 : i32 to index
      %get3A_518 = arith.constant 560 : index
      %get3A_519 = tpu.vector_load %arg9[%get3A_517, %get3A_518] {strides = array<i32>} : memref<64x768xf32, #tpu.memory_space<vmem>>, vector<1x16xf32>,
      %get3A_520 = vector.shape_cast %get3A_519 : vector<1x16xf32> to vector<16xf32>
      %add3A_521 = arith.addf %get3A_516, %get3A_520 : vector<16xf32>
      %swap3A_522 = arith.index_cast %scan3A_24 : i32 to index
      %swap3A_523 = arith.constant 560 : index
      %swap3A_524 = tpu.vector_load %arg8[%swap3A_522, %swap3A_523] {strides = array<i32>} : memref<64x768xf32, #tpu.memory_space<vmem>>, vector<1x16xf32>,
      %swap3A_525 = vector.shape_cast %swap3A_524 : vector<1x16xf32> to vector<16xf32>
      %swap3A_526 = vector.shape_cast %add3A_521 : vector<16xf32> to vector<1x16xf32>
      tpu.vector_store %arg8[%swap3A_522, %swap3A_523], %swap3A_526 {strides = array<i32>} : memref<64x768xf32, #tpu.memory_space<vmem>>, vector<1x16xf32>,
      %get3A_527 = arith.index_cast %scan3A_24 : i32 to index
      %get3A_528 = arith.constant 576 : index
      %get3A_529 = tpu.vector_load %arg8[%get3A_527, %get3A_528] {strides = array<i32>} : memref<64x768xf32, #tpu.memory_space<vmem>>, vector<1x16xf32>,
      %get3A_530 = vector.shape_cast %get3A_529 : vector<1x16xf32> to vector<16xf32>
      %get3A_531 = arith.index_cast %scan3A_24 : i32 to index
      %get3A_532 = arith.constant 576 : index
      %get3A_533 = tpu.vector_load %arg9[%get3A_531, %get3A_532] {strides = array<i32>} : memref<64x768xf32, #tpu.memory_space<vmem>>, vector<1x16xf32>,
      %get3A_534 = vector.shape_cast %get3A_533 : vector<1x16xf32> to vector<16xf32>
      %add3A_535 = arith.addf %get3A_530, %get3A_534 : vector<16xf32>
      %swap3A_536 = arith.index_cast %scan3A_24 : i32 to index
      %swap3A_537 = arith.constant 576 : index
      %swap3A_538 = tpu.vector_load %arg8[%swap3A_536, %swap3A_537] {strides = array<i32>} : memref<64x768xf32, #tpu.memory_space<vmem>>, vector<1x16xf32>,
      %swap3A_539 = vector.shape_cast %swap3A_538 : vector<1x16xf32> to vector<16xf32>
      %swap3A_540 = vector.shape_cast %add3A_535 : vector<16xf32> to vector<1x16xf32>
      tpu.vector_store %arg8[%swap3A_536, %swap3A_537], %swap3A_540 {strides = array<i32>} : memref<64x768xf32, #tpu.memory_space<vmem>>, vector<1x16xf32>,
      %get3A_541 = arith.index_cast %scan3A_24 : i32 to index
      %get3A_542 = arith.constant 592 : index
      %get3A_543 = tpu.vector_load %arg8[%get3A_541, %get3A_542] {strides = array<i32>} : memref<64x768xf32, #tpu.memory_space<vmem>>, vector<1x16xf32>,
      %get3A_544 = vector.shape_cast %get3A_543 : vector<1x16xf32> to vector<16xf32>
      %get3A_545 = arith.index_cast %scan3A_24 : i32 to index
      %get3A_546 = arith.constant 592 : index
      %get3A_547 = tpu.vector_load %arg9[%get3A_545, %get3A_546] {strides = array<i32>} : memref<64x768xf32, #tpu.memory_space<vmem>>, vector<1x16xf32>,
      %get3A_548 = vector.shape_cast %get3A_547 : vector<1x16xf32> to vector<16xf32>
      %add3A_549 = arith.addf %get3A_544, %get3A_548 : vector<16xf32>
      %swap3A_550 = arith.index_cast %scan3A_24 : i32 to index
      %swap3A_551 = arith.constant 592 : index
      %swap3A_552 = tpu.vector_load %arg8[%swap3A_550, %swap3A_551] {strides = array<i32>} : memref<64x768xf32, #tpu.memory_space<vmem>>, vector<1x16xf32>,
      %swap3A_553 = vector.shape_cast %swap3A_552 : vector<1x16xf32> to vector<16xf32>
      %swap3A_554 = vector.shape_cast %add3A_549 : vector<16xf32> to vector<1x16xf32>
      tpu.vector_store %arg8[%swap3A_550, %swap3A_551], %swap3A_554 {strides = array<i32>} : memref<64x768xf32, #tpu.memory_space<vmem>>, vector<1x16xf32>,
      %get3A_555 = arith.index_cast %scan3A_24 : i32 to index
      %get3A_556 = arith.constant 608 : index
      %get3A_557 = tpu.vector_load %arg8[%get3A_555, %get3A_556] {strides = array<i32>} : memref<64x768xf32, #tpu.memory_space<vmem>>, vector<1x16xf32>,
      %get3A_558 = vector.shape_cast %get3A_557 : vector<1x16xf32> to vector<16xf32>
      %get3A_559 = arith.index_cast %scan3A_24 : i32 to index
      %get3A_560 = arith.constant 608 : index
      %get3A_561 = tpu.vector_load %arg9[%get3A_559, %get3A_560] {strides = array<i32>} : memref<64x768xf32, #tpu.memory_space<vmem>>, vector<1x16xf32>,
      %get3A_562 = vector.shape_cast %get3A_561 : vector<1x16xf32> to vector<16xf32>
      %add3A_563 = arith.addf %get3A_558, %get3A_562 : vector<16xf32>
      %swap3A_564 = arith.index_cast %scan3A_24 : i32 to index
      %swap3A_565 = arith.constant 608 : index
      %swap3A_566 = tpu.vector_load %arg8[%swap3A_564, %swap3A_565] {strides = array<i32>} : memref<64x768xf32, #tpu.memory_space<vmem>>, vector<1x16xf32>,
      %swap3A_567 = vector.shape_cast %swap3A_566 : vector<1x16xf32> to vector<16xf32>
      %swap3A_568 = vector.shape_cast %add3A_563 : vector<16xf32> to vector<1x16xf32>
      tpu.vector_store %arg8[%swap3A_564, %swap3A_565], %swap3A_568 {strides = array<i32>} : memref<64x768xf32, #tpu.memory_space<vmem>>, vector<1x16xf32>,
      %get3A_569 = arith.index_cast %scan3A_24 : i32 to index
      %get3A_570 = arith.constant 624 : index
      %get3A_571 = tpu.vector_load %arg8[%get3A_569, %get3A_570] {strides = array<i32>} : memref<64x768xf32, #tpu.memory_space<vmem>>, vector<1x16xf32>,
      %get3A_572 = vector.shape_cast %get3A_571 : vector<1x16xf32> to vector<16xf32>
      %get3A_573 = arith.index_cast %scan3A_24 : i32 to index
      %get3A_574 = arith.constant 624 : index
      %get3A_575 = tpu.vector_load %arg9[%get3A_573, %get3A_574] {strides = array<i32>} : memref<64x768xf32, #tpu.memory_space<vmem>>, vector<1x16xf32>,
      %get3A_576 = vector.shape_cast %get3A_575 : vector<1x16xf32> to vector<16xf32>
      %add3A_577 = arith.addf %get3A_572, %get3A_576 : vector<16xf32>
      %swap3A_578 = arith.index_cast %scan3A_24 : i32 to index
      %swap3A_579 = arith.constant 624 : index
      %swap3A_580 = tpu.vector_load %arg8[%swap3A_578, %swap3A_579] {strides = array<i32>} : memref<64x768xf32, #tpu.memory_space<vmem>>, vector<1x16xf32>,
      %swap3A_581 = vector.shape_cast %swap3A_580 : vector<1x16xf32> to vector<16xf32>
      %swap3A_582 = vector.shape_cast %add3A_577 : vector<16xf32> to vector<1x16xf32>
      tpu.vector_store %arg8[%swap3A_578, %swap3A_579], %swap3A_582 {strides = array<i32>} : memref<64x768xf32, #tpu.memory_space<vmem>>, vector<1x16xf32>,
      %get3A_583 = arith.index_cast %scan3A_24 : i32 to index
      %get3A_584 = arith.constant 640 : index
      %get3A_585 = tpu.vector_load %arg8[%get3A_583, %get3A_584] {strides = array<i32>} : memref<64x768xf32, #tpu.memory_space<vmem>>, vector<1x16xf32>,
      %get3A_586 = vector.shape_cast %get3A_585 : vector<1x16xf32> to vector<16xf32>
      %get3A_587 = arith.index_cast %scan3A_24 : i32 to index
      %get3A_588 = arith.constant 640 : index
      %get3A_589 = tpu.vector_load %arg9[%get3A_587, %get3A_588] {strides = array<i32>} : memref<64x768xf32, #tpu.memory_space<vmem>>, vector<1x16xf32>,
      %get3A_590 = vector.shape_cast %get3A_589 : vector<1x16xf32> to vector<16xf32>
      %add3A_591 = arith.addf %get3A_586, %get3A_590 : vector<16xf32>
      %swap3A_592 = arith.index_cast %scan3A_24 : i32 to index
      %swap3A_593 = arith.constant 640 : index
      %swap3A_594 = tpu.vector_load %arg8[%swap3A_592, %swap3A_593] {strides = array<i32>} : memref<64x768xf32, #tpu.memory_space<vmem>>, vector<1x16xf32>,
      %swap3A_595 = vector.shape_cast %swap3A_594 : vector<1x16xf32> to vector<16xf32>
      %swap3A_596 = vector.shape_cast %add3A_591 : vector<16xf32> to vector<1x16xf32>
      tpu.vector_store %arg8[%swap3A_592, %swap3A_593], %swap3A_596 {strides = array<i32>} : memref<64x768xf32, #tpu.memory_space<vmem>>, vector<1x16xf32>,
      %get3A_597 = arith.index_cast %scan3A_24 : i32 to index
      %get3A_598 = arith.constant 656 : index
      %get3A_599 = tpu.vector_load %arg8[%get3A_597, %get3A_598] {strides = array<i32>} : memref<64x768xf32, #tpu.memory_space<vmem>>, vector<1x16xf32>,
      %get3A_600 = vector.shape_cast %get3A_599 : vector<1x16xf32> to vector<16xf32>
      %get3A_601 = arith.index_cast %scan3A_24 : i32 to index
      %get3A_602 = arith.constant 656 : index
      %get3A_603 = tpu.vector_load %arg9[%get3A_601, %get3A_602] {strides = array<i32>} : memref<64x768xf32, #tpu.memory_space<vmem>>, vector<1x16xf32>,
      %get3A_604 = vector.shape_cast %get3A_603 : vector<1x16xf32> to vector<16xf32>
      %add3A_605 = arith.addf %get3A_600, %get3A_604 : vector<16xf32>
      %swap3A_606 = arith.index_cast %scan3A_24 : i32 to index
      %swap3A_607 = arith.constant 656 : index
      %swap3A_608 = tpu.vector_load %arg8[%swap3A_606, %swap3A_607] {strides = array<i32>} : memref<64x768xf32, #tpu.memory_space<vmem>>, vector<1x16xf32>,
      %swap3A_609 = vector.shape_cast %swap3A_608 : vector<1x16xf32> to vector<16xf32>
      %swap3A_610 = vector.shape_cast %add3A_605 : vector<16xf32> to vector<1x16xf32>
      tpu.vector_store %arg8[%swap3A_606, %swap3A_607], %swap3A_610 {strides = array<i32>} : memref<64x768xf32, #tpu.memory_space<vmem>>, vector<1x16xf32>,
      %get3A_611 = arith.index_cast %scan3A_24 : i32 to index
      %get3A_612 = arith.constant 672 : index
      %get3A_613 = tpu.vector_load %arg8[%get3A_611, %get3A_612] {strides = array<i32>} : memref<64x768xf32, #tpu.memory_space<vmem>>, vector<1x16xf32>,
      %get3A_614 = vector.shape_cast %get3A_613 : vector<1x16xf32> to vector<16xf32>
      %get3A_615 = arith.index_cast %scan3A_24 : i32 to index
      %get3A_616 = arith.constant 672 : index
      %get3A_617 = tpu.vector_load %arg9[%get3A_615, %get3A_616] {strides = array<i32>} : memref<64x768xf32, #tpu.memory_space<vmem>>, vector<1x16xf32>,
      %get3A_618 = vector.shape_cast %get3A_617 : vector<1x16xf32> to vector<16xf32>
      %add3A_619 = arith.addf %get3A_614, %get3A_618 : vector<16xf32>
      %swap3A_620 = arith.index_cast %scan3A_24 : i32 to index
      %swap3A_621 = arith.constant 672 : index
      %swap3A_622 = tpu.vector_load %arg8[%swap3A_620, %swap3A_621] {strides = array<i32>} : memref<64x768xf32, #tpu.memory_space<vmem>>, vector<1x16xf32>,
      %swap3A_623 = vector.shape_cast %swap3A_622 : vector<1x16xf32> to vector<16xf32>
      %swap3A_624 = vector.shape_cast %add3A_619 : vector<16xf32> to vector<1x16xf32>
      tpu.vector_store %arg8[%swap3A_620, %swap3A_621], %swap3A_624 {strides = array<i32>} : memref<64x768xf32, #tpu.memory_space<vmem>>, vector<1x16xf32>,
      %get3A_625 = arith.index_cast %scan3A_24 : i32 to index
      %get3A_626 = arith.constant 688 : index
      %get3A_627 = tpu.vector_load %arg8[%get3A_625, %get3A_626] {strides = array<i32>} : memref<64x768xf32, #tpu.memory_space<vmem>>, vector<1x16xf32>,
      %get3A_628 = vector.shape_cast %get3A_627 : vector<1x16xf32> to vector<16xf32>
      %get3A_629 = arith.index_cast %scan3A_24 : i32 to index
      %get3A_630 = arith.constant 688 : index
      %get3A_631 = tpu.vector_load %arg9[%get3A_629, %get3A_630] {strides = array<i32>} : memref<64x768xf32, #tpu.memory_space<vmem>>, vector<1x16xf32>,
      %get3A_632 = vector.shape_cast %get3A_631 : vector<1x16xf32> to vector<16xf32>
      %add3A_633 = arith.addf %get3A_628, %get3A_632 : vector<16xf32>
      %swap3A_634 = arith.index_cast %scan3A_24 : i32 to index
      %swap3A_635 = arith.constant 688 : index
      %swap3A_636 = tpu.vector_load %arg8[%swap3A_634, %swap3A_635] {strides = array<i32>} : memref<64x768xf32, #tpu.memory_space<vmem>>, vector<1x16xf32>,
      %swap3A_637 = vector.shape_cast %swap3A_636 : vector<1x16xf32> to vector<16xf32>
      %swap3A_638 = vector.shape_cast %add3A_633 : vector<16xf32> to vector<1x16xf32>
      tpu.vector_store %arg8[%swap3A_634, %swap3A_635], %swap3A_638 {strides = array<i32>} : memref<64x768xf32, #tpu.memory_space<vmem>>, vector<1x16xf32>,
      %get3A_639 = arith.index_cast %scan3A_24 : i32 to index
      %get3A_640 = arith.constant 704 : index
      %get3A_641 = tpu.vector_load %arg8[%get3A_639, %get3A_640] {strides = array<i32>} : memref<64x768xf32, #tpu.memory_space<vmem>>, vector<1x16xf32>,
      %get3A_642 = vector.shape_cast %get3A_641 : vector<1x16xf32> to vector<16xf32>
      %get3A_643 = arith.index_cast %scan3A_24 : i32 to index
      %get3A_644 = arith.constant 704 : index
      %get3A_645 = tpu.vector_load %arg9[%get3A_643, %get3A_644] {strides = array<i32>} : memref<64x768xf32, #tpu.memory_space<vmem>>, vector<1x16xf32>,
      %get3A_646 = vector.shape_cast %get3A_645 : vector<1x16xf32> to vector<16xf32>
      %add3A_647 = arith.addf %get3A_642, %get3A_646 : vector<16xf32>
      %swap3A_648 = arith.index_cast %scan3A_24 : i32 to index
      %swap3A_649 = arith.constant 704 : index
      %swap3A_650 = tpu.vector_load %arg8[%swap3A_648, %swap3A_649] {strides = array<i32>} : memref<64x768xf32, #tpu.memory_space<vmem>>, vector<1x16xf32>,
      %swap3A_651 = vector.shape_cast %swap3A_650 : vector<1x16xf32> to vector<16xf32>
      %swap3A_652 = vector.shape_cast %add3A_647 : vector<16xf32> to vector<1x16xf32>
      tpu.vector_store %arg8[%swap3A_648, %swap3A_649], %swap3A_652 {strides = array<i32>} : memref<64x768xf32, #tpu.memory_space<vmem>>, vector<1x16xf32>,
      %get3A_653 = arith.index_cast %scan3A_24 : i32 to index
      %get3A_654 = arith.constant 720 : index
      %get3A_655 = tpu.vector_load %arg8[%get3A_653, %get3A_654] {strides = array<i32>} : memref<64x768xf32, #tpu.memory_space<vmem>>, vector<1x16xf32>,
      %get3A_656 = vector.shape_cast %get3A_655 : vector<1x16xf32> to vector<16xf32>
      %get3A_657 = arith.index_cast %scan3A_24 : i32 to index
      %get3A_658 = arith.constant 720 : index
      %get3A_659 = tpu.vector_load %arg9[%get3A_657, %get3A_658] {strides = array<i32>} : memref<64x768xf32, #tpu.memory_space<vmem>>, vector<1x16xf32>,
      %get3A_660 = vector.shape_cast %get3A_659 : vector<1x16xf32> to vector<16xf32>
      %add3A_661 = arith.addf %get3A_656, %get3A_660 : vector<16xf32>
      %swap3A_662 = arith.index_cast %scan3A_24 : i32 to index
      %swap3A_663 = arith.constant 720 : index
      %swap3A_664 = tpu.vector_load %arg8[%swap3A_662, %swap3A_663] {strides = array<i32>} : memref<64x768xf32, #tpu.memory_space<vmem>>, vector<1x16xf32>,
      %swap3A_665 = vector.shape_cast %swap3A_664 : vector<1x16xf32> to vector<16xf32>
      %swap3A_666 = vector.shape_cast %add3A_661 : vector<16xf32> to vector<1x16xf32>
      tpu.vector_store %arg8[%swap3A_662, %swap3A_663], %swap3A_666 {strides = array<i32>} : memref<64x768xf32, #tpu.memory_space<vmem>>, vector<1x16xf32>,
      %get3A_667 = arith.index_cast %scan3A_24 : i32 to index
      %get3A_668 = arith.constant 736 : index
      %get3A_669 = tpu.vector_load %arg8[%get3A_667, %get3A_668] {strides = array<i32>} : memref<64x768xf32, #tpu.memory_space<vmem>>, vector<1x16xf32>,
      %get3A_670 = vector.shape_cast %get3A_669 : vector<1x16xf32> to vector<16xf32>
      %get3A_671 = arith.index_cast %scan3A_24 : i32 to index
      %get3A_672 = arith.constant 736 : index
      %get3A_673 = tpu.vector_load %arg9[%get3A_671, %get3A_672] {strides = array<i32>} : memref<64x768xf32, #tpu.memory_space<vmem>>, vector<1x16xf32>,
      %get3A_674 = vector.shape_cast %get3A_673 : vector<1x16xf32> to vector<16xf32>
      %add3A_675 = arith.addf %get3A_670, %get3A_674 : vector<16xf32>
      %swap3A_676 = arith.index_cast %scan3A_24 : i32 to index
      %swap3A_677 = arith.constant 736 : index
      %swap3A_678 = tpu.vector_load %arg8[%swap3A_676, %swap3A_677] {strides = array<i32>} : memref<64x768xf32, #tpu.memory_space<vmem>>, vector<1x16xf32>,
      %swap3A_679 = vector.shape_cast %swap3A_678 : vector<1x16xf32> to vector<16xf32>
      %swap3A_680 = vector.shape_cast %add3A_675 : vector<16xf32> to vector<1x16xf32>
      tpu.vector_store %arg8[%swap3A_676, %swap3A_677], %swap3A_680 {strides = array<i32>} : memref<64x768xf32, #tpu.memory_space<vmem>>, vector<1x16xf32>,
      %get3A_681 = arith.index_cast %scan3A_24 : i32 to index
      %get3A_682 = arith.constant 752 : index
      %get3A_683 = tpu.vector_load %arg8[%get3A_681, %get3A_682] {strides = array<i32>} : memref<64x768xf32, #tpu.memory_space<vmem>>, vector<1x16xf32>,
      %get3A_684 = vector.shape_cast %get3A_683 : vector<1x16xf32> to vector<16xf32>
      %get3A_685 = arith.index_cast %scan3A_24 : i32 to index
      %get3A_686 = arith.constant 752 : index
      %get3A_687 = tpu.vector_load %arg9[%get3A_685, %get3A_686] {strides = array<i32>} : memref<64x768xf32, #tpu.memory_space<vmem>>, vector<1x16xf32>,
      %get3A_688 = vector.shape_cast %get3A_687 : vector<1x16xf32> to vector<16xf32>
      %add3A_689 = arith.addf %get3A_684, %get3A_688 : vector<16xf32>
      %swap3A_690 = arith.index_cast %scan3A_24 : i32 to index
      %swap3A_691 = arith.constant 752 : index
      %swap3A_692 = tpu.vector_load %arg8[%swap3A_690, %swap3A_691] {strides = array<i32>} : memref<64x768xf32, #tpu.memory_space<vmem>>, vector<1x16xf32>,
      %swap3A_693 = vector.shape_cast %swap3A_692 : vector<1x16xf32> to vector<16xf32>
      %swap3A_694 = vector.shape_cast %add3A_689 : vector<16xf32> to vector<1x16xf32>
      tpu.vector_store %arg8[%swap3A_690, %swap3A_691], %swap3A_694 {strides = array<i32>} : memref<64x768xf32, #tpu.memory_space<vmem>>, vector<1x16xf32>,
    }
    %scan3A_23 = arith.constant 64 : i32
    "tpu.region"() ({
      %run_scoped3A = tpu.sem_alloc : memref<!tpu.dma_semaphore, #tpu.memory_space<semaphore_mem>>
      %dma_start3A_24 = arith.constant 0 : i32
      %dma_start3A_25 = tpu.memref_slice %arg6[%mul3A_2, %dma_start3A_24] : memref<2048x768xf32, #tpu.memory_space<hbm>> -> memref<64x768xf32, #tpu.memory_space<hbm>>
      %dma_start3A_26 = arith.constant 0 : i32
      %dma_start3A_27 = tpu.memref_slice %arg6[%mul3A_2, %dma_start3A_26] : memref<2048x768xf32, #tpu.memory_space<hbm>> -> memref<64x768xf32, #tpu.memory_space<hbm>>
      tpu.enqueue_dma source(%arg8 : memref<64x768xf32, #tpu.memory_space<vmem>>) target(%dma_start3A_27 : memref<64x768xf32, #tpu.memory_space<hbm>>) target_semaphore(%run_scoped3A : memref<!tpu.dma_semaphore, #tpu.memory_space<semaphore_mem>>)
      %dma_wait3A_28 = arith.constant 0 : i32
      %dma_wait3A_29 = tpu.memref_slice %arg6[%mul3A_2, %dma_wait3A_28] : memref<2048x768xf32, #tpu.memory_space<hbm>> -> memref<64x768xf32, #tpu.memory_space<hbm>>
      %dma_wait3A_30 = arith.constant 0 : i32
      %dma_wait3A_31 = tpu.memref_slice %arg6[%mul3A_2, %dma_wait3A_30] : memref<2048x768xf32, #tpu.memory_space<hbm>> -> memref<64x768xf32, #tpu.memory_space<hbm>>
      tpu.wait_dma2 semaphore(%run_scoped3A : memref<!tpu.dma_semaphore, #tpu.memory_space<semaphore_mem>>) src(%arg8 : memref<64x768xf32, #tpu.memory_space<vmem>>) dst(%dma_wait3A_31 : memref<64x768xf32, #tpu.memory_space<hbm>>)
      tpu.yield
    }) : () -> ()
    return
  }
}

#map = affine_map<(d0, d1) -> (0, 0)>
#map1 = affine_map<(d0, d1) -> (0)>
module attributes {stable_mosaic.version = 14 : i64} {
  func.func @_dispatch_body(%arg0: i32, %arg1: i32, %arg2: memref<2048x768xf32, #tpu.memory_space<hbm>>, %arg3: memref<2048xi32, #tpu.memory_space<hbm>>, %arg4: memref<2048xi32, #tpu.memory_space<hbm>>, %arg5: memref<6144x768xf32, #tpu.memory_space<hbm>>, %arg6: memref<64xi32, #tpu.memory_space<vmem>>, %arg7: memref<64x768xf32, #tpu.memory_space<vmem>>, %arg8: memref<!tpu.dma_semaphore, #tpu.memory_space<semaphore_mem>>) attributes {dimension_semantics = [#tpu.dimension_semantics<core_parallel>, #tpu.dimension_semantics<subcore_parallel>], iteration_bounds = array<i64: 2, 16>, scalar_prefetch = 0 : i64, scratch_operands = 3 : i64, tpu.core_type = #tpu.core_type<sc_vector_subcore>, window_params = [{transform_indices = #map}, {transform_indices = #map1}, {transform_indices = #map1}, {transform_indices = #map}]} {
    %mul3A = arith.constant 2 : i32
    %mul3A_0 = arith.muli %arg1, %mul3A : i32
    %add3A = arith.addi %mul3A_0, %arg0 : i32
    %lt3A = arith.constant 16 : i32
    %lt3A_1 = arith.cmpi slt, %add3A, %lt3A : i32
    %sub3A = arith.constant 16 : i32
    %sub3A_2 = arith.subi %add3A, %sub3A : i32
    %select_n3A = arith.select %lt3A_1, %add3A, %sub3A_2 : i32
    %mul3A_3 = arith.constant 128 : i32
    %mul3A_4 = arith.muli %select_n3A, %mul3A_3 : i32
    %lt3A_5 = arith.constant 16 : i32
    %lt3A_6 = arith.cmpi slt, %add3A, %lt3A_5 : i32
    %convert_element_type3A = arith.extui %lt3A_6 : i1 to i32
    %cond3A = arith.constant 0 : i32
    %cond3A_7 = arith.cmpi ne, %convert_element_type3A, %cond3A : i32
    scf.if %cond3A_7 {
      %add3A_12 = arith.constant 0 : i32
      %add3A_13 = arith.addi %mul3A_4, %add3A_12 : i32
      "tpu.region"() ({
        %run_scoped3A = tpu.sem_alloc : memref<!tpu.dma_semaphore, #tpu.memory_space<semaphore_mem>>
        %dma_start3A_26 = arith.constant 0 : i32
        %dma_start3A_27 = tpu.memref_slice %arg2[%add3A_13, %dma_start3A_26] : memref<2048x768xf32, #tpu.memory_space<hbm>> -> memref<64x768xf32, #tpu.memory_space<hbm>>
        %dma_start3A_28 = arith.constant 0 : i32
        %dma_start3A_29 = tpu.memref_slice %arg2[%add3A_13, %dma_start3A_28] : memref<2048x768xf32, #tpu.memory_space<hbm>> -> memref<64x768xf32, #tpu.memory_space<hbm>>
        tpu.enqueue_dma source(%dma_start3A_29 : memref<64x768xf32, #tpu.memory_space<hbm>>) target(%arg7 : memref<64x768xf32, #tpu.memory_space<vmem>>) target_semaphore(%run_scoped3A : memref<!tpu.dma_semaphore, #tpu.memory_space<semaphore_mem>>)
        %dma_wait3A_30 = arith.constant 0 : i32
        %dma_wait3A_31 = tpu.memref_slice %arg2[%add3A_13, %dma_wait3A_30] : memref<2048x768xf32, #tpu.memory_space<hbm>> -> memref<64x768xf32, #tpu.memory_space<hbm>>
        %dma_wait3A_32 = arith.constant 0 : i32
        %dma_wait3A_33 = tpu.memref_slice %arg2[%add3A_13, %dma_wait3A_32] : memref<2048x768xf32, #tpu.memory_space<hbm>> -> memref<64x768xf32, #tpu.memory_space<hbm>>
        tpu.wait_dma2 semaphore(%run_scoped3A : memref<!tpu.dma_semaphore, #tpu.memory_space<semaphore_mem>>) src(%dma_wait3A_33 : memref<64x768xf32, #tpu.memory_space<hbm>>) dst(%arg7 : memref<64x768xf32, #tpu.memory_space<vmem>>)
        tpu.yield
      }) : () -> ()
      "tpu.region"() ({
        %run_scoped3A = tpu.sem_alloc : memref<!tpu.dma_semaphore, #tpu.memory_space<semaphore_mem>>
        %dma_start3A_26 = tpu.memref_slice %arg3[%add3A_13] : memref<2048xi32, #tpu.memory_space<hbm>> -> memref<64xi32, #tpu.memory_space<hbm>>
        %dma_start3A_27 = tpu.memref_slice %arg3[%add3A_13] : memref<2048xi32, #tpu.memory_space<hbm>> -> memref<64xi32, #tpu.memory_space<hbm>>
        tpu.enqueue_dma source(%dma_start3A_27 : memref<64xi32, #tpu.memory_space<hbm>>) target(%arg6 : memref<64xi32, #tpu.memory_space<vmem>>) target_semaphore(%run_scoped3A : memref<!tpu.dma_semaphore, #tpu.memory_space<semaphore_mem>>)
        %dma_wait3A_28 = tpu.memref_slice %arg3[%add3A_13] : memref<2048xi32, #tpu.memory_space<hbm>> -> memref<64xi32, #tpu.memory_space<hbm>>
        %dma_wait3A_29 = tpu.memref_slice %arg3[%add3A_13] : memref<2048xi32, #tpu.memory_space<hbm>> -> memref<64xi32, #tpu.memory_space<hbm>>
        tpu.wait_dma2 semaphore(%run_scoped3A : memref<!tpu.dma_semaphore, #tpu.memory_space<semaphore_mem>>) src(%dma_wait3A_29 : memref<64xi32, #tpu.memory_space<hbm>>) dst(%arg6 : memref<64xi32, #tpu.memory_space<vmem>>)
        tpu.yield
      }) : () -> ()
      %dma_start3A = arith.constant 0 : i32
      %dma_start3A_14 = arith.constant 0 : i32
      %dma_start3A_15 = tpu.memref_slice %arg5[%dma_start3A, %dma_start3A_14] : memref<6144x768xf32, #tpu.memory_space<hbm>> -> memref<6144x768xf32, #tpu.memory_space<hbm>>
      tpu.enqueue_indirect_dma source(%arg7 : memref<64x768xf32, #tpu.memory_space<vmem>>) target(%dma_start3A_15 : memref<6144x768xf32, #tpu.memory_space<hbm>>) offsets(%arg6 : memref<64xi32, #tpu.memory_space<vmem>>) semaphore(%arg8 : memref<!tpu.dma_semaphore, #tpu.memory_space<semaphore_mem>>)
      %dma_wait3A = arith.constant 0 : i32
      %dma_wait3A_16 = arith.constant 0 : i32
      %dma_wait3A_17 = tpu.memref_slice %arg5[%dma_wait3A, %dma_wait3A_16] : memref<6144x768xf32, #tpu.memory_space<hbm>> -> memref<6144x768xf32, #tpu.memory_space<hbm>>
      tpu.wait_indirect_dma semaphore(%arg8 : memref<!tpu.dma_semaphore, #tpu.memory_space<semaphore_mem>>) src(%arg7 : memref<64x768xf32, #tpu.memory_space<vmem>>) dst(%dma_wait3A_17 : memref<6144x768xf32, #tpu.memory_space<hbm>>)
      %add3A_18 = arith.constant 64 : i32
      %add3A_19 = arith.addi %mul3A_4, %add3A_18 : i32
      "tpu.region"() ({
        %run_scoped3A = tpu.sem_alloc : memref<!tpu.dma_semaphore, #tpu.memory_space<semaphore_mem>>
        %dma_start3A_26 = arith.constant 0 : i32
        %dma_start3A_27 = tpu.memref_slice %arg2[%add3A_19, %dma_start3A_26] : memref<2048x768xf32, #tpu.memory_space<hbm>> -> memref<64x768xf32, #tpu.memory_space<hbm>>
        %dma_start3A_28 = arith.constant 0 : i32
        %dma_start3A_29 = tpu.memref_slice %arg2[%add3A_19, %dma_start3A_28] : memref<2048x768xf32, #tpu.memory_space<hbm>> -> memref<64x768xf32, #tpu.memory_space<hbm>>
        tpu.enqueue_dma source(%dma_start3A_29 : memref<64x768xf32, #tpu.memory_space<hbm>>) target(%arg7 : memref<64x768xf32, #tpu.memory_space<vmem>>) target_semaphore(%run_scoped3A : memref<!tpu.dma_semaphore, #tpu.memory_space<semaphore_mem>>)
        %dma_wait3A_30 = arith.constant 0 : i32
        %dma_wait3A_31 = tpu.memref_slice %arg2[%add3A_19, %dma_wait3A_30] : memref<2048x768xf32, #tpu.memory_space<hbm>> -> memref<64x768xf32, #tpu.memory_space<hbm>>
        %dma_wait3A_32 = arith.constant 0 : i32
        %dma_wait3A_33 = tpu.memref_slice %arg2[%add3A_19, %dma_wait3A_32] : memref<2048x768xf32, #tpu.memory_space<hbm>> -> memref<64x768xf32, #tpu.memory_space<hbm>>
        tpu.wait_dma2 semaphore(%run_scoped3A : memref<!tpu.dma_semaphore, #tpu.memory_space<semaphore_mem>>) src(%dma_wait3A_33 : memref<64x768xf32, #tpu.memory_space<hbm>>) dst(%arg7 : memref<64x768xf32, #tpu.memory_space<vmem>>)
        tpu.yield
      }) : () -> ()
      "tpu.region"() ({
        %run_scoped3A = tpu.sem_alloc : memref<!tpu.dma_semaphore, #tpu.memory_space<semaphore_mem>>
        %dma_start3A_26 = tpu.memref_slice %arg3[%add3A_19] : memref<2048xi32, #tpu.memory_space<hbm>> -> memref<64xi32, #tpu.memory_space<hbm>>
        %dma_start3A_27 = tpu.memref_slice %arg3[%add3A_19] : memref<2048xi32, #tpu.memory_space<hbm>> -> memref<64xi32, #tpu.memory_space<hbm>>
        tpu.enqueue_dma source(%dma_start3A_27 : memref<64xi32, #tpu.memory_space<hbm>>) target(%arg6 : memref<64xi32, #tpu.memory_space<vmem>>) target_semaphore(%run_scoped3A : memref<!tpu.dma_semaphore, #tpu.memory_space<semaphore_mem>>)
        %dma_wait3A_28 = tpu.memref_slice %arg3[%add3A_19] : memref<2048xi32, #tpu.memory_space<hbm>> -> memref<64xi32, #tpu.memory_space<hbm>>
        %dma_wait3A_29 = tpu.memref_slice %arg3[%add3A_19] : memref<2048xi32, #tpu.memory_space<hbm>> -> memref<64xi32, #tpu.memory_space<hbm>>
        tpu.wait_dma2 semaphore(%run_scoped3A : memref<!tpu.dma_semaphore, #tpu.memory_space<semaphore_mem>>) src(%dma_wait3A_29 : memref<64xi32, #tpu.memory_space<hbm>>) dst(%arg6 : memref<64xi32, #tpu.memory_space<vmem>>)
        tpu.yield
      }) : () -> ()
      %dma_start3A_20 = arith.constant 0 : i32
      %dma_start3A_21 = arith.constant 0 : i32
      %dma_start3A_22 = tpu.memref_slice %arg5[%dma_start3A_20, %dma_start3A_21] : memref<6144x768xf32, #tpu.memory_space<hbm>> -> memref<6144x768xf32, #tpu.memory_space<hbm>>
      tpu.enqueue_indirect_dma source(%arg7 : memref<64x768xf32, #tpu.memory_space<vmem>>) target(%dma_start3A_22 : memref<6144x768xf32, #tpu.memory_space<hbm>>) offsets(%arg6 : memref<64xi32, #tpu.memory_space<vmem>>) semaphore(%arg8 : memref<!tpu.dma_semaphore, #tpu.memory_space<semaphore_mem>>)
      %dma_wait3A_23 = arith.constant 0 : i32
      %dma_wait3A_24 = arith.constant 0 : i32
      %dma_wait3A_25 = tpu.memref_slice %arg5[%dma_wait3A_23, %dma_wait3A_24] : memref<6144x768xf32, #tpu.memory_space<hbm>> -> memref<6144x768xf32, #tpu.memory_space<hbm>>
      tpu.wait_indirect_dma semaphore(%arg8 : memref<!tpu.dma_semaphore, #tpu.memory_space<semaphore_mem>>) src(%arg7 : memref<64x768xf32, #tpu.memory_space<vmem>>) dst(%dma_wait3A_25 : memref<6144x768xf32, #tpu.memory_space<hbm>>)
    } else {
    }
    %ge3A = arith.constant 16 : i32
    %ge3A_8 = arith.cmpi sge, %add3A, %ge3A : i32
    %convert_element_type3A_9 = arith.extui %ge3A_8 : i1 to i32
    %cond3A_10 = arith.constant 0 : i32
    %cond3A_11 = arith.cmpi ne, %convert_element_type3A_9, %cond3A_10 : i32
    scf.if %cond3A_11 {
      %add3A_12 = arith.constant 0 : i32
      %add3A_13 = arith.addi %mul3A_4, %add3A_12 : i32
      "tpu.region"() ({
        %run_scoped3A = tpu.sem_alloc : memref<!tpu.dma_semaphore, #tpu.memory_space<semaphore_mem>>
        %dma_start3A_26 = arith.constant 0 : i32
        %dma_start3A_27 = tpu.memref_slice %arg2[%add3A_13, %dma_start3A_26] : memref<2048x768xf32, #tpu.memory_space<hbm>> -> memref<64x768xf32, #tpu.memory_space<hbm>>
        %dma_start3A_28 = arith.constant 0 : i32
        %dma_start3A_29 = tpu.memref_slice %arg2[%add3A_13, %dma_start3A_28] : memref<2048x768xf32, #tpu.memory_space<hbm>> -> memref<64x768xf32, #tpu.memory_space<hbm>>
        tpu.enqueue_dma source(%dma_start3A_29 : memref<64x768xf32, #tpu.memory_space<hbm>>) target(%arg7 : memref<64x768xf32, #tpu.memory_space<vmem>>) target_semaphore(%run_scoped3A : memref<!tpu.dma_semaphore, #tpu.memory_space<semaphore_mem>>)
        %dma_wait3A_30 = arith.constant 0 : i32
        %dma_wait3A_31 = tpu.memref_slice %arg2[%add3A_13, %dma_wait3A_30] : memref<2048x768xf32, #tpu.memory_space<hbm>> -> memref<64x768xf32, #tpu.memory_space<hbm>>
        %dma_wait3A_32 = arith.constant 0 : i32
        %dma_wait3A_33 = tpu.memref_slice %arg2[%add3A_13, %dma_wait3A_32] : memref<2048x768xf32, #tpu.memory_space<hbm>> -> memref<64x768xf32, #tpu.memory_space<hbm>>
        tpu.wait_dma2 semaphore(%run_scoped3A : memref<!tpu.dma_semaphore, #tpu.memory_space<semaphore_mem>>) src(%dma_wait3A_33 : memref<64x768xf32, #tpu.memory_space<hbm>>) dst(%arg7 : memref<64x768xf32, #tpu.memory_space<vmem>>)
        tpu.yield
      }) : () -> ()
      "tpu.region"() ({
        %run_scoped3A = tpu.sem_alloc : memref<!tpu.dma_semaphore, #tpu.memory_space<semaphore_mem>>
        %dma_start3A_26 = tpu.memref_slice %arg4[%add3A_13] : memref<2048xi32, #tpu.memory_space<hbm>> -> memref<64xi32, #tpu.memory_space<hbm>>
        %dma_start3A_27 = tpu.memref_slice %arg4[%add3A_13] : memref<2048xi32, #tpu.memory_space<hbm>> -> memref<64xi32, #tpu.memory_space<hbm>>
        tpu.enqueue_dma source(%dma_start3A_27 : memref<64xi32, #tpu.memory_space<hbm>>) target(%arg6 : memref<64xi32, #tpu.memory_space<vmem>>) target_semaphore(%run_scoped3A : memref<!tpu.dma_semaphore, #tpu.memory_space<semaphore_mem>>)
        %dma_wait3A_28 = tpu.memref_slice %arg4[%add3A_13] : memref<2048xi32, #tpu.memory_space<hbm>> -> memref<64xi32, #tpu.memory_space<hbm>>
        %dma_wait3A_29 = tpu.memref_slice %arg4[%add3A_13] : memref<2048xi32, #tpu.memory_space<hbm>> -> memref<64xi32, #tpu.memory_space<hbm>>
        tpu.wait_dma2 semaphore(%run_scoped3A : memref<!tpu.dma_semaphore, #tpu.memory_space<semaphore_mem>>) src(%dma_wait3A_29 : memref<64xi32, #tpu.memory_space<hbm>>) dst(%arg6 : memref<64xi32, #tpu.memory_space<vmem>>)
        tpu.yield
      }) : () -> ()
      %dma_start3A = arith.constant 0 : i32
      %dma_start3A_14 = arith.constant 0 : i32
      %dma_start3A_15 = tpu.memref_slice %arg5[%dma_start3A, %dma_start3A_14] : memref<6144x768xf32, #tpu.memory_space<hbm>> -> memref<6144x768xf32, #tpu.memory_space<hbm>>
      tpu.enqueue_indirect_dma source(%arg7 : memref<64x768xf32, #tpu.memory_space<vmem>>) target(%dma_start3A_15 : memref<6144x768xf32, #tpu.memory_space<hbm>>) offsets(%arg6 : memref<64xi32, #tpu.memory_space<vmem>>) semaphore(%arg8 : memref<!tpu.dma_semaphore, #tpu.memory_space<semaphore_mem>>)
      %dma_wait3A = arith.constant 0 : i32
      %dma_wait3A_16 = arith.constant 0 : i32
      %dma_wait3A_17 = tpu.memref_slice %arg5[%dma_wait3A, %dma_wait3A_16] : memref<6144x768xf32, #tpu.memory_space<hbm>> -> memref<6144x768xf32, #tpu.memory_space<hbm>>
      tpu.wait_indirect_dma semaphore(%arg8 : memref<!tpu.dma_semaphore, #tpu.memory_space<semaphore_mem>>) src(%arg7 : memref<64x768xf32, #tpu.memory_space<vmem>>) dst(%dma_wait3A_17 : memref<6144x768xf32, #tpu.memory_space<hbm>>)
      %add3A_18 = arith.constant 64 : i32
      %add3A_19 = arith.addi %mul3A_4, %add3A_18 : i32
      "tpu.region"() ({
        %run_scoped3A = tpu.sem_alloc : memref<!tpu.dma_semaphore, #tpu.memory_space<semaphore_mem>>
        %dma_start3A_26 = arith.constant 0 : i32
        %dma_start3A_27 = tpu.memref_slice %arg2[%add3A_19, %dma_start3A_26] : memref<2048x768xf32, #tpu.memory_space<hbm>> -> memref<64x768xf32, #tpu.memory_space<hbm>>
        %dma_start3A_28 = arith.constant 0 : i32
        %dma_start3A_29 = tpu.memref_slice %arg2[%add3A_19, %dma_start3A_28] : memref<2048x768xf32, #tpu.memory_space<hbm>> -> memref<64x768xf32, #tpu.memory_space<hbm>>
        tpu.enqueue_dma source(%dma_start3A_29 : memref<64x768xf32, #tpu.memory_space<hbm>>) target(%arg7 : memref<64x768xf32, #tpu.memory_space<vmem>>) target_semaphore(%run_scoped3A : memref<!tpu.dma_semaphore, #tpu.memory_space<semaphore_mem>>)
        %dma_wait3A_30 = arith.constant 0 : i32
        %dma_wait3A_31 = tpu.memref_slice %arg2[%add3A_19, %dma_wait3A_30] : memref<2048x768xf32, #tpu.memory_space<hbm>> -> memref<64x768xf32, #tpu.memory_space<hbm>>
        %dma_wait3A_32 = arith.constant 0 : i32
        %dma_wait3A_33 = tpu.memref_slice %arg2[%add3A_19, %dma_wait3A_32] : memref<2048x768xf32, #tpu.memory_space<hbm>> -> memref<64x768xf32, #tpu.memory_space<hbm>>
        tpu.wait_dma2 semaphore(%run_scoped3A : memref<!tpu.dma_semaphore, #tpu.memory_space<semaphore_mem>>) src(%dma_wait3A_33 : memref<64x768xf32, #tpu.memory_space<hbm>>) dst(%arg7 : memref<64x768xf32, #tpu.memory_space<vmem>>)
        tpu.yield
      }) : () -> ()
      "tpu.region"() ({
        %run_scoped3A = tpu.sem_alloc : memref<!tpu.dma_semaphore, #tpu.memory_space<semaphore_mem>>
        %dma_start3A_26 = tpu.memref_slice %arg4[%add3A_19] : memref<2048xi32, #tpu.memory_space<hbm>> -> memref<64xi32, #tpu.memory_space<hbm>>
        %dma_start3A_27 = tpu.memref_slice %arg4[%add3A_19] : memref<2048xi32, #tpu.memory_space<hbm>> -> memref<64xi32, #tpu.memory_space<hbm>>
        tpu.enqueue_dma source(%dma_start3A_27 : memref<64xi32, #tpu.memory_space<hbm>>) target(%arg6 : memref<64xi32, #tpu.memory_space<vmem>>) target_semaphore(%run_scoped3A : memref<!tpu.dma_semaphore, #tpu.memory_space<semaphore_mem>>)
        %dma_wait3A_28 = tpu.memref_slice %arg4[%add3A_19] : memref<2048xi32, #tpu.memory_space<hbm>> -> memref<64xi32, #tpu.memory_space<hbm>>
        %dma_wait3A_29 = tpu.memref_slice %arg4[%add3A_19] : memref<2048xi32, #tpu.memory_space<hbm>> -> memref<64xi32, #tpu.memory_space<hbm>>
        tpu.wait_dma2 semaphore(%run_scoped3A : memref<!tpu.dma_semaphore, #tpu.memory_space<semaphore_mem>>) src(%dma_wait3A_29 : memref<64xi32, #tpu.memory_space<hbm>>) dst(%arg6 : memref<64xi32, #tpu.memory_space<vmem>>)
        tpu.yield
      }) : () -> ()
      %dma_start3A_20 = arith.constant 0 : i32
      %dma_start3A_21 = arith.constant 0 : i32
      %dma_start3A_22 = tpu.memref_slice %arg5[%dma_start3A_20, %dma_start3A_21] : memref<6144x768xf32, #tpu.memory_space<hbm>> -> memref<6144x768xf32, #tpu.memory_space<hbm>>
      tpu.enqueue_indirect_dma source(%arg7 : memref<64x768xf32, #tpu.memory_space<vmem>>) target(%dma_start3A_22 : memref<6144x768xf32, #tpu.memory_space<hbm>>) offsets(%arg6 : memref<64xi32, #tpu.memory_space<vmem>>) semaphore(%arg8 : memref<!tpu.dma_semaphore, #tpu.memory_space<semaphore_mem>>)
      %dma_wait3A_23 = arith.constant 0 : i32
      %dma_wait3A_24 = arith.constant 0 : i32
      %dma_wait3A_25 = tpu.memref_slice %arg5[%dma_wait3A_23, %dma_wait3A_24] : memref<6144x768xf32, #tpu.memory_space<hbm>> -> memref<6144x768xf32, #tpu.memory_space<hbm>>
      tpu.wait_indirect_dma semaphore(%arg8 : memref<!tpu.dma_semaphore, #tpu.memory_space<semaphore_mem>>) src(%arg7 : memref<64x768xf32, #tpu.memory_space<vmem>>) dst(%dma_wait3A_25 : memref<6144x768xf32, #tpu.memory_space<hbm>>)
    } else {
    }
    return
  }
}

module attributes {stable_mosaic.version = 14 : i64} {
  func.func @_router_body(%arg0: memref<2048x768xf32, #tpu.memory_space<vmem>>, %arg1: memref<8x768xf32, #tpu.memory_space<vmem>>, %arg2: memref<1x2048xi32, #tpu.memory_space<vmem>>, %arg3: memref<1x2048xi32, #tpu.memory_space<vmem>>, %arg4: memref<1x2048xf32, #tpu.memory_space<vmem>>, %arg5: memref<1x2048xf32, #tpu.memory_space<vmem>>, %arg6: memref<1x25xi32, #tpu.memory_space<vmem>>) attributes {dimension_semantics = [], scalar_prefetch = 0 : i64, scratch_operands = 0 : i64, tpu.core_type = #tpu.core_type<tc>} {
    %get3A = arith.constant 0 : index
    %get3A_0 = arith.constant 0 : index
    %get3A_1 = vector.load %arg0[%get3A, %get3A_0] : memref<2048x768xf32, #tpu.memory_space<vmem>>, vector<2048x768xf32>
    %get3A_2 = arith.constant 0 : index
    %get3A_3 = arith.constant 0 : index
    %get3A_4 = vector.load %arg1[%get3A_2, %get3A_3] : memref<8x768xf32, #tpu.memory_space<vmem>>, vector<8x768xf32>
    %dot_general3A = arith.constant dense<0.000000e+00> : vector<8x2048xf32>
    %dot_general3A_5 = tpu.matmul %get3A_4, %get3A_1, %dot_general3A {dimension_numbers = #tpu.dot_dimension_numbers<[1], [1], [0], [0], [0, 0, 1, 0], [], []>, transpose_lhs_hint = false} : vector<8x768xf32>, vector<2048x768xf32>, vector<8x2048xf32> -> vector<8x2048xf32>
    %reduce_max3A = arith.constant dense<0xFF800000> : vector<2048xf32>
    %reduce_max3A_6 = vector.multi_reduction <maximumf>, %dot_general3A_5, %reduce_max3A [0] : vector<8x2048xf32> to vector<2048xf32>
    %broadcast_in_dim3A = vector.shape_cast %reduce_max3A_6 : vector<2048xf32> to vector<1x2048xf32>
    %sub3A = vector.broadcast %broadcast_in_dim3A : vector<1x2048xf32> to vector<8x2048xf32>
    %sub3A_7 = arith.subf %dot_general3A_5, %sub3A : vector<8x2048xf32>
    %exp3A = math.exp %sub3A_7 : vector<8x2048xf32>
    %reduce_sum3A = arith.constant dense<0.000000e+00> : vector<2048xf32>
    %reduce_sum3A_8 = vector.multi_reduction <add>, %exp3A, %reduce_sum3A [0] : vector<8x2048xf32> to vector<2048xf32>
    %broadcast_in_dim3A_9 = vector.shape_cast %reduce_sum3A_8 : vector<2048xf32> to vector<1x2048xf32>
    %div3A = vector.broadcast %broadcast_in_dim3A_9 : vector<1x2048xf32> to vector<8x2048xf32>
    %div3A_10 = arith.divf %exp3A, %div3A : vector<8x2048xf32>
    %iota3A = tpu.iota {dimensions = array<i32: 0>} : vector<8x2048xi32>
    %convert_element_type3A = arith.sitofp %iota3A : vector<8x2048xi32> to vector<8x2048xf32>
    %reduce_max3A_11 = arith.constant dense<0xFF800000> : vector<2048xf32>
    %reduce_max3A_12 = vector.multi_reduction <maximumf>, %div3A_10, %reduce_max3A_11 [0] : vector<8x2048xf32> to vector<2048xf32>
    %broadcast_in_dim3A_13 = vector.shape_cast %reduce_max3A_12 : vector<2048xf32> to vector<1x2048xf32>
    %ge3A = vector.broadcast %broadcast_in_dim3A_13 : vector<1x2048xf32> to vector<8x2048xf32>
    %ge3A_14 = arith.cmpf oge, %div3A_10, %ge3A : vector<8x2048xf32>
    %jit3A = arith.constant 8.000000e+00 : f32
    %broadcast_in_dim3A_15 = vector.broadcast %jit3A : f32 to vector<8x2048xf32>
    %select_n3A = arith.select %ge3A_14, %convert_element_type3A, %broadcast_in_dim3A_15 : vector<8x2048xi1>, vector<8x2048xf32>
    %reduce_min3A = arith.constant dense<0x7F800000> : vector<2048xf32>
    %reduce_min3A_16 = vector.multi_reduction <minimumf>, %select_n3A, %reduce_min3A [0] : vector<8x2048xf32> to vector<2048xf32>
    %broadcast_in_dim3A_17 = vector.shape_cast %reduce_min3A_16 : vector<2048xf32> to vector<1x2048xf32>
    %eq3A = vector.broadcast %broadcast_in_dim3A_17 : vector<1x2048xf32> to vector<8x2048xf32>
    %eq3A_18 = arith.cmpf oeq, %convert_element_type3A, %eq3A : vector<8x2048xf32>
    %convert_element_type3A_19 = arith.extui %eq3A_18 : vector<8x2048xi1> to vector<8x2048xi32>
    %convert_element_type3A_20 = arith.sitofp %convert_element_type3A_19 : vector<8x2048xi32> to vector<8x2048xf32>
    %mul3A = arith.constant 2.000000e+00 : f32
    %mul3A_21 = vector.broadcast %mul3A : f32 to vector<8x2048xf32>
    %mul3A_22 = arith.mulf %mul3A_21, %convert_element_type3A_20 : vector<8x2048xf32>
    %sub3A_23 = arith.subf %div3A_10, %mul3A_22 : vector<8x2048xf32>
    %reduce_max3A_24 = arith.constant dense<0xFF800000> : vector<2048xf32>
    %reduce_max3A_25 = vector.multi_reduction <maximumf>, %sub3A_23, %reduce_max3A_24 [0] : vector<8x2048xf32> to vector<2048xf32>
    %broadcast_in_dim3A_26 = vector.shape_cast %reduce_max3A_25 : vector<2048xf32> to vector<1x2048xf32>
    %ge3A_27 = vector.broadcast %broadcast_in_dim3A_26 : vector<1x2048xf32> to vector<8x2048xf32>
    %ge3A_28 = arith.cmpf oge, %sub3A_23, %ge3A_27 : vector<8x2048xf32>
    %jit3A_29 = arith.constant 8.000000e+00 : f32
    %broadcast_in_dim3A_30 = vector.broadcast %jit3A_29 : f32 to vector<8x2048xf32>
    %select_n3A_31 = arith.select %ge3A_28, %convert_element_type3A, %broadcast_in_dim3A_30 : vector<8x2048xi1>, vector<8x2048xf32>
    %reduce_min3A_32 = arith.constant dense<0x7F800000> : vector<2048xf32>
    %reduce_min3A_33 = vector.multi_reduction <minimumf>, %select_n3A_31, %reduce_min3A_32 [0] : vector<8x2048xf32> to vector<2048xf32>
    %broadcast_in_dim3A_34 = vector.shape_cast %reduce_min3A_33 : vector<2048xf32> to vector<1x2048xf32>
    %eq3A_35 = vector.broadcast %broadcast_in_dim3A_34 : vector<1x2048xf32> to vector<8x2048xf32>
    %eq3A_36 = arith.cmpf oeq, %convert_element_type3A, %eq3A_35 : vector<8x2048xf32>
    %convert_element_type3A_37 = arith.extui %eq3A_36 : vector<8x2048xi1> to vector<8x2048xi32>
    %convert_element_type3A_38 = arith.sitofp %convert_element_type3A_37 : vector<8x2048xi32> to vector<8x2048xf32>
    %add3A = arith.addf %broadcast_in_dim3A_13, %broadcast_in_dim3A_26 : vector<1x2048xf32>
    %add3A_39 = arith.constant 9.99999993E-9 : f32
    %add3A_40 = vector.broadcast %add3A_39 : f32 to vector<1x2048xf32>
    %add3A_41 = arith.addf %add3A, %add3A_40 : vector<1x2048xf32>
    %div3A_42 = arith.divf %broadcast_in_dim3A_13, %add3A_41 : vector<1x2048xf32>
    %swap3A = arith.constant 0 : index
    %swap3A_43 = arith.constant 0 : index
    %swap3A_44 = vector.load %arg4[%swap3A, %swap3A_43] : memref<1x2048xf32, #tpu.memory_space<vmem>>, vector<1x2048xf32>
    tpu.vector_store %arg4[%swap3A, %swap3A_43], %div3A_42 {strides = array<i32>} : memref<1x2048xf32, #tpu.memory_space<vmem>>, vector<1x2048xf32>,
    %div3A_45 = arith.divf %broadcast_in_dim3A_26, %add3A_41 : vector<1x2048xf32>
    %swap3A_46 = arith.constant 0 : index
    %swap3A_47 = arith.constant 0 : index
    %swap3A_48 = vector.load %arg5[%swap3A_46, %swap3A_47] : memref<1x2048xf32, #tpu.memory_space<vmem>>, vector<1x2048xf32>
    tpu.vector_store %arg5[%swap3A_46, %swap3A_47], %div3A_45 {strides = array<i32>} : memref<1x2048xf32, #tpu.memory_space<vmem>>, vector<1x2048xf32>,
    %concatenate3A = tpu.concatenate %convert_element_type3A_20, %convert_element_type3A_38 in 1 : vector<8x2048xf32>, vector<8x2048xf32> -> vector<8x4096xf32>
    %reshape3A = vector.shape_cast %concatenate3A : vector<8x4096xf32> to vector<256x128xf32>
    %iota3A_49 = tpu.iota {dimensions = array<i32: 0>} : vector<128x128xi32>
    %iota3A_50 = tpu.iota {dimensions = array<i32: 1>} : vector<128x128xi32>
    %le3A = arith.cmpi sle, %iota3A_49, %iota3A_50 : vector<128x128xi32>
    %convert_element_type3A_51 = arith.extui %le3A : vector<128x128xi1> to vector<128x128xi32>
    %convert_element_type3A_52 = arith.sitofp %convert_element_type3A_51 : vector<128x128xi32> to vector<128x128xf32>
    %dot_general3A_53 = arith.constant dense<0.000000e+00> : vector<256x128xf32>
    %dot_general3A_54 = tpu.matmul %reshape3A, %convert_element_type3A_52, %dot_general3A_53 {dimension_numbers = #tpu.dot_dimension_numbers<[1], [0], [0], [1], [0, 0, 1, 1], [], []>, transpose_lhs_hint = false} : vector<256x128xf32>, vector<128x128xf32>, vector<256x128xf32> -> vector<256x128xf32>
    %slice3A = vector.extract_strided_slice %dot_general3A_54 {offsets = [0, 127], sizes = [256, 1], strides = [1, 1]} : vector<256x128xf32> to vector<256x1xf32>
    %reshape3A_55 = vector.shape_cast %slice3A : vector<256x1xf32> to vector<8x32xf32>
    %iota3A_56 = tpu.iota {dimensions = array<i32: 0>} : vector<32x32xi32>
    %iota3A_57 = tpu.iota {dimensions = array<i32: 1>} : vector<32x32xi32>
    %lt3A = arith.cmpi slt, %iota3A_56, %iota3A_57 : vector<32x32xi32>
    %convert_element_type3A_58 = arith.extui %lt3A : vector<32x32xi1> to vector<32x32xi32>
    %convert_element_type3A_59 = arith.sitofp %convert_element_type3A_58 : vector<32x32xi32> to vector<32x32xf32>
    %dot_general3A_60 = arith.constant dense<0.000000e+00> : vector<8x32xf32>
    %dot_general3A_61 = tpu.matmul %reshape3A_55, %convert_element_type3A_59, %dot_general3A_60 {dimension_numbers = #tpu.dot_dimension_numbers<[1], [0], [0], [1], [0, 0, 1, 1], [], []>, transpose_lhs_hint = false} : vector<8x32xf32>, vector<32x32xf32>, vector<8x32xf32> -> vector<8x32xf32>
    %reshape3A_62 = vector.shape_cast %dot_general3A_54 : vector<256x128xf32> to vector<8x32x128xf32>
    %broadcast_in_dim3A_63 = vector.shape_cast %dot_general3A_61 : vector<8x32xf32> to vector<8x32x1xf32>
    %add3A_64 = vector.broadcast %broadcast_in_dim3A_63 : vector<8x32x1xf32> to vector<8x32x128xf32>
    %add3A_65 = arith.addf %reshape3A_62, %add3A_64 : vector<8x32x128xf32>
    %reshape3A_66 = vector.shape_cast %add3A_65 : vector<8x32x128xf32> to vector<8x4096xf32>
    %slice3A_67 = vector.extract_strided_slice %reshape3A_66 {offsets = [0, 4095], sizes = [8, 1], strides = [1, 1]} : vector<8x4096xf32> to vector<8x1xf32>
    %add3A_68 = arith.constant 2.550000e+02 : f32
    %add3A_69 = vector.broadcast %add3A_68 : f32 to vector<8x1xf32>
    %add3A_70 = arith.addf %slice3A_67, %add3A_69 : vector<8x1xf32>
    %mul3A_71 = arith.constant 3.906250e-03 : f32
    %mul3A_72 = vector.broadcast %mul3A_71 : f32 to vector<8x1xf32>
    %mul3A_73 = arith.mulf %add3A_70, %mul3A_72 : vector<8x1xf32>
    %floor3A = math.floor %mul3A_73 : vector<8x1xf32>
    %mul3A_74 = arith.constant 2.560000e+02 : f32
    %mul3A_75 = vector.broadcast %mul3A_74 : f32 to vector<8x1xf32>
    %mul3A_76 = arith.mulf %floor3A, %mul3A_75 : vector<8x1xf32>
    %iota3A_77 = tpu.iota {dimensions = array<i32: 1>} : vector<8x8xi32>
    %iota3A_78 = tpu.iota {dimensions = array<i32: 0>} : vector<8x8xi32>
    %le3A_79 = arith.cmpi sle, %iota3A_77, %iota3A_78 : vector<8x8xi32>
    %convert_element_type3A_80 = arith.extui %le3A_79 : vector<8x8xi1> to vector<8x8xi32>
    %convert_element_type3A_81 = arith.sitofp %convert_element_type3A_80 : vector<8x8xi32> to vector<8x8xf32>
    %dot_general3A_82 = arith.constant dense<0.000000e+00> : vector<8x1xf32>
    %dot_general3A_83 = tpu.matmul %convert_element_type3A_81, %mul3A_76, %dot_general3A_82 {dimension_numbers = #tpu.dot_dimension_numbers<[1], [0], [0], [1], [0, 0, 1, 1], [], []>, transpose_lhs_hint = false} : vector<8x8xf32>, vector<8x1xf32>, vector<8x1xf32> -> vector<8x1xf32>
    %sub3A_84 = arith.subf %dot_general3A_83, %mul3A_76 : vector<8x1xf32>
    %slice3A_85 = vector.extract_strided_slice %reshape3A_66 {offsets = [0, 0], sizes = [8, 2048], strides = [1, 1]} : vector<8x4096xf32> to vector<8x2048xf32>
    %add3A_86 = vector.broadcast %sub3A_84 : vector<8x1xf32> to vector<8x2048xf32>
    %add3A_87 = arith.addf %add3A_86, %slice3A_85 : vector<8x2048xf32>
    %sub3A_88 = arith.constant 1.000000e+00 : f32
    %sub3A_89 = vector.broadcast %sub3A_88 : f32 to vector<8x2048xf32>
    %sub3A_90 = arith.subf %add3A_87, %sub3A_89 : vector<8x2048xf32>
    %mul3A_91 = arith.mulf %convert_element_type3A_20, %sub3A_90 : vector<8x2048xf32>
    %reduce_sum3A_92 = arith.constant dense<0.000000e+00> : vector<2048xf32>
    %reduce_sum3A_93 = vector.multi_reduction <add>, %mul3A_91, %reduce_sum3A_92 [0] : vector<8x2048xf32> to vector<2048xf32>
    %broadcast_in_dim3A_94 = vector.shape_cast %reduce_sum3A_93 : vector<2048xf32> to vector<1x2048xf32>
    %slice3A_95 = vector.extract_strided_slice %reshape3A_66 {offsets = [0, 2048], sizes = [8, 2048], strides = [1, 1]} : vector<8x4096xf32> to vector<8x2048xf32>
    %add3A_96 = vector.broadcast %sub3A_84 : vector<8x1xf32> to vector<8x2048xf32>
    %add3A_97 = arith.addf %add3A_96, %slice3A_95 : vector<8x2048xf32>
    %sub3A_98 = arith.constant 1.000000e+00 : f32
    %sub3A_99 = vector.broadcast %sub3A_98 : f32 to vector<8x2048xf32>
    %sub3A_100 = arith.subf %add3A_97, %sub3A_99 : vector<8x2048xf32>
    %mul3A_101 = arith.mulf %convert_element_type3A_38, %sub3A_100 : vector<8x2048xf32>
    %reduce_sum3A_102 = arith.constant dense<0.000000e+00> : vector<2048xf32>
    %reduce_sum3A_103 = vector.multi_reduction <add>, %mul3A_101, %reduce_sum3A_102 [0] : vector<8x2048xf32> to vector<2048xf32>
    %broadcast_in_dim3A_104 = vector.shape_cast %reduce_sum3A_103 : vector<2048xf32> to vector<1x2048xf32>
    %convert_element_type3A_105 = arith.fptosi %broadcast_in_dim3A_94 : vector<1x2048xf32> to vector<1x2048xi32>
    %swap3A_106 = arith.constant 0 : index
    %swap3A_107 = arith.constant 0 : index
    %swap3A_108 = vector.load %arg2[%swap3A_106, %swap3A_107] : memref<1x2048xi32, #tpu.memory_space<vmem>>, vector<1x2048xi32>
    tpu.vector_store %arg2[%swap3A_106, %swap3A_107], %convert_element_type3A_105 {strides = array<i32>} : memref<1x2048xi32, #tpu.memory_space<vmem>>, vector<1x2048xi32>,
    %convert_element_type3A_109 = arith.fptosi %broadcast_in_dim3A_104 : vector<1x2048xf32> to vector<1x2048xi32>
    %swap3A_110 = arith.constant 0 : index
    %swap3A_111 = arith.constant 0 : index
    %swap3A_112 = vector.load %arg3[%swap3A_110, %swap3A_111] : memref<1x2048xi32, #tpu.memory_space<vmem>>, vector<1x2048xi32>
    tpu.vector_store %arg3[%swap3A_110, %swap3A_111], %convert_element_type3A_109 {strides = array<i32>} : memref<1x2048xi32, #tpu.memory_space<vmem>>, vector<1x2048xi32>,
    %iota3A_113 = tpu.iota {dimensions = array<i32: 1>} : vector<1x25xi32>
    %convert_element_type3A_114 = arith.sitofp %iota3A_113 : vector<1x25xi32> to vector<1x25xf32>
    %mul3A_115 = arith.constant 2.560000e+02 : f32
    %mul3A_116 = vector.broadcast %mul3A_115 : f32 to vector<1x25xf32>
    %mul3A_117 = arith.mulf %convert_element_type3A_114, %mul3A_116 : vector<1x25xf32>
    %ge3A_118 = vector.broadcast %mul3A_117 : vector<1x25xf32> to vector<8x25xf32>
    %ge3A_119 = vector.broadcast %dot_general3A_83 : vector<8x1xf32> to vector<8x25xf32>
    %ge3A_120 = arith.cmpf oge, %ge3A_118, %ge3A_119 : vector<8x25xf32>
    %convert_element_type3A_121 = arith.extui %ge3A_120 : vector<8x25xi1> to vector<8x25xi32>
    %convert_element_type3A_122 = arith.sitofp %convert_element_type3A_121 : vector<8x25xi32> to vector<8x25xf32>
    %reduce_sum3A_123 = arith.constant dense<0.000000e+00> : vector<25xf32>
    %reduce_sum3A_124 = vector.multi_reduction <add>, %convert_element_type3A_122, %reduce_sum3A_123 [0] : vector<8x25xf32> to vector<25xf32>
    %broadcast_in_dim3A_125 = vector.shape_cast %reduce_sum3A_124 : vector<25xf32> to vector<1x25xf32>
    %min3A = arith.constant 7.000000e+00 : f32
    %min3A_126 = vector.broadcast %min3A : f32 to vector<1x25xf32>
    %min3A_127 = arith.minimumf %broadcast_in_dim3A_125, %min3A_126 : vector<1x25xf32>
    %slice3A_128 = vector.extract_strided_slice %dot_general3A_83 {offsets = [7, 0], sizes = [1, 1], strides = [1, 1]} : vector<8x1xf32> to vector<1x1xf32>
    %mul3A_129 = arith.constant 3.906250e-03 : f32
    %mul3A_130 = vector.broadcast %mul3A_129 : f32 to vector<1x1xf32>
    %mul3A_131 = arith.mulf %slice3A_128, %mul3A_130 : vector<1x1xf32>
    %ge3A_132 = arith.constant 2.400000e+01 : f32
    %ge3A_133 = vector.broadcast %ge3A_132 : f32 to vector<1x25xf32>
    %ge3A_134 = arith.cmpf oge, %convert_element_type3A_114, %ge3A_133 : vector<1x25xf32>
    %broadcast_in_dim3A_135 = vector.shape_cast %mul3A_131 : vector<1x1xf32> to vector<1x1xf32>
    %broadcast_in_dim3A_136 = vector.broadcast %broadcast_in_dim3A_135 : vector<1x1xf32> to vector<1x25xf32>
    %select_n3A_137 = arith.select %ge3A_134, %broadcast_in_dim3A_136, %min3A_127 : vector<1x25xi1>, vector<1x25xf32>
    %convert_element_type3A_138 = arith.fptosi %select_n3A_137 : vector<1x25xf32> to vector<1x25xi32>
    %swap3A_139 = arith.constant 0 : index
    %swap3A_140 = arith.constant 0 : index
    %swap3A_141 = vector.load %arg6[%swap3A_139, %swap3A_140] : memref<1x25xi32, #tpu.memory_space<vmem>>, vector<1x25xi32>
    tpu.vector_store %arg6[%swap3A_139, %swap3A_140], %convert_element_type3A_138 {strides = array<i32>} : memref<1x25xi32, #tpu.memory_space<vmem>>, vector<1x25xi32>,
    return
  }
}

module attributes {stable_mosaic.version = 14 : i64} {
  func.func @_mlp_body(%arg0: i32, %arg1: memref<25xi32, #tpu.memory_space<smem>>, %arg2: memref<256x768xf32, #tpu.memory_space<vmem>>, %arg3: memref<1x2048xi32, #tpu.memory_space<vmem>>, %arg4: memref<1x2048xi32, #tpu.memory_space<vmem>>, %arg5: memref<1x2048xf32, #tpu.memory_space<vmem>>, %arg6: memref<1x2048xf32, #tpu.memory_space<vmem>>, %arg7: memref<1x1536x768xf32, #tpu.memory_space<vmem>>, %arg8: memref<1x1536x768xf32, #tpu.memory_space<vmem>>, %arg9: memref<1x768x1536xf32, #tpu.memory_space<vmem>>, %arg10: memref<256x768xf32, #tpu.memory_space<vmem>>) attributes {dimension_semantics = [#tpu.dimension_semantics<arbitrary>], iteration_bounds = array<i64: 24>, scalar_prefetch = 1 : i64, scratch_operands = 0 : i64, tpu.core_type = #tpu.core_type<tc>, window_params = [{transform_indices = @transform_0, window_bounds = array<i64: 256, 768>}, {pipeline_mode = #tpu.pipeline_mode<synchronous>, transform_indices = @transform_1, window_bounds = array<i64: 1, 2048>}, {pipeline_mode = #tpu.pipeline_mode<synchronous>, transform_indices = @transform_2, window_bounds = array<i64: 1, 2048>}, {pipeline_mode = #tpu.pipeline_mode<synchronous>, transform_indices = @transform_3, window_bounds = array<i64: 1, 2048>}, {pipeline_mode = #tpu.pipeline_mode<synchronous>, transform_indices = @transform_4, window_bounds = array<i64: 1, 2048>}, {transform_indices = @transform_5, window_bounds = array<i64: 1, 1536, 768>}, {transform_indices = @transform_6, window_bounds = array<i64: 1, 1536, 768>}, {transform_indices = @transform_7, window_bounds = array<i64: 1, 768, 1536>}, {transform_indices = @transform_8, window_bounds = array<i64: 256, 768>}]} {
    %get3A = arith.constant 24 : index
    %get3A_0 = memref.load %arg1[%get3A] : memref<25xi32, #tpu.memory_space<smem>>
    %lt3A = arith.cmpi slt, %arg0, %get3A_0 : i32
    %convert_element_type3A = arith.extui %lt3A : i1 to i32
    %cond3A = arith.constant 0 : i32
    %cond3A_1 = arith.cmpi ne, %convert_element_type3A, %cond3A : i32
    scf.if %cond3A_1 {
      %iota3A = tpu.iota {dimensions = array<i32: 0>} : vector<256x1xi32>
      %mul3A = arith.constant 256 : i32
      %mul3A_2 = arith.muli %arg0, %mul3A : i32
      %add3A = vector.broadcast %mul3A_2 : i32 to vector<256x1xi32>
      %add3A_3 = arith.addi %iota3A, %add3A : vector<256x1xi32>
      %get3A_4 = arith.constant 0 : index
      %get3A_5 = arith.constant 0 : index
      %get3A_6 = vector.load %arg3[%get3A_4, %get3A_5] : memref<1x2048xi32, #tpu.memory_space<vmem>>, vector<1x2048xi32>
      %eq3A = vector.broadcast %get3A_6 : vector<1x2048xi32> to vector<256x2048xi32>
      %eq3A_7 = vector.broadcast %add3A_3 : vector<256x1xi32> to vector<256x2048xi32>
      %eq3A_8 = arith.cmpi eq, %eq3A, %eq3A_7 : vector<256x2048xi32>
      %get3A_9 = arith.constant 0 : index
      %get3A_10 = arith.constant 0 : index
      %get3A_11 = vector.load %arg4[%get3A_9, %get3A_10] : memref<1x2048xi32, #tpu.memory_space<vmem>>, vector<1x2048xi32>
      %eq3A_12 = vector.broadcast %get3A_11 : vector<1x2048xi32> to vector<256x2048xi32>
      %eq3A_13 = vector.broadcast %add3A_3 : vector<256x1xi32> to vector<256x2048xi32>
      %eq3A_14 = arith.cmpi eq, %eq3A_12, %eq3A_13 : vector<256x2048xi32>
      %get3A_15 = arith.constant 0 : index
      %get3A_16 = arith.constant 0 : index
      %get3A_17 = vector.load %arg5[%get3A_15, %get3A_16] : memref<1x2048xf32, #tpu.memory_space<vmem>>, vector<1x2048xf32>
      %jit3A = arith.constant 0.000000e+00 : f32
      %broadcast_in_dim3A = vector.shape_cast %get3A_17 : vector<1x2048xf32> to vector<1x2048xf32>
      %broadcast_in_dim3A_18 = vector.broadcast %broadcast_in_dim3A : vector<1x2048xf32> to vector<256x2048xf32>
      %broadcast_in_dim3A_19 = vector.broadcast %jit3A : f32 to vector<256x2048xf32>
      %select_n3A = arith.select %eq3A_8, %broadcast_in_dim3A_18, %broadcast_in_dim3A_19 : vector<256x2048xi1>, vector<256x2048xf32>
      %get3A_20 = arith.constant 0 : index
      %get3A_21 = arith.constant 0 : index
      %get3A_22 = vector.load %arg6[%get3A_20, %get3A_21] : memref<1x2048xf32, #tpu.memory_space<vmem>>, vector<1x2048xf32>
      %jit3A_23 = arith.constant 0.000000e+00 : f32
      %broadcast_in_dim3A_24 = vector.shape_cast %get3A_22 : vector<1x2048xf32> to vector<1x2048xf32>
      %broadcast_in_dim3A_25 = vector.broadcast %broadcast_in_dim3A_24 : vector<1x2048xf32> to vector<256x2048xf32>
      %broadcast_in_dim3A_26 = vector.broadcast %jit3A_23 : f32 to vector<256x2048xf32>
      %select_n3A_27 = arith.select %eq3A_14, %broadcast_in_dim3A_25, %broadcast_in_dim3A_26 : vector<256x2048xi1>, vector<256x2048xf32>
      %add3A_28 = arith.addf %select_n3A, %select_n3A_27 : vector<256x2048xf32>
      %reduce_sum3A = arith.constant dense<0.000000e+00> : vector<256xf32>
      %reduce_sum3A_29 = vector.multi_reduction <add>, %add3A_28, %reduce_sum3A [1] : vector<256x2048xf32> to vector<256xf32>
      %broadcast_in_dim3A_30 = vector.shape_cast %reduce_sum3A_29 : vector<256xf32> to vector<256x1xf32>
      %get3A_31 = arith.constant 0 : index
      %get3A_32 = arith.constant 0 : index
      %get3A_33 = vector.load %arg2[%get3A_31, %get3A_32] : memref<256x768xf32, #tpu.memory_space<vmem>>, vector<256x768xf32>
      %convert_element_type3A_34 = arith.truncf %get3A_33 : vector<256x768xf32> to vector<256x768xbf16>
      %get3A_35 = arith.constant 0 : index
      %get3A_36 = arith.constant 0 : index
      %get3A_37 = arith.constant 0 : index
      %get3A_38 = vector.load %arg7[%get3A_35, %get3A_36, %get3A_37] : memref<1x1536x768xf32, #tpu.memory_space<vmem>>, vector<1x1536x768xf32>
      %get3A_39 = vector.shape_cast %get3A_38 : vector<1x1536x768xf32> to vector<1536x768xf32>
      %dot_general3A = arith.constant dense<0.000000e+00> : vector<256x1536xf32>
      %dot_general3A_40 = tpu.matmul %convert_element_type3A_34, %get3A_39, %dot_general3A {dimension_numbers = #tpu.dot_dimension_numbers<[1], [1], [0], [0], [0, 0, 1, 0], [], []>, transpose_lhs_hint = false} : vector<256x768xbf16>, vector<1536x768xf32>, vector<256x1536xf32> -> vector<256x1536xf32>
      %get3A_41 = arith.constant 0 : index
      %get3A_42 = arith.constant 0 : index
      %get3A_43 = arith.constant 0 : index
      %get3A_44 = vector.load %arg8[%get3A_41, %get3A_42, %get3A_43] : memref<1x1536x768xf32, #tpu.memory_space<vmem>>, vector<1x1536x768xf32>
      %get3A_45 = vector.shape_cast %get3A_44 : vector<1x1536x768xf32> to vector<1536x768xf32>
      %dot_general3A_46 = arith.constant dense<0.000000e+00> : vector<256x1536xf32>
      %dot_general3A_47 = tpu.matmul %convert_element_type3A_34, %get3A_45, %dot_general3A_46 {dimension_numbers = #tpu.dot_dimension_numbers<[1], [1], [0], [0], [0, 0, 1, 0], [], []>, transpose_lhs_hint = false} : vector<256x768xbf16>, vector<1536x768xf32>, vector<256x1536xf32> -> vector<256x1536xf32>
      %neg3A = arith.constant 0.000000e+00 : f32
      %neg3A_48 = vector.broadcast %neg3A : f32 to vector<256x1536xf32>
      %neg3A_49 = arith.subf %neg3A_48, %dot_general3A_40 : vector<256x1536xf32>
      %exp3A = math.exp %neg3A_49 : vector<256x1536xf32>
      %add3A_50 = arith.constant 1.000000e+00 : f32
      %add3A_51 = vector.broadcast %add3A_50 : f32 to vector<256x1536xf32>
      %add3A_52 = arith.addf %add3A_51, %exp3A : vector<256x1536xf32>
      %div3A = arith.constant 1.000000e+00 : f32
      %div3A_53 = vector.broadcast %div3A : f32 to vector<256x1536xf32>
      %div3A_54 = arith.divf %div3A_53, %add3A_52 : vector<256x1536xf32>
      %mul3A_55 = arith.mulf %dot_general3A_40, %div3A_54 : vector<256x1536xf32>
      %mul3A_56 = arith.mulf %mul3A_55, %dot_general3A_47 : vector<256x1536xf32>
      %convert_element_type3A_57 = arith.truncf %mul3A_56 : vector<256x1536xf32> to vector<256x1536xbf16>
      %get3A_58 = arith.constant 0 : index
      %get3A_59 = arith.constant 0 : index
      %get3A_60 = arith.constant 0 : index
      %get3A_61 = vector.load %arg9[%get3A_58, %get3A_59, %get3A_60] : memref<1x768x1536xf32, #tpu.memory_space<vmem>>, vector<1x768x1536xf32>
      %get3A_62 = vector.shape_cast %get3A_61 : vector<1x768x1536xf32> to vector<768x1536xf32>
      %dot_general3A_63 = arith.constant dense<0.000000e+00> : vector<256x768xf32>
      %dot_general3A_64 = tpu.matmul %convert_element_type3A_57, %get3A_62, %dot_general3A_63 {dimension_numbers = #tpu.dot_dimension_numbers<[1], [1], [0], [0], [0, 0, 1, 0], [], []>, transpose_lhs_hint = false} : vector<256x1536xbf16>, vector<768x1536xf32>, vector<256x768xf32> -> vector<256x768xf32>
      %mul3A_65 = vector.broadcast %broadcast_in_dim3A_30 : vector<256x1xf32> to vector<256x768xf32>
      %mul3A_66 = arith.mulf %dot_general3A_64, %mul3A_65 : vector<256x768xf32>
      %swap3A = arith.constant 0 : index
      %swap3A_67 = arith.constant 0 : index
      %swap3A_68 = vector.load %arg10[%swap3A, %swap3A_67] : memref<256x768xf32, #tpu.memory_space<vmem>>, vector<256x768xf32>
      tpu.vector_store %arg10[%swap3A, %swap3A_67], %mul3A_66 {strides = array<i32>} : memref<256x768xf32, #tpu.memory_space<vmem>>, vector<256x768xf32>,
    } else {
    }
    return
  }
  func.func @transform_0(%arg0: i32, %arg1: memref<25xi32, #tpu.memory_space<smem>>) -> (i32, i32) {
    %c0_i32 = arith.constant 0 : i32
    %c0_i32_0 = arith.constant 0 : i32
    return %arg0, %c0_i32 : i32, i32
  }
  func.func @transform_1(%arg0: i32, %arg1: memref<25xi32, #tpu.memory_space<smem>>) -> (i32, i32) {
    %c0_i32 = arith.constant 0 : i32
    %c0_i32_0 = arith.constant 0 : i32
    %c0_i32_1 = arith.constant 0 : i32
    return %c0_i32, %c0_i32_0 : i32, i32
  }
  func.func @transform_2(%arg0: i32, %arg1: memref<25xi32, #tpu.memory_space<smem>>) -> (i32, i32) {
    %c0_i32 = arith.constant 0 : i32
    %c0_i32_0 = arith.constant 0 : i32
    %c0_i32_1 = arith.constant 0 : i32
    return %c0_i32, %c0_i32_0 : i32, i32
  }
  func.func @transform_3(%arg0: i32, %arg1: memref<25xi32, #tpu.memory_space<smem>>) -> (i32, i32) {
    %c0_i32 = arith.constant 0 : i32
    %c0_i32_0 = arith.constant 0 : i32
    %c0_i32_1 = arith.constant 0 : i32
    return %c0_i32, %c0_i32_0 : i32, i32
  }
  func.func @transform_4(%arg0: i32, %arg1: memref<25xi32, #tpu.memory_space<smem>>) -> (i32, i32) {
    %c0_i32 = arith.constant 0 : i32
    %c0_i32_0 = arith.constant 0 : i32
    %c0_i32_1 = arith.constant 0 : i32
    return %c0_i32, %c0_i32_0 : i32, i32
  }
  func.func @transform_5(%arg0: i32, %arg1: memref<25xi32, #tpu.memory_space<smem>>) -> (i32, i32, i32) {
    %min3A = arith.constant 23 : i32
    %min3A_0 = arith.minsi %arg0, %min3A : i32
    %get3A = arith.index_cast %min3A_0 : i32 to index
    %get3A_1 = memref.load %arg1[%get3A] : memref<25xi32, #tpu.memory_space<smem>>
    %min3A_2 = arith.constant 7 : i32
    %min3A_3 = arith.minsi %get3A_1, %min3A_2 : i32
    %c0_i32 = arith.constant 0 : i32
    %c0_i32_4 = arith.constant 0 : i32
    %c0_i32_5 = arith.constant 0 : i32
    return %min3A_3, %c0_i32, %c0_i32_4 : i32, i32, i32
  }
  func.func @transform_6(%arg0: i32, %arg1: memref<25xi32, #tpu.memory_space<smem>>) -> (i32, i32, i32) {
    %min3A = arith.constant 23 : i32
    %min3A_0 = arith.minsi %arg0, %min3A : i32
    %get3A = arith.index_cast %min3A_0 : i32 to index
    %get3A_1 = memref.load %arg1[%get3A] : memref<25xi32, #tpu.memory_space<smem>>
    %min3A_2 = arith.constant 7 : i32
    %min3A_3 = arith.minsi %get3A_1, %min3A_2 : i32
    %c0_i32 = arith.constant 0 : i32
    %c0_i32_4 = arith.constant 0 : i32
    %c0_i32_5 = arith.constant 0 : i32
    return %min3A_3, %c0_i32, %c0_i32_4 : i32, i32, i32
  }
  func.func @transform_7(%arg0: i32, %arg1: memref<25xi32, #tpu.memory_space<smem>>) -> (i32, i32, i32) {
    %min3A = arith.constant 23 : i32
    %min3A_0 = arith.minsi %arg0, %min3A : i32
    %get3A = arith.index_cast %min3A_0 : i32 to index
    %get3A_1 = memref.load %arg1[%get3A] : memref<25xi32, #tpu.memory_space<smem>>
    %min3A_2 = arith.constant 7 : i32
    %min3A_3 = arith.minsi %get3A_1, %min3A_2 : i32
    %c0_i32 = arith.constant 0 : i32
    %c0_i32_4 = arith.constant 0 : i32
    %c0_i32_5 = arith.constant 0 : i32
    return %min3A_3, %c0_i32, %c0_i32_4 : i32, i32, i32
  }
  func.func @transform_8(%arg0: i32, %arg1: memref<25xi32, #tpu.memory_space<smem>>) -> (i32, i32) {
    %c0_i32 = arith.constant 0 : i32
    %c0_i32_0 = arith.constant 0 : i32
    return %arg0, %c0_i32 : i32, i32
  }
}

module attributes {stable_mosaic.version = 14 : i64} {
  func.func @_shared_body(%arg0: i32, %arg1: memref<256x768xbf16, #tpu.memory_space<vmem>>, %arg2: memref<1x1536x768xf32, #tpu.memory_space<vmem>>, %arg3: memref<1x1536x768xf32, #tpu.memory_space<vmem>>, %arg4: memref<1x768x1536xf32, #tpu.memory_space<vmem>>, %arg5: memref<256x768xf32, #tpu.memory_space<vmem>>) attributes {dimension_semantics = [#tpu.dimension_semantics<arbitrary>], iteration_bounds = array<i64: 8>, scalar_prefetch = 0 : i64, scratch_operands = 0 : i64, tpu.core_type = #tpu.core_type<tc>, window_params = [{transform_indices = @transform_0, window_bounds = array<i64: 256, 768>}, {pipeline_mode = #tpu.pipeline_mode<synchronous>, transform_indices = @transform_1, window_bounds = array<i64: 1, 1536, 768>}, {pipeline_mode = #tpu.pipeline_mode<synchronous>, transform_indices = @transform_2, window_bounds = array<i64: 1, 1536, 768>}, {pipeline_mode = #tpu.pipeline_mode<synchronous>, transform_indices = @transform_3, window_bounds = array<i64: 1, 768, 1536>}, {transform_indices = @transform_4, window_bounds = array<i64: 256, 768>}]} {
    %get3A = arith.constant 0 : index
    %get3A_0 = arith.constant 0 : index
    %get3A_1 = vector.load %arg1[%get3A, %get3A_0] : memref<256x768xbf16, #tpu.memory_space<vmem>>, vector<256x768xbf16>
    %get3A_2 = arith.constant 0 : index
    %get3A_3 = arith.constant 0 : index
    %get3A_4 = arith.constant 0 : index
    %get3A_5 = vector.load %arg2[%get3A_2, %get3A_3, %get3A_4] : memref<1x1536x768xf32, #tpu.memory_space<vmem>>, vector<1x1536x768xf32>
    %get3A_6 = vector.shape_cast %get3A_5 : vector<1x1536x768xf32> to vector<1536x768xf32>
    %dot_general3A = arith.constant dense<0.000000e+00> : vector<256x1536xf32>
    %dot_general3A_7 = tpu.matmul %get3A_1, %get3A_6, %dot_general3A {dimension_numbers = #tpu.dot_dimension_numbers<[1], [1], [0], [0], [0, 0, 1, 0], [], []>, transpose_lhs_hint = false} : vector<256x768xbf16>, vector<1536x768xf32>, vector<256x1536xf32> -> vector<256x1536xf32>
    %get3A_8 = arith.constant 0 : index
    %get3A_9 = arith.constant 0 : index
    %get3A_10 = arith.constant 0 : index
    %get3A_11 = vector.load %arg3[%get3A_8, %get3A_9, %get3A_10] : memref<1x1536x768xf32, #tpu.memory_space<vmem>>, vector<1x1536x768xf32>
    %get3A_12 = vector.shape_cast %get3A_11 : vector<1x1536x768xf32> to vector<1536x768xf32>
    %dot_general3A_13 = arith.constant dense<0.000000e+00> : vector<256x1536xf32>
    %dot_general3A_14 = tpu.matmul %get3A_1, %get3A_12, %dot_general3A_13 {dimension_numbers = #tpu.dot_dimension_numbers<[1], [1], [0], [0], [0, 0, 1, 0], [], []>, transpose_lhs_hint = false} : vector<256x768xbf16>, vector<1536x768xf32>, vector<256x1536xf32> -> vector<256x1536xf32>
    %neg3A = arith.constant 0.000000e+00 : f32
    %neg3A_15 = vector.broadcast %neg3A : f32 to vector<256x1536xf32>
    %neg3A_16 = arith.subf %neg3A_15, %dot_general3A_7 : vector<256x1536xf32>
    %exp3A = math.exp %neg3A_16 : vector<256x1536xf32>
    %add3A = arith.constant 1.000000e+00 : f32
    %add3A_17 = vector.broadcast %add3A : f32 to vector<256x1536xf32>
    %add3A_18 = arith.addf %add3A_17, %exp3A : vector<256x1536xf32>
    %div3A = arith.constant 1.000000e+00 : f32
    %div3A_19 = vector.broadcast %div3A : f32 to vector<256x1536xf32>
    %div3A_20 = arith.divf %div3A_19, %add3A_18 : vector<256x1536xf32>
    %mul3A = arith.mulf %dot_general3A_7, %div3A_20 : vector<256x1536xf32>
    %mul3A_21 = arith.mulf %mul3A, %dot_general3A_14 : vector<256x1536xf32>
    %convert_element_type3A = arith.truncf %mul3A_21 : vector<256x1536xf32> to vector<256x1536xbf16>
    %get3A_22 = arith.constant 0 : index
    %get3A_23 = arith.constant 0 : index
    %get3A_24 = arith.constant 0 : index
    %get3A_25 = vector.load %arg4[%get3A_22, %get3A_23, %get3A_24] : memref<1x768x1536xf32, #tpu.memory_space<vmem>>, vector<1x768x1536xf32>
    %get3A_26 = vector.shape_cast %get3A_25 : vector<1x768x1536xf32> to vector<768x1536xf32>
    %dot_general3A_27 = arith.constant dense<0.000000e+00> : vector<256x768xf32>
    %dot_general3A_28 = tpu.matmul %convert_element_type3A, %get3A_26, %dot_general3A_27 {dimension_numbers = #tpu.dot_dimension_numbers<[1], [1], [0], [0], [0, 0, 1, 0], [], []>, transpose_lhs_hint = false} : vector<256x1536xbf16>, vector<768x1536xf32>, vector<256x768xf32> -> vector<256x768xf32>
    %swap3A = arith.constant 0 : index
    %swap3A_29 = arith.constant 0 : index
    %swap3A_30 = vector.load %arg5[%swap3A, %swap3A_29] : memref<256x768xf32, #tpu.memory_space<vmem>>, vector<256x768xf32>
    tpu.vector_store %arg5[%swap3A, %swap3A_29], %dot_general3A_28 {strides = array<i32>} : memref<256x768xf32, #tpu.memory_space<vmem>>, vector<256x768xf32>,
    return
  }
  func.func @transform_0(%arg0: i32) -> (i32, i32) {
    %c0_i32 = arith.constant 0 : i32
    %c0_i32_0 = arith.constant 0 : i32
    return %arg0, %c0_i32 : i32, i32
  }
  func.func @transform_1(%arg0: i32) -> (i32, i32, i32) {
    %c0_i32 = arith.constant 0 : i32
    %c0_i32_0 = arith.constant 0 : i32
    %c0_i32_1 = arith.constant 0 : i32
    %c0_i32_2 = arith.constant 0 : i32
    return %c0_i32, %c0_i32_0, %c0_i32_1 : i32, i32, i32
  }
  func.func @transform_2(%arg0: i32) -> (i32, i32, i32) {
    %c0_i32 = arith.constant 0 : i32
    %c0_i32_0 = arith.constant 0 : i32
    %c0_i32_1 = arith.constant 0 : i32
    %c0_i32_2 = arith.constant 0 : i32
    return %c0_i32, %c0_i32_0, %c0_i32_1 : i32, i32, i32
  }
  func.func @transform_3(%arg0: i32) -> (i32, i32, i32) {
    %c0_i32 = arith.constant 0 : i32
    %c0_i32_0 = arith.constant 0 : i32
    %c0_i32_1 = arith.constant 0 : i32
    %c0_i32_2 = arith.constant 0 : i32
    return %c0_i32, %c0_i32_0, %c0_i32_1 : i32, i32, i32
  }
  func.func @transform_4(%arg0: i32) -> (i32, i32) {
    %c0_i32 = arith.constant 0 : i32
    %c0_i32_0 = arith.constant 0 : i32
    return %arg0, %c0_i32 : i32, i32
  }
}

</mosaic_0001>

<sc_bundles>
// kernel: kernel.10.cloned.1.call-start
scs
__scs_entry_jumppad:
0x0: {  	(pc) =	sbr.rel $0x88, $3  }
0x1: {  	(tag) =	ssettag $0x0;
	lr =	simm.s32 $0x1  }
0x2: {  	[smem:$0x3F99] =	sst lr;
	_ =	strace $0xD0000000  }
0x3: {  	_ = 	snop  }
0x4: {  	_ = 	snop  }
0x5: {  	_ = 	snop  }
0x6: {  	_ = 	snop  }
0x7: {  	_ = 	snop  }
__scs_overlays_trampoline_lowered:
0x8: {  	[smem:$0x3FA8] =	sst s0  }
0x9: {  	[smem:$0x3FA9] =	sst s1  }
0xa: {  	[smem:$0x3FAA] =	sst s2  }
0xb: {  	[smem:$0x3FAB] =	sst s3  }
0xc: {  	[smem:$0x3FAC] =	sst s4  }
0xd: {  	[smem:$0x3FAD] =	sst s5  }
0xe: {  	[smem:$0x3FAE] =	sst s6  }
0xf: {  	[smem:$0x3FAF] =	sst s7  }
0x10: {  	[smem:$0x3FB0] =	sst s8  }
0x11: {  	[smem:$0x3FB1] =	sst s9;
	s0 =	simm.s32 @!p0 $0x0  }
0x12: {  	s1 =	sld [smem:$0x3F97];
	s0 =	simm.s32 @p0 $0x1  }
0x13: {  	[smem:$0x3FB2] =	sst s0;
	s0 =	simm.s32 @!p1 $0x0  }
0x14: {  	s2 =	sld [smem:$0x3F96];
	s0 =	simm.s32 @p1 $0x1  }
0x15: {  	[smem:$0x3FB3] =	sst s0;
	s0 =	simm.s32 @!p2 $0x0  }
0x16: {  	s3 =	sld [smem:$0x3FDB];
	s0 =	simm.s32 @p2 $0x1  }
0x17: {  	s4 =	simm.s32 $0x1BF5;
	[smem:$0x3FB5] =	sst s0  }
0x18: {  	s0 =	sld [smem:$0x3F98];
	_ =	swait.ge [sflag:s4], $0x0  }
0x19: {  	s7 =	sld [smem:$0x3F99]  }
0x1a: {  	s8 =	sadd.s32 $0xFFFFE003, lr  }
0x1b: {  	s9 =	sadd.s32 $0xFFFFFEF7, lr;
	s5 =	simm.s32 $0xFFFFFFFF;
	p2 =	slt.u32 s8, $0xFFFFF086  }
0x1c: {  	p1 =	slt.u32 s9, $0xF7A;
	s5 =	simm.s32 @!p2 $0x0  }
0x1d: {  	s5 =	simm.s32 @p1 $0x1;
	p0 =	seq.s32 s7, s2  }
0x1e: {  	s7 =	smul.u32 @!p0 $0xF7A, s2;
	p2 =	seq.s32 @!p0 s5, $0x0  }
0x1f: {  	s9 =	smul.u32 $0xF7A, s1;
	s8 =	simm.s32 @!p0 $0x1BF5;
	p2 =	por !p2, p0  }
0x20: {  	[sflag:s8] =	ssyncset.s32 @!p0 $0xFFFFF086;
	s6 =	sadd.s32 @!p0 s3, s7;
	s7 =	simm.s32 @!p0 $0x108  }
0x21: {  	s3 =	sadd.s32 s3, s9;
	s6 =	sadd.s32 @!p0 $0x88, s6;
	s7 =	simm.s32 @p2 $0x1082  }
0x22: {  	[simem:s7], [sflag:s8] =	dma.local @!p0 [hbm:s6], $0xF7A  }
0x23: {  	s9 =	sor.u32 $0xD0000000, s2;
	s6 =	simm.s32 $0x108;
	_ =	swait.ge @!p0 [sflag:s8], $0x0  }
0x24: {  	s3 =	sadd.s32 $0x88, s3;
	s6 =	simm.s32 @!p1 $0x1082;
	[sflag:s4] =	ssyncset.s32 $0xFFFFF086  }
0x25: {  	[simem:s6], [sflag:s4] =	dma.local [hbm:s3], $0xF7A  }
0x26: {  	[smem:$0x3F99] =	sst s1;
	(tag) =	ssettag s2;
	_ =	strace s9  }
0x27: {  	s1 =	sld [smem:$0x3FA9]  }
0x28: {  	s2 =	sld [smem:$0x3FAA]  }
0x29: {  	s4 =	sld [smem:$0x3FAC]  }
0x2a: {  	p0 =	seq.s32 s5, $0x0;
	s5 =	sld [smem:$0x3FAD]  }
0x2b: {  	s6 =	sld [smem:$0x3FAE]  }
0x2c: {  	s7 =	sld [smem:$0x3FAF]  }
0x2d: {  	s3 =	simm.s32 $0x108;
	s8 =	sld [smem:$0x3FB0]  }
0x2e: {  	s3 =	simm.s32 @!p0 $0x1082;
	s9 =	sld [smem:$0x3FB1]  }
0x2f: {  	lr =	sadd.s32 s0, s3;
	s0 =	sld [smem:$0x3FA8]  }
0x30: {  	s3 =	sld [smem:$0x3FAB]  }
0x31: {  	[smem:$0x3FB4] =	sst s10  }
0x32: {  	s10 =	sld [smem:$0x3FB2];
	_ =	sdelay $0x3  }
0x33: {  	p0 =	seq.s32 s10, $0x1;
	s10 =	sld [smem:$0x3FB4];
	_ =	sdelay $0x3  }
0x34: {  	[smem:$0x3FB4] =	sst s10  }
0x35: {  	s10 =	sld [smem:$0x3FB3];
	_ =	sdelay $0x3  }
0x36: {  	p1 =	seq.s32 s10, $0x1;
	s10 =	sld [smem:$0x3FB4];
	_ =	sdelay $0x3  }
0x37: {  	[smem:$0x3FB4] =	sst s10  }
0x38: {  	s10 =	sld [smem:$0x3FB5]  }
0x39: {  	_ = 	snop;
	(pc) =	sbr.ind lr, $3  }
0x3a: {  	_ = 	snop  }
0x3b: {  	_ = 	snop  }
0x3c: {  	p2 =	seq.s32 s10, $0x1;
	s10 =	sld [smem:$0x3FB4]  }
0x3d: {  	_ =	shalt  }
0x3e: {  	_ =	shalt  }
0x3f: {  	_ =	shalt  }
0x40: {  	_ =	shalt  }
0x41: {  	_ =	shalt  }
0x42: {  	_ =	shalt  }
0x43: {  	_ =	shalt  }
0x44: {  	_ =	shalt  }
0x45: {  	_ =	shalt  }
0x46: {  	_ =	shalt  }
0x47: {  	_ =	shalt  }
0x48: {  	_ =	shalt  }
0x49: {  	_ =	shalt  }
0x4a: {  	_ =	shalt  }
0x4b: {  	_ =	shalt  }
0x4c: {  	_ =	shalt  }
0x4d: {  	_ =	shalt  }
0x4e: {  	_ =	shalt  }
0x4f: {  	_ =	shalt  }
0x50: {  	_ =	shalt  }
0x51: {  	_ =	shalt  }
0x52: {  	_ =	shalt  }
0x53: {  	_ =	shalt  }
0x54: {  	_ =	shalt  }
0x55: {  	_ =	shalt  }
0x56: {  	_ =	shalt  }
0x57: {  	_ =	shalt  }
0x58: {  	_ =	shalt  }
0x59: {  	_ =	shalt  }
0x5a: {  	_ =	shalt  }
0x5b: {  	_ =	shalt  }
0x5c: {  	_ =	shalt  }
0x5d: {  	_ =	shalt  }
0x5e: {  	_ =	shalt  }
0x5f: {  	_ =	shalt  }
0x60: {  	_ =	shalt  }
0x61: {  	_ =	shalt  }
0x62: {  	_ =	shalt  }
0x63: {  	_ =	shalt  }
0x64: {  	_ =	shalt  }
0x65: {  	_ =	shalt  }
0x66: {  	_ =	shalt  }
0x67: {  	_ =	shalt  }
0x68: {  	_ =	shalt  }
0x69: {  	_ =	shalt  }
0x6a: {  	_ =	shalt  }
0x6b: {  	_ =	shalt  }
0x6c: {  	_ =	shalt  }
0x6d: {  	_ =	shalt  }
0x6e: {  	_ =	shalt  }
0x6f: {  	_ =	shalt  }
0x70: {  	_ =	shalt  }
0x71: {  	_ =	shalt  }
0x72: {  	_ =	shalt  }
0x73: {  	_ =	shalt  }
0x74: {  	_ =	shalt  }
0x75: {  	_ =	shalt  }
0x76: {  	_ =	shalt  }
0x77: {  	_ =	shalt  }
0x78: {  	_ =	shalt  }
0x79: {  	_ =	shalt  }
0x7a: {  	_ =	shalt  }
0x7b: {  	_ =	shalt  }
0x7c: {  	_ =	shalt  }
0x7d: {  	_ =	shalt  }
0x7e: {  	_ =	shalt  }
0x7f: {  	_ =	shalt  }
0x80: {  	_ =	shalt  }
0x81: {  	_ =	shalt  }
0x82: {  	_ =	shalt  }
0x83: {  	_ =	shalt  }
0x84: {  	_ =	shalt  }
0x85: {  	_ =	shalt  }
0x86: {  	_ =	shalt  }
0x87: {  	_ =	shalt  }
.Lfunc_end0:
.L_simem_size_0:
called_computation.1_lowered:
.L_overlay_start_0:
0x88: {  	s2 =	sld [smem:$0x3FD9]  }
0x89: {  	s3 =	sld [smem:$0x3FFE];
	_ =	sdelay $0x1  }
0x8a: {  	s1 =	srdreg.scid  }
0x8b: {  	s0 =	sand.u32 $0x1, s1  }
0x8c: {  	s17 =	sshll.u32 s0, $0xA;
	s2 =	sadd.s32 s3, s2  }
0x8d: {  	s2 =	sadd.s32 s2, s17  }
0x8e: {  	[smem:$0x3FC0] =	sst s2  }
0x8f: {  	_ = 	snop  }
0x90: {  	s2 =	sld [smem:$0x3FD0];
	(tm) =	ssettm $0x1  }
0x91: {  	s18 =	sld [smem:$0x3FFB];
	_ =	sdelay $0x3  }
0x92: {  	_ =	strace s18  }
0x93: {  	s3 =	sld [smem:$0x3FFC];
	_ =	sdelay $0x3  }
0x94: {  	_ =	strace s3  }
0x95: {  	s3 =	sld [smem:$0x3FFD];
	_ =	sdelay $0x3  }
0x96: {  	_ =	strace s3  }
0x97: {  	_ =	strace $0x8FFFFFFF  }
0x98: {  	s19 =	sld [smem:$0x3FDB];
	_ =	sdelay $0x1  }
0x99: {  	s4 =	simm.s32 $_scs_section_size  }
0x9a: {  	s5 =	simm.s32 $_size__tile_overlayer_lowered;
	s6 =	simm.s32 $_tile_overlayer_lowered  }
0x9b: {  	s22 =	simm.s32 $0x1BFF;
	s21 =	sshll.u32 s6, $0x1;
	s3 =	sadd.s32 s4, s19  }
0x9c: {  	s7 =	simm.s32 $0x0;
	s20 =	sshll.u32 s5, $0x1;
	s5 =	sadd.s32 s21, s3  }
0x9d: {  	[timem:s7], [sflag:s22] =	dma.local [hbm:s5], s20  }
0x9e: {  	_ =	swait.ge [sflag:s22], s20  }
0x9f: {  	s4 =	ssub.s32 $0x0, s20;
	[sflag:s22] =	ssyncset.done $0x0  }
0xa0: {  	[sflag:s22] =	ssyncadd.s32 s4;
	_ =	sdelay $0x1  }
0xa1: {  	s23 =	simm.s32 $0x1B8B  }
0xa2: {  	_ =	swait.ge [sflag:s23], $0x1  }
0xa3: {  	[sflag:s23] =	ssyncset.done $0x0  }
0xa4: {  	s25 =	simm.s32 $0x1B8E;
	s24 =	sld [smem:$0x3FFE];
	[sflag:s23] =	ssyncadd.s32 $0xFFFFFFFF  }
0xa5: {  	s26 =	simm.s32 $execute0_lowered;
	[smem:$0x3FD2] =	sst s25  }
0xa6: {  	s5 =	sshll.u32 s26, $0x1;
	_ =	strace $0x80000049;
	[dreg:$0x1] =	wrdreg $0xFFFFFFFF  }
0xa7: {  	s28 =	simm.s32 $_size_execute0_lowered;
	s3 =	sadd.s32 s3, s5;
	[dreg:$0x0] =	wrdreg $0x0  }
0xa8: {  	s5 =	sshll.u32 s28, $0x1;
	[dreg:$0x2] =	wrdreg s3  }
0xa9: {  	[dreg:$0x3] =	wrdreg s5  }
0xaa: {  	[dreg:$0x4] =	wrdreg $0xC0  }
0xab: {  	_ =	task [dreg:s7], $0x5FFFF  }
0xac: {  	[dreg:$0x1] =	wrdreg $0xFFFFFFFF  }
0xad: {  	[dreg:$0x0] =	wrdreg $0x60  }
0xae: {  	[dreg:$0x2] =	wrdreg s24  }
0xaf: {  	[dreg:$0x3] =	wrdreg s2  }
0xb0: {  	[dreg:$0x4] =	wrdreg $0x9  }
0xb1: {  	_ =	task.clear_ibuf [dreg:s7], $0x5FFFF;
	_ =	strace $0x90000049  }
0xb2: {  	s29 =	simm.s32 $0x9;
	_ =	strace $0x8000004B  }
0xb3: {  	_ =	swait.ge [sflag:s29], $0x1  }
0xb4: {  	[sflag:s29] =	ssyncadd.s32 $0xFFFFFFFF  }
0xb5: {  	_ =	strace $0x9000004B  }
0xb6: {  	_ =	sfence  }
0xb7: {  	s30 =	sld [smem:$0x0];
	_ =	sdelay $0x2  }
0xb8: {  	s31 =	sshll.u32 s1, $0xD;
	s1 =	sshrl.u32 s1, $0x2  }
0xb9: {  	s3 =	sand.u32 $0x4000, s31;
	s1 =	sadd.s32 s1, s30  }
0xba: {  	s0 =	sor.u32 s3, s0;
	s1 =	sshll.u32 s1, $0x11  }
0xbb: {  	s0 =	sor.u32 s1, s0  }
0xbc: {  	s0 =	sadd.s32 $0x8F2B, s0  }
0xbd: {  	[sflag:s0] =	ssyncadd.remote.s32 $0x1  }
0xbe: {  	_ =	sfence.sel $0xFFFF  }
0xbf: {  	[dreg:$0x0] =	wrdreg $0xFFFFFFFF;
	(pc) =	sbr.abs _section_cstart, $3  }
0xc0: {  	[dreg:$0x1] =	wrdreg $0xFFFFFFFF  }
0xc1: {  	_ =	task.clear_ibuf [dreg:s7], $0x2FFFF;
	_ =	strace $0x9FFFFFFF  }
0xc2: {  	(tm) =	ssettm $0x7FFFFFFF  }
0xc3: {  	_ =	shalt  }
tec
execute0_lowered:
.L_overlay_start_1:
0x0: {  	(tag) =	ssettag $0x1  }
0x1: {  	s0 =	srdreg.scid;
	s1 =	rddreg [dreg:$0x0]  }
0x2: {  	s2 =	stileid.u32;
	s9 =	rddreg [dreg:$0x1]  }
0x3: {  	s18 =	simm.s32 $0x80;
	s12 =	simm.s32 $0x2;
	s23 =	simm.s32 $0x11080  }
0x4: {  	s24 =	simm.s32 $0x11880;
	s25 =	simm.s32 $0x12080;
	s28 =	simm.s32 $0x13080  }
0x5: {  	s29 =	simm.s32 $0x13880;
	s30 =	simm.s32 $0x14080;
	s31 =	simm.s32 $0x14880  }
0x6: {  	s11 =	simm.s32 $0x16080;
	s13 =	simm.s32 $0x16880;
	s14 =	simm.s32 $0x17080  }
0x7: {  	s15 =	simm.s32 $0x17880;
	s16 =	simm.s32 $0x1;
	s17 =	simm.s32 $0x0  }
0x8: {  	s0 =	sand.u32 $0x1, s0;
	s3 =	sshll.u32 s2, $0x4;
	s2 =	simm.s32 $0x0  }
0x9: {  	s6 =	sadd.s32 $0x3D00, s1;
	s7 =	sadd.s32 $0x3E00, s1;
	s4 =	sshll.u32 s0, $0x3  }
0xa: {  	[smem:$0x7FF] =	sst s2;
	s0 =	ssub.s32 $0x2, s0;
	s4 =	sor.u32 s4, s3  }
0xb: {  	_ =	strace $0x8000004A;
	s26 =	sshrl.u32 s0, $0x1;
	s10 =	smul.u32 $0x300, s4  }
0xc: {  	s3 =	sadd.s32 $0x3C00, s1;
	s8 =	sadd.s32 s4, s1;
	s0 =	ssub.s32 s0, s26  }
0xd: {  	v2 =	vlaneseq.u32;
	s26 =	simm.s32 $0x12880;
	s5 =	sadd.s32 s10, s1;
	s9 =	sadd.s32 s9, s10  }
0xe: {  	vm0 =	vmmov $0xffff;
	v1 =	vshrl.u32 v2, $0x3;
	s10 =	smax.u32 s0, $0x1;
	s1 =	simm.s32 $0x15080;
	s0 =	simm.s32 $0x15880  }
0xf: {  	v0 =	vand.u32 $0x7, v2;
	v2 =	vor.u32 $0x8, v2;
	v1 =	vmul.u32 $0x8, v1;
	s4 =	sadd.s32 $0x93C00, s5;
	s5 =	sadd.s32 $0x3800, s8;
	s8 =	sadd.s32 $0x3A00, s8  }
.LBB2_1:
0x10: {  	[tilespmem:s18], [sflag:$0x2] =	stream.linear.gather [hbm4b:s4+s2], $0xC000, $0x38;
	[tilespmem:$0x18080] =	vst v63  }
0x11: {  	_ =	swait.ge [sflag:s12], $0xC000  }
0x12: {  	[sflag:s12] =	ssyncset.done $0x0  }
0x13: {  	[sflag:s12] =	ssyncadd.s32 $0xFFFF4000  }
0x14: {  	[tilespmem:s2], [sflag:$0x2] =	stream.linear.gather [hbm4b:s5+s2], $0x40, $0x38;
	[tilespmem:$0x18080] =	vst v63  }
0x15: {  	_ =	swait.ge [sflag:s12], $0x40  }
0x16: {  	[sflag:s12] =	ssyncset.done $0x0  }
0x17: {  	[sflag:s12] =	ssyncadd.s32 $0xFFFFFFC0  }
0x18: {  	v3 =	vld [tilespmem:$0x0];
	_ =	sdelay $0x4  }
0x19: {  	v4 =	vshrl.u32 v3, $0x3  }
0x1a: {  	v4 =	vmul.u32 $0x30, v4  }
0x1b: {  	v3 =	vand.u32 $0x7, v3  }
0x1c: {  	v3 =	vor.u32 v3, v4  }
0x1d: {  	v4 =	vperm.xlane v3, v0;
	_ =	sdelay $0x1  }
0x1e: {  	v4 =	vadd.s32 v1, v4;
	_ =	sdelay $0x3  }
0x1f: {  	s20 =	simm.s32 $0xC080;
	v3 =	vperm.xlane v3, v2  }
0x20: {  	[tilespmem:s20], [sflag:$0x1] =	stream.indirect_vreg.gather [hbm4b:s3+s2], $0x80, v4, vm0, $0xb8;
	[tilespmem:$0x18080] =	vst v63  }
0x21: {  	s21 =	simm.s32 $0xC880;
	v3 =	vadd.s32 v1, v3  }
0x22: {  	[tilespmem:s21], [sflag:$0x1] =	stream.indirect_vreg.gather [hbm4b:s6+s2], $0x80, v4, vm0, $0xb8;
	[tilespmem:$0x18080] =	vst v63  }
0x23: {  	s22 =	simm.s32 $0xD080  }
0x24: {  	[tilespmem:s22], [sflag:$0x1] =	stream.indirect_vreg.gather [hbm4b:s7+s2], $0x80, v4, vm0, $0xb8;
	[tilespmem:$0x18080] =	vst v63  }
0x25: {  	s19 =	simm.s32 $0xD880  }
0x26: {  	[tilespmem:s19], [sflag:$0x1] =	stream.indirect_vreg.gather [hbm4b:s3+s2], $0x80, v3, vm0, $0xb8;
	[tilespmem:$0x18080] =	vst v63  }
0x27: {  	s20 =	simm.s32 $0xE080  }
0x28: {  	[tilespmem:s20], [sflag:$0x1] =	stream.indirect_vreg.gather [hbm4b:s6+s2], $0x80, v3, vm0, $0xb8;
	[tilespmem:$0x18080] =	vst v63  }
0x29: {  	s21 =	simm.s32 $0xE880  }
0x2a: {  	[tilespmem:s21], [sflag:$0x1] =	stream.indirect_vreg.gather [hbm4b:s7+s2], $0x80, v3, vm0, $0xb8;
	[tilespmem:$0x18080] =	vst v63  }
0x2b: {  	v3 =	vld [tilespmem:$0x10];
	_ =	sdelay $0x4  }
0x2c: {  	v4 =	vshrl.u32 v3, $0x3  }
0x2d: {  	v4 =	vmul.u32 $0x30, v4  }
0x2e: {  	v3 =	vand.u32 $0x7, v3  }
0x2f: {  	v3 =	vor.u32 v3, v4  }
0x30: {  	v4 =	vperm.xlane v3, v0;
	_ =	sdelay $0x1  }
0x31: {  	v4 =	vadd.s32 v1, v4;
	_ =	sdelay $0x3  }
0x32: {  	s22 =	simm.s32 $0xF080;
	v3 =	vperm.xlane v3, v2  }
0x33: {  	[tilespmem:s22], [sflag:$0x1] =	stream.indirect_vreg.gather [hbm4b:s3+s2], $0x80, v4, vm0, $0xb8;
	[tilespmem:$0x18080] =	vst v63  }
0x34: {  	s19 =	simm.s32 $0xF880;
	v3 =	vadd.s32 v1, v3  }
0x35: {  	[tilespmem:s19], [sflag:$0x1] =	stream.indirect_vreg.gather [hbm4b:s6+s2], $0x80, v4, vm0, $0xb8;
	[tilespmem:$0x18080] =	vst v63  }
0x36: {  	s20 =	simm.s32 $0x10080  }
0x37: {  	[tilespmem:s20], [sflag:$0x1] =	stream.indirect_vreg.gather [hbm4b:s7+s2], $0x80, v4, vm0, $0xb8;
	[tilespmem:$0x18080] =	vst v63  }
0x38: {  	s21 =	simm.s32 $0x10880  }
0x39: {  	[tilespmem:s21], [sflag:$0x1] =	stream.indirect_vreg.gather [hbm4b:s3+s2], $0x80, v3, vm0, $0xb8;
	[tilespmem:$0x18080] =	vst v63  }
0x3a: {  	_ = 	snop  }
0x3b: {  	[tilespmem:s23], [sflag:$0x1] =	stream.indirect_vreg.gather [hbm4b:s6+s2], $0x80, v3, vm0, $0xb8;
	[tilespmem:$0x18080] =	vst v63  }
0x3c: {  	_ = 	snop  }
0x3d: {  	[tilespmem:s24], [sflag:$0x1] =	stream.indirect_vreg.gather [hbm4b:s7+s2], $0x80, v3, vm0, $0xb8;
	[tilespmem:$0x18080] =	vst v63  }
0x3e: {  	v3 =	vld [tilespmem:$0x20];
	_ =	sdelay $0x4  }
0x3f: {  	v4 =	vshrl.u32 v3, $0x3  }
0x40: {  	v4 =	vmul.u32 $0x30, v4  }
0x41: {  	v3 =	vand.u32 $0x7, v3  }
0x42: {  	v3 =	vor.u32 v3, v4  }
0x43: {  	v4 =	vperm.xlane v3, v0;
	_ =	sdelay $0x1  }
0x44: {  	v4 =	vadd.s32 v1, v4;
	_ =	sdelay $0x3  }
0x45: {  	v3 =	vperm.xlane v3, v2  }
0x46: {  	[tilespmem:s25], [sflag:$0x1] =	stream.indirect_vreg.gather [hbm4b:s3+s2], $0x80, v4, vm0, $0xb8;
	[tilespmem:$0x18080] =	vst v63  }
0x47: {  	v3 =	vadd.s32 v1, v3  }
0x48: {  	[tilespmem:s26], [sflag:$0x1] =	stream.indirect_vreg.gather [hbm4b:s6+s2], $0x80, v4, vm0, $0xb8;
	[tilespmem:$0x18080] =	vst v63  }
0x49: {  	_ = 	snop  }
0x4a: {  	[tilespmem:s28], [sflag:$0x1] =	stream.indirect_vreg.gather [hbm4b:s7+s2], $0x80, v4, vm0, $0xb8;
	[tilespmem:$0x18080] =	vst v63  }
0x4b: {  	_ = 	snop  }
0x4c: {  	[tilespmem:s29], [sflag:$0x1] =	stream.indirect_vreg.gather [hbm4b:s3+s2], $0x80, v3, vm0, $0xb8;
	[tilespmem:$0x18080] =	vst v63  }
0x4d: {  	_ = 	snop  }
0x4e: {  	[tilespmem:s30], [sflag:$0x1] =	stream.indirect_vreg.gather [hbm4b:s6+s2], $0x80, v3, vm0, $0xb8;
	[tilespmem:$0x18080] =	vst v63  }
0x4f: {  	_ = 	snop  }
0x50: {  	[tilespmem:s31], [sflag:$0x1] =	stream.indirect_vreg.gather [hbm4b:s7+s2], $0x80, v3, vm0, $0xb8;
	[tilespmem:$0x18080] =	vst v63  }
0x51: {  	v3 =	vld [tilespmem:$0x30];
	_ =	sdelay $0x4  }
0x52: {  	v4 =	vshrl.u32 v3, $0x3  }
0x53: {  	v4 =	vmul.u32 $0x30, v4  }
0x54: {  	v3 =	vand.u32 $0x7, v3  }
0x55: {  	v3 =	vor.u32 v3, v4  }
0x56: {  	v4 =	vperm.xlane v3, v0;
	_ =	sdelay $0x1  }
0x57: {  	v4 =	vadd.s32 v1, v4;
	_ =	sdelay $0x3  }
0x58: {  	v3 =	vperm.xlane v3, v2  }
0x59: {  	[tilespmem:s1], [sflag:$0x1] =	stream.indirect_vreg.gather [hbm4b:s3+s2], $0x80, v4, vm0, $0xb8;
	[tilespmem:$0x18080] =	vst v63  }
0x5a: {  	v3 =	vadd.s32 v1, v3  }
0x5b: {  	[tilespmem:s0], [sflag:$0x1] =	stream.indirect_vreg.gather [hbm4b:s6+s2], $0x80, v4, vm0, $0xb8;
	[tilespmem:$0x18080] =	vst v63  }
0x5c: {  	_ = 	snop  }
0x5d: {  	[tilespmem:s11], [sflag:$0x1] =	stream.indirect_vreg.gather [hbm4b:s7+s2], $0x80, v4, vm0, $0xb8;
	[tilespmem:$0x18080] =	vst v63  }
0x5e: {  	_ = 	snop  }
0x5f: {  	[tilespmem:s13], [sflag:$0x1] =	stream.indirect_vreg.gather [hbm4b:s3+s2], $0x80, v3, vm0, $0xb8;
	[tilespmem:$0x18080] =	vst v63  }
0x60: {  	_ = 	snop  }
0x61: {  	[tilespmem:s14], [sflag:$0x1] =	stream.indirect_vreg.gather [hbm4b:s6+s2], $0x80, v3, vm0, $0xb8;
	[tilespmem:$0x18080] =	vst v63  }
0x62: {  	s22 =	simm.s32 $0x0  }
0x63: {  	[tilespmem:s15], [sflag:$0x1] =	stream.indirect_vreg.gather [hbm4b:s7+s2], $0x80, v3, vm0, $0xb8;
	[tilespmem:$0x18080] =	vst v63  }
0x64: {  	s18 =	smul.u32 $0x1800, s22;
	_ =	swait.ge [sflag:s16], $0xC000  }
0x65: {  	s19 =	sand.u32 $0x380, s2;
	[sflag:s16] =	ssyncset.done $0x0  }
0x66: {  	s18 =	sor.u32 s19, s18;
	[sflag:s16] =	ssyncadd.s32 $0xFFFF4000  }
0x67: {  	v12 =	vld [tilespmem:s18+$0xC080]  }
0x68: {  	v13 =	vld [tilespmem:s18+$0xC090]  }
0x69: {  	v14 =	vld [tilespmem:s18+$0xC0A0]  }
0x6a: {  	v15 =	vld [tilespmem:s18+$0xC0B0]  }
0x6b: {  	v16 =	vld [tilespmem:s18+$0xC0C0]  }
0x6c: {  	v17 =	vld [tilespmem:s18+$0xC0D0]  }
0x6d: {  	v18 =	vld [tilespmem:s18+$0xC0E0]  }
0x6e: {  	v19 =	vld [tilespmem:s18+$0xC0F0]  }
0x6f: {  	v20 =	vld [tilespmem:s18+$0xC480]  }
0x70: {  	v21 =	vld [tilespmem:s18+$0xC490]  }
0x71: {  	v22 =	vld [tilespmem:s18+$0xC4A0]  }
0x72: {  	v23 =	vld [tilespmem:s18+$0xC4B0]  }
0x73: {  	v24 =	vld [tilespmem:s18+$0xC4C0]  }
0x74: {  	v25 =	vld [tilespmem:s18+$0xC4D0]  }
0x75: {  	v26 =	vld [tilespmem:s18+$0xC4E0]  }
0x76: {  	v27 =	vld [tilespmem:s18+$0xC4F0]  }
0x77: {  	v28 =	vld [tilespmem:s18+$0xC880]  }
0x78: {  	v29 =	vld [tilespmem:s18+$0xC890]  }
0x79: {  	v30 =	vld [tilespmem:s18+$0xC8A0]  }
0x7a: {  	v31 =	vld [tilespmem:s18+$0xC8B0]  }
0x7b: {  	v32 =	vld [tilespmem:s18+$0xC8C0]  }
0x7c: {  	v33 =	vld [tilespmem:s18+$0xC8D0]  }
0x7d: {  	v34 =	vld [tilespmem:s18+$0xC8E0]  }
0x7e: {  	v35 =	vld [tilespmem:s18+$0xC8F0]  }
0x7f: {  	v36 =	vld [tilespmem:s18+$0xCC80]  }
0x80: {  	v37 =	vld [tilespmem:s18+$0xCC90]  }
0x81: {  	v38 =	vld [tilespmem:s18+$0xCCA0]  }
0x82: {  	v39 =	vld [tilespmem:s18+$0xCCB0]  }
0x83: {  	v40 =	vld [tilespmem:s18+$0xCCC0]  }
0x84: {  	v41 =	vld [tilespmem:s18+$0xCCD0]  }
0x85: {  	v42 =	vld [tilespmem:s18+$0xCCE0]  }
0x86: {  	v43 =	vld [tilespmem:s18+$0xCCF0]  }
0x87: {  	v44 =	vld [tilespmem:s18+$0xD080]  }
0x88: {  	v45 =	vld [tilespmem:s18+$0xD090]  }
0x89: {  	v46 =	vld [tilespmem:s18+$0xD0A0]  }
0x8a: {  	v47 =	vld [tilespmem:s18+$0xD0B0]  }
0x8b: {  	v48 =	vld [tilespmem:s18+$0xD0C0]  }
0x8c: {  	v49 =	vld [tilespmem:s18+$0xD0D0]  }
0x8d: {  	v50 =	vld [tilespmem:s18+$0xD0E0]  }
0x8e: {  	v11 =	vld [tilespmem:s18+$0xD0F0]  }
0x8f: {  	v10 =	vld [tilespmem:s18+$0xD480]  }
0x90: {  	v9 =	vld [tilespmem:s18+$0xD490]  }
0x91: {  	v8 =	vld [tilespmem:s18+$0xD4A0]  }
0x92: {  	v7 =	vld [tilespmem:s18+$0xD4B0]  }
0x93: {  	v6 =	vld [tilespmem:s18+$0xD4C0]  }
0x94: {  	v51 =	vld [tilespmem:s18+$0x80]  }
0x95: {  	v52 =	vld [tilespmem:s18+$0x90]  }
0x96: {  	v53 =	vld [tilespmem:s18+$0xA0]  }
0x97: {  	v54 =	vld [tilespmem:s18+$0xB0]  }
0x98: {  	v55 =	vld [tilespmem:s18+$0xC0]  }
0x99: {  	v62 =	vld [tilespmem:s18+$0xD0];
	v12 =	vadd.f32 v12, v51  }
0x9a: {  	v63 =	vld [tilespmem:s18+$0xE0];
	v13 =	vadd.f32 v13, v52  }
0x9b: {  	[tilespmem:s18+$0x80] =	vst v12;
	v12 =	vadd.f32 v14, v53;
	v14 =	vld [tilespmem:s18+$0xF0]  }
0x9c: {  	[tilespmem:s18+$0x90] =	vst v13;
	v13 =	vadd.f32 v15, v54;
	v15 =	vld [tilespmem:s18+$0x480]  }
0x9d: {  	[tilespmem:s18+$0xA0] =	vst v12;
	v12 =	vadd.f32 v16, v55;
	v16 =	vld [tilespmem:s18+$0x490]  }
0x9e: {  	[tilespmem:s18+$0xB0] =	vst v13;
	v13 =	vadd.f32 v17, v62;
	v17 =	vld [tilespmem:s18+$0x4A0]  }
0x9f: {  	v5 =	vld [tilespmem:s18+$0xD4D0]  }
0xa0: {  	[tilespmem:s18+$0xC0] =	vst v12;
	v12 =	vadd.f32 v18, v63;
	v18 =	vld [tilespmem:s18+$0x4F0]  }
0xa1: {  	[tilespmem:s18+$0xD0] =	vst v13;
	v13 =	vadd.f32 v19, v14;
	v14 =	vld [tilespmem:s18+$0x4B0]  }
0xa2: {  	[tilespmem:s18+$0xE0] =	vst v12;
	v12 =	vadd.f32 v20, v15;
	v15 =	vld [tilespmem:s18+$0x4C0]  }
0xa3: {  	[tilespmem:s18+$0xF0] =	vst v13;
	v13 =	vadd.f32 v21, v16;
	v16 =	vadd.f32 v22, v17;
	v17 =	vld [tilespmem:s18+$0x4E0]  }
0xa4: {  	[tilespmem:s18+$0x480] =	vst v12;
	v12 =	vld [tilespmem:s18+$0x4D0]  }
0xa5: {  	[tilespmem:s18+$0x490] =	vst v13;
	v13 =	vld [tilespmem:s18+$0x880];
	v18 =	vadd.f32 v27, v18  }
0xa6: {  	[tilespmem:s18+$0x4A0] =	vst v16;
	v16 =	vld [tilespmem:s18+$0x890];
	v14 =	vadd.f32 v23, v14  }
0xa7: {  	v4 =	vld [tilespmem:s18+$0xD4E0];
	v15 =	vadd.f32 v24, v15;
	[tilespmem:s18+$0x4F0] =	vst v18  }
0xa8: {  	[tilespmem:s18+$0x4B0] =	vst v14;
	v14 =	vld [tilespmem:s18+$0x8A0];
	v17 =	vadd.f32 v26, v17  }
0xa9: {  	v12 =	vadd.f32 v25, v12;
	[tilespmem:s18+$0x4C0] =	vst v15;
	v15 =	vld [tilespmem:s18+$0x8B0]  }
0xaa: {  	v18 =	vld [tilespmem:s18+$0x8F0];
	[tilespmem:s18+$0x4E0] =	vst v17;
	v13 =	vadd.f32 v28, v13  }
0xab: {  	v16 =	vadd.f32 v29, v16;
	[tilespmem:s18+$0x4D0] =	vst v12;
	v12 =	vld [tilespmem:s18+$0x8C0]  }
0xac: {  	v17 =	vld [tilespmem:s18+$0x8D0];
	[tilespmem:s18+$0x880] =	vst v13  }
0xad: {  	[tilespmem:s18+$0x890] =	vst v16;
	v16 =	vld [tilespmem:s18+$0x8E0];
	v13 =	vadd.f32 v30, v14  }
0xae: {  	v14 =	vld [tilespmem:s18+$0xC80];
	v15 =	vadd.f32 v31, v15  }
0xaf: {  	[tilespmem:s18+$0x8A0] =	vst v13;
	v13 =	vld [tilespmem:s18+$0xC90]  }
0xb0: {  	v12 =	vadd.f32 v32, v12;
	[tilespmem:s18+$0x8B0] =	vst v15;
	v15 =	vld [tilespmem:s18+$0xCA0]  }
0xb1: {  	v3 =	vld [tilespmem:s18+$0xD4F0];
	v17 =	vadd.f32 v33, v17  }
0xb2: {  	v16 =	vadd.f32 v34, v16;
	[tilespmem:s18+$0x8C0] =	vst v12;
	v12 =	vld [tilespmem:s18+$0xCB0]  }
0xb3: {  	[tilespmem:s18+$0x8D0] =	vst v17;
	v17 =	vld [tilespmem:s18+$0xCC0];
	v14 =	vadd.f32 v36, v14  }
0xb4: {  	v18 =	vadd.f32 v35, v18;
	[tilespmem:s18+$0x8E0] =	vst v16;
	v16 =	vld [tilespmem:s18+$0xCD0]  }
0xb5: {  	v13 =	vadd.f32 v37, v13;
	[tilespmem:s18+$0xC80] =	vst v14;
	v14 =	vadd.f32 v38, v15;
	v15 =	vld [tilespmem:s18+$0xCE0]  }
0xb6: {  	[tilespmem:s18+$0x8F0] =	vst v18;
	v18 =	vld [tilespmem:s18+$0xCF0]  }
0xb7: {  	[tilespmem:s18+$0xC90] =	vst v13;
	v13 =	vld [tilespmem:s18+$0x1080];
	v12 =	vadd.f32 v39, v12  }
0xb8: {  	v17 =	vadd.f32 v40, v17;
	[tilespmem:s18+$0xCA0] =	vst v14;
	v14 =	vld [tilespmem:s18+$0x1090]  }
0xb9: {  	v16 =	vadd.f32 v41, v16;
	[tilespmem:s18+$0xCB0] =	vst v12;
	v12 =	vld [tilespmem:s18+$0x10A0]  }
0xba: {  	[tilespmem:s18+$0xCC0] =	vst v17;
	v17 =	vld [tilespmem:s18+$0x10B0];
	v15 =	vadd.f32 v42, v15  }
0xbb: {  	v19 =	vld [tilespmem:s18+$0x10C0];
	[tilespmem:s18+$0xCD0] =	vst v16;
	v16 =	vadd.f32 v43, v18  }
0xbc: {  	v18 =	vld [tilespmem:s18+$0x10D0];
	v13 =	vadd.f32 v44, v13;
	[tilespmem:s18+$0xCE0] =	vst v15  }
0xbd: {  	v20 =	vld [tilespmem:s18+$0x10E0];
	[tilespmem:s18+$0xCF0] =	vst v16;
	v14 =	vadd.f32 v45, v14  }
0xbe: {  	v16 =	vld [tilespmem:s18+$0x10F0];
	[tilespmem:s18+$0x1080] =	vst v13;
	v12 =	vadd.f32 v46, v12  }
0xbf: {  	v15 =	vld [tilespmem:s18+$0x1480];
	v13 =	vadd.f32 v47, v17;
	[tilespmem:s18+$0x1090] =	vst v14  }
0xc0: {  	v14 =	vld [tilespmem:s18+$0x1490];
	[tilespmem:s18+$0x10A0] =	vst v12;
	v12 =	vadd.f32 v48, v19  }
0xc1: {  	[tilespmem:s18+$0x10B0] =	vst v13;
	v13 =	vld [tilespmem:s18+$0x14A0];
	v18 =	vadd.f32 v49, v18  }
0xc2: {  	s19 =	simm.s32 $0x1;
	s20 =	simm.s32 $0x0;
	v17 =	vadd.f32 v50, v20;
	[tilespmem:s18+$0x10C0] =	vst v12;
	v12 =	vld [tilespmem:s18+$0x14B0]  }
.LBB2_2:
0xc3: {  	s21 =	sshrl.u32 s19, $0x3;
	p0 =	sne.s32 s19, $0x3F;
	[tilespmem:s18+$0x10D0] =	vst v18;
	v11 =	vadd.f32 v11, v16;
	v16 =	vld [tilespmem:s18+$0x14C0]  }
0xc4: {  	s20 =	sadd.s32 $0x80, s20;
	s21 =	smul.u32 $0x1800, s21;
	[tilespmem:s18+$0x10E0] =	vst v17;
	v10 =	vadd.f32 v10, v15;
	v15 =	vld [tilespmem:s18+$0x14D0]  }
0xc5: {  	s22 =	sand.u32 $0x380, s20;
	[tilespmem:s18+$0x10F0] =	vst v11;
	v9 =	vadd.f32 v9, v14;
	v11 =	vld [tilespmem:s18+$0x14E0]  }
0xc6: {  	s21 =	sor.u32 s22, s21;
	[tilespmem:s18+$0x1480] =	vst v10;
	v8 =	vadd.f32 v8, v13;
	v10 =	vld [tilespmem:s18+$0x14F0]  }
0xc7: {  	v39 =	vld [tilespmem:s21+$0xC080];
	[tilespmem:s18+$0x1490] =	vst v9;
	v7 =	vadd.f32 v7, v12  }
0xc8: {  	v40 =	vld [tilespmem:s21+$0xC090];
	[tilespmem:s18+$0x14A0] =	vst v8;
	v6 =	vadd.f32 v6, v16  }
0xc9: {  	v41 =	vld [tilespmem:s21+$0xC0A0];
	[tilespmem:s18+$0x14B0] =	vst v7;
	v5 =	vadd.f32 v5, v15  }
0xca: {  	v42 =	vld [tilespmem:s21+$0xC0B0];
	[tilespmem:s18+$0x14C0] =	vst v6;
	v4 =	vadd.f32 v4, v11  }
0xcb: {  	v43 =	vld [tilespmem:s21+$0xC0C0];
	[tilespmem:s18+$0x14D0] =	vst v5;
	v3 =	vadd.f32 v3, v10  }
0xcc: {  	v44 =	vld [tilespmem:s21+$0xC0D0];
	[tilespmem:s18+$0x14E0] =	vst v4  }
0xcd: {  	v45 =	vld [tilespmem:s21+$0xC0E0];
	[tilespmem:s18+$0x14F0] =	vst v3;
	s18 =	smov.u32 s21  }
0xce: {  	v46 =	vld [tilespmem:s18+$0xC0F0]  }
0xcf: {  	v47 =	vld [tilespmem:s18+$0xC480]  }
0xd0: {  	v48 =	vld [tilespmem:s18+$0xC490]  }
0xd1: {  	v49 =	vld [tilespmem:s18+$0xC4A0]  }
0xd2: {  	v50 =	vld [tilespmem:s18+$0xC4B0]  }
0xd3: {  	v38 =	vld [tilespmem:s18+$0xC4C0]  }
0xd4: {  	v37 =	vld [tilespmem:s18+$0xC4D0]  }
0xd5: {  	v36 =	vld [tilespmem:s18+$0xC4E0]  }
0xd6: {  	v35 =	vld [tilespmem:s18+$0xC4F0]  }
0xd7: {  	v34 =	vld [tilespmem:s18+$0xC880]  }
0xd8: {  	v33 =	vld [tilespmem:s18+$0xC890]  }
0xd9: {  	v32 =	vld [tilespmem:s18+$0xC8A0]  }
0xda: {  	v31 =	vld [tilespmem:s18+$0xC8B0]  }
0xdb: {  	v30 =	vld [tilespmem:s18+$0xC8C0]  }
0xdc: {  	v29 =	vld [tilespmem:s18+$0xC8D0]  }
0xdd: {  	v28 =	vld [tilespmem:s18+$0xC8E0]  }
0xde: {  	v27 =	vld [tilespmem:s18+$0xC8F0]  }
0xdf: {  	v26 =	vld [tilespmem:s18+$0xCC80]  }
0xe0: {  	v25 =	vld [tilespmem:s18+$0xCC90]  }
0xe1: {  	v24 =	vld [tilespmem:s18+$0xCCA0]  }
0xe2: {  	v23 =	vld [tilespmem:s18+$0xCCB0]  }
0xe3: {  	v22 =	vld [tilespmem:s18+$0xCCC0]  }
0xe4: {  	v21 =	vld [tilespmem:s18+$0xCCD0]  }
0xe5: {  	v20 =	vld [tilespmem:s18+$0xCCE0]  }
0xe6: {  	v19 =	vld [tilespmem:s18+$0xCCF0]  }
0xe7: {  	v18 =	vld [tilespmem:s18+$0xD080]  }
0xe8: {  	v17 =	vld [tilespmem:s18+$0xD090]  }
0xe9: {  	v16 =	vld [tilespmem:s18+$0xD0A0]  }
0xea: {  	v15 =	vld [tilespmem:s18+$0xD0B0]  }
0xeb: {  	v14 =	vld [tilespmem:s18+$0xD0C0]  }
0xec: {  	v13 =	vld [tilespmem:s18+$0xD0D0]  }
0xed: {  	v12 =	vld [tilespmem:s18+$0xD0E0]  }
0xee: {  	v11 =	vld [tilespmem:s18+$0xD0F0]  }
0xef: {  	v10 =	vld [tilespmem:s18+$0xD480]  }
0xf0: {  	v9 =	vld [tilespmem:s18+$0xD490]  }
0xf1: {  	v8 =	vld [tilespmem:s18+$0xD4A0]  }
0xf2: {  	v7 =	vld [tilespmem:s18+$0xD4B0]  }
0xf3: {  	v6 =	vld [tilespmem:s18+$0xD4C0]  }
0xf4: {  	v5 =	vld [tilespmem:s18+$0xD4D0]  }
0xf5: {  	v4 =	vld [tilespmem:s18+$0xD4E0]  }
0xf6: {  	v3 =	vld [tilespmem:s18+$0xD4F0]  }
0xf7: {  	v51 =	vld [tilespmem:s18+$0x80]  }
0xf8: {  	v52 =	vld [tilespmem:s18+$0x90]  }
0xf9: {  	v53 =	vld [tilespmem:s18+$0xA0]  }
0xfa: {  	v54 =	vld [tilespmem:s18+$0xB0]  }
0xfb: {  	v55 =	vld [tilespmem:s18+$0xC0]  }
0xfc: {  	v39 =	vadd.f32 v39, v51;
	v51 =	vld [tilespmem:s18+$0xD0]  }
0xfd: {  	v40 =	vadd.f32 v40, v52;
	v52 =	vld [tilespmem:s18+$0xE0]  }
0xfe: {  	[tilespmem:s18+$0x80] =	vst v39;
	v39 =	vadd.f32 v41, v53;
	v41 =	vld [tilespmem:s18+$0xF0]  }
0xff: {  	[tilespmem:s18+$0x90] =	vst v40;
	v40 =	vadd.f32 v42, v54;
	v42 =	vld [tilespmem:s18+$0x480]  }
0x100: {  	[tilespmem:s18+$0xA0] =	vst v39;
	v39 =	vadd.f32 v43, v55;
	v43 =	vld [tilespmem:s18+$0x490]  }
0x101: {  	[tilespmem:s18+$0xB0] =	vst v40;
	v40 =	vadd.f32 v44, v51;
	v44 =	vld [tilespmem:s18+$0x4A0]  }
0x102: {  	[tilespmem:s18+$0xC0] =	vst v39;
	v39 =	vadd.f32 v45, v52;
	v45 =	vld [tilespmem:s18+$0x4B0]  }
0x103: {  	[tilespmem:s18+$0xD0] =	vst v40;
	v40 =	vadd.f32 v46, v41;
	v41 =	vld [tilespmem:s18+$0x4C0]  }
0x104: {  	[tilespmem:s18+$0xE0] =	vst v39;
	v39 =	vadd.f32 v47, v42;
	v42 =	vld [tilespmem:s18+$0x4D0]  }
0x105: {  	[tilespmem:s18+$0xF0] =	vst v40;
	v40 =	vadd.f32 v48, v43;
	v43 =	vld [tilespmem:s18+$0x4E0]  }
0x106: {  	[tilespmem:s18+$0x480] =	vst v39;
	v39 =	vadd.f32 v49, v44;
	v44 =	vld [tilespmem:s18+$0x4F0]  }
0x107: {  	[tilespmem:s18+$0x490] =	vst v40;
	v40 =	vadd.f32 v50, v45;
	v45 =	vld [tilespmem:s18+$0x880]  }
0x108: {  	[tilespmem:s18+$0x4A0] =	vst v39;
	v38 =	vadd.f32 v38, v41;
	v39 =	vld [tilespmem:s18+$0x890]  }
0x109: {  	[tilespmem:s18+$0x4B0] =	vst v40;
	v37 =	vadd.f32 v37, v42;
	v40 =	vld [tilespmem:s18+$0x8A0]  }
0x10a: {  	[tilespmem:s18+$0x4C0] =	vst v38;
	v36 =	vadd.f32 v36, v43;
	v38 =	vld [tilespmem:s18+$0x8B0]  }
0x10b: {  	[tilespmem:s18+$0x4D0] =	vst v37;
	v35 =	vadd.f32 v35, v44;
	v37 =	vld [tilespmem:s18+$0x8C0]  }
0x10c: {  	[tilespmem:s18+$0x4E0] =	vst v36;
	v34 =	vadd.f32 v34, v45;
	v36 =	vld [tilespmem:s18+$0x8D0]  }
0x10d: {  	[tilespmem:s18+$0x4F0] =	vst v35;
	v33 =	vadd.f32 v33, v39;
	v35 =	vld [tilespmem:s18+$0x8E0]  }
0x10e: {  	[tilespmem:s18+$0x880] =	vst v34;
	v32 =	vadd.f32 v32, v40;
	v34 =	vld [tilespmem:s18+$0x8F0]  }
0x10f: {  	[tilespmem:s18+$0x890] =	vst v33;
	v31 =	vadd.f32 v31, v38;
	v33 =	vld [tilespmem:s18+$0xC80]  }
0x110: {  	[tilespmem:s18+$0x8A0] =	vst v32;
	v30 =	vadd.f32 v30, v37;
	v32 =	vld [tilespmem:s18+$0xC90]  }
0x111: {  	[tilespmem:s18+$0x8B0] =	vst v31;
	v29 =	vadd.f32 v29, v36;
	v31 =	vld [tilespmem:s18+$0xCA0]  }
0x112: {  	[tilespmem:s18+$0x8C0] =	vst v30;
	v28 =	vadd.f32 v28, v35;
	v30 =	vld [tilespmem:s18+$0xCB0]  }
0x113: {  	[tilespmem:s18+$0x8D0] =	vst v29;
	v27 =	vadd.f32 v27, v34;
	v29 =	vld [tilespmem:s18+$0xCC0]  }
0x114: {  	[tilespmem:s18+$0x8E0] =	vst v28;
	v26 =	vadd.f32 v26, v33;
	v28 =	vld [tilespmem:s18+$0xCD0]  }
0x115: {  	[tilespmem:s18+$0x8F0] =	vst v27;
	v25 =	vadd.f32 v25, v32;
	v27 =	vld [tilespmem:s18+$0xCE0]  }
0x116: {  	[tilespmem:s18+$0xC80] =	vst v26;
	v24 =	vadd.f32 v24, v31;
	v26 =	vld [tilespmem:s18+$0xCF0]  }
0x117: {  	[tilespmem:s18+$0xC90] =	vst v25;
	v23 =	vadd.f32 v23, v30;
	v25 =	vld [tilespmem:s18+$0x1080]  }
0x118: {  	[tilespmem:s18+$0xCA0] =	vst v24;
	v22 =	vadd.f32 v22, v29;
	v24 =	vld [tilespmem:s18+$0x1090]  }
0x119: {  	[tilespmem:s18+$0xCB0] =	vst v23;
	v21 =	vadd.f32 v21, v28;
	v23 =	vld [tilespmem:s18+$0x10A0]  }
0x11a: {  	[tilespmem:s18+$0xCC0] =	vst v22;
	v20 =	vadd.f32 v20, v27;
	v22 =	vld [tilespmem:s18+$0x10B0]  }
0x11b: {  	[tilespmem:s18+$0xCD0] =	vst v21;
	v19 =	vadd.f32 v19, v26;
	v21 =	vld [tilespmem:s18+$0x10C0]  }
0x11c: {  	[tilespmem:s18+$0xCE0] =	vst v20;
	v18 =	vadd.f32 v18, v25;
	v20 =	vld [tilespmem:s18+$0x10D0]  }
0x11d: {  	[tilespmem:s18+$0xCF0] =	vst v19;
	v17 =	vadd.f32 v17, v24;
	v19 =	vld [tilespmem:s18+$0x10E0]  }
.Ltmp0:
0x11e: {  	[tilespmem:s18+$0x1080] =	vst v18;
	v18 =	vadd.f32 v16, v23;
	v16 =	vld [tilespmem:s18+$0x10F0];
	(pc) =	sbr.rel @p0 .LBB2_2-.Ltmp0, $4  }
0x11f: {  	[tilespmem:s18+$0x1090] =	vst v17;
	v17 =	vadd.f32 v15, v22;
	v15 =	vld [tilespmem:s18+$0x1480]  }
0x120: {  	[tilespmem:s18+$0x10A0] =	vst v18;
	v21 =	vadd.f32 v14, v21;
	v14 =	vld [tilespmem:s18+$0x1490]  }
0x121: {  	[tilespmem:s18+$0x10B0] =	vst v17;
	v18 =	vadd.f32 v13, v20;
	v13 =	vld [tilespmem:s18+$0x14A0]  }
0x122: {  	s19 =	sadd.s32 $0x1, s19;
	[tilespmem:s18+$0x10C0] =	vst v21;
	v17 =	vadd.f32 v12, v19;
	v12 =	vld [tilespmem:s18+$0x14B0]  }
0x123: {  	[tilespmem:s18+$0x10D0] =	vst v18;
	v18 =	vld [tilespmem:s18+$0x14C0];
	v11 =	vadd.f32 v11, v16  }
0x124: {  	v16 =	vld [tilespmem:s18+$0x14D0];
	[tilespmem:s18+$0x10E0] =	vst v17;
	v10 =	vadd.f32 v10, v15  }
0x125: {  	[tilespmem:s18+$0x10F0] =	vst v11;
	v9 =	vadd.f32 v9, v14;
	v11 =	vld [tilespmem:s18+$0x14E0]  }
0x126: {  	[tilespmem:s18+$0x1480] =	vst v10;
	v8 =	vadd.f32 v8, v13;
	v10 =	vld [tilespmem:s18+$0x14F0]  }
0x127: {  	[tilespmem:s18+$0x1490] =	vst v9;
	v7 =	vadd.f32 v7, v12  }
0x128: {  	[tilespmem:s18+$0x14A0] =	vst v8;
	v6 =	vadd.f32 v6, v18  }
0x129: {  	v5 =	vadd.f32 v5, v16;
	[tilespmem:s18+$0x14B0] =	vst v7  }
0x12a: {  	[tilespmem:s18+$0x14C0] =	vst v6;
	v4 =	vadd.f32 v4, v11  }
0x12b: {  	[tilespmem:s18+$0x14D0] =	vst v5;
	v3 =	vadd.f32 v3, v10  }
0x12c: {  	[tilespmem:s18+$0x14E0] =	vst v4  }
0x12d: {  	[tilespmem:s18+$0x14F0] =	vst v3;
	s18 =	simm.s32 $0x0  }
0x12e: {  	[tilespmem:s18], [sflag:$0x2] =	stream.linear.gather [hbm4b:s8+s18], $0x40, $0x38;
	[tilespmem:$0x18080] =	vst v63  }
0x12f: {  	_ =	swait.ge [sflag:s12], $0x40  }
0x130: {  	[sflag:s12] =	ssyncset.done $0x0  }
0x131: {  	[sflag:s12] =	ssyncadd.s32 $0xFFFFFFC0  }
0x132: {  	v3 =	vld [tilespmem:$0x0];
	_ =	sdelay $0x4  }
0x133: {  	v4 =	vshrl.u32 v3, $0x3  }
0x134: {  	v4 =	vmul.u32 $0x30, v4  }
0x135: {  	v3 =	vand.u32 $0x7, v3  }
0x136: {  	v3 =	vor.u32 v3, v4  }
0x137: {  	v4 =	vperm.xlane v3, v0;
	_ =	sdelay $0x1  }
0x138: {  	v4 =	vadd.s32 v1, v4;
	_ =	sdelay $0x3  }
0x139: {  	s19 =	simm.s32 $0xC080;
	v3 =	vperm.xlane v3, v2  }
0x13a: {  	[tilespmem:s19], [sflag:$0x1] =	stream.indirect_vreg.gather [hbm4b:s3+s18], $0x80, v4, vm0, $0xb8;
	[tilespmem:$0x18080] =	vst v63  }
0x13b: {  	s22 =	simm.s32 $0xC880;
	v3 =	vadd.s32 v1, v3  }
0x13c: {  	[tilespmem:s22], [sflag:$0x1] =	stream.indirect_vreg.gather [hbm4b:s6+s18], $0x80, v4, vm0, $0xb8;
	[tilespmem:$0x18080] =	vst v63  }
0x13d: {  	s20 =	simm.s32 $0xD080  }
0x13e: {  	[tilespmem:s20], [sflag:$0x1] =	stream.indirect_vreg.gather [hbm4b:s7+s18], $0x80, v4, vm0, $0xb8;
	[tilespmem:$0x18080] =	vst v63  }
0x13f: {  	s21 =	simm.s32 $0xD880  }
0x140: {  	[tilespmem:s21], [sflag:$0x1] =	stream.indirect_vreg.gather [hbm4b:s3+s18], $0x80, v3, vm0, $0xb8;
	[tilespmem:$0x18080] =	vst v63  }
0x141: {  	s22 =	simm.s32 $0xE080  }
0x142: {  	[tilespmem:s22], [sflag:$0x1] =	stream.indirect_vreg.gather [hbm4b:s6+s18], $0x80, v3, vm0, $0xb8;
	[tilespmem:$0x18080] =	vst v63  }
0x143: {  	s20 =	simm.s32 $0xE880  }
0x144: {  	[tilespmem:s20], [sflag:$0x1] =	stream.indirect_vreg.gather [hbm4b:s7+s18], $0x80, v3, vm0, $0xb8;
	[tilespmem:$0x18080] =	vst v63  }
0x145: {  	v3 =	vld [tilespmem:$0x10];
	_ =	sdelay $0x4  }
0x146: {  	v4 =	vshrl.u32 v3, $0x3  }
0x147: {  	v4 =	vmul.u32 $0x30, v4  }
0x148: {  	v3 =	vand.u32 $0x7, v3  }
0x149: {  	v3 =	vor.u32 v3, v4  }
0x14a: {  	v4 =	vperm.xlane v3, v0;
	_ =	sdelay $0x1  }
0x14b: {  	v4 =	vadd.s32 v1, v4;
	_ =	sdelay $0x3  }
0x14c: {  	s21 =	simm.s32 $0xF080;
	v3 =	vperm.xlane v3, v2  }
0x14d: {  	[tilespmem:s21], [sflag:$0x1] =	stream.indirect_vreg.gather [hbm4b:s3+s18], $0x80, v4, vm0, $0xb8;
	[tilespmem:$0x18080] =	vst v63  }
0x14e: {  	s22 =	simm.s32 $0xF880;
	v3 =	vadd.s32 v1, v3  }
0x14f: {  	[tilespmem:s22], [sflag:$0x1] =	stream.indirect_vreg.gather [hbm4b:s6+s18], $0x80, v4, vm0, $0xb8;
	[tilespmem:$0x18080] =	vst v63  }
0x150: {  	s20 =	simm.s32 $0x10080  }
0x151: {  	[tilespmem:s20], [sflag:$0x1] =	stream.indirect_vreg.gather [hbm4b:s7+s18], $0x80, v4, vm0, $0xb8;
	[tilespmem:$0x18080] =	vst v63  }
0x152: {  	s21 =	simm.s32 $0x10880  }
0x153: {  	[tilespmem:s21], [sflag:$0x1] =	stream.indirect_vreg.gather [hbm4b:s3+s18], $0x80, v3, vm0, $0xb8;
	[tilespmem:$0x18080] =	vst v63  }
0x154: {  	_ = 	snop  }
0x155: {  	[tilespmem:s23], [sflag:$0x1] =	stream.indirect_vreg.gather [hbm4b:s6+s18], $0x80, v3, vm0, $0xb8;
	[tilespmem:$0x18080] =	vst v63  }
0x156: {  	_ = 	snop  }
0x157: {  	[tilespmem:s24], [sflag:$0x1] =	stream.indirect_vreg.gather [hbm4b:s7+s18], $0x80, v3, vm0, $0xb8;
	[tilespmem:$0x18080] =	vst v63  }
0x158: {  	v3 =	vld [tilespmem:$0x20];
	_ =	sdelay $0x4  }
0x159: {  	v4 =	vshrl.u32 v3, $0x3  }
0x15a: {  	v4 =	vmul.u32 $0x30, v4  }
0x15b: {  	v3 =	vand.u32 $0x7, v3  }
0x15c: {  	v3 =	vor.u32 v3, v4  }
0x15d: {  	v4 =	vperm.xlane v3, v0;
	_ =	sdelay $0x1  }
0x15e: {  	v4 =	vadd.s32 v1, v4;
	_ =	sdelay $0x3  }
0x15f: {  	v3 =	vperm.xlane v3, v2  }
0x160: {  	[tilespmem:s25], [sflag:$0x1] =	stream.indirect_vreg.gather [hbm4b:s3+s18], $0x80, v4, vm0, $0xb8;
	[tilespmem:$0x18080] =	vst v63  }
0x161: {  	v3 =	vadd.s32 v1, v3  }
0x162: {  	[tilespmem:s26], [sflag:$0x1] =	stream.indirect_vreg.gather [hbm4b:s6+s18], $0x80, v4, vm0, $0xb8;
	[tilespmem:$0x18080] =	vst v63  }
0x163: {  	_ = 	snop  }
0x164: {  	[tilespmem:s28], [sflag:$0x1] =	stream.indirect_vreg.gather [hbm4b:s7+s18], $0x80, v4, vm0, $0xb8;
	[tilespmem:$0x18080] =	vst v63  }
0x165: {  	_ = 	snop  }
0x166: {  	[tilespmem:s29], [sflag:$0x1] =	stream.indirect_vreg.gather [hbm4b:s3+s18], $0x80, v3, vm0, $0xb8;
	[tilespmem:$0x18080] =	vst v63  }
0x167: {  	_ = 	snop  }
0x168: {  	[tilespmem:s30], [sflag:$0x1] =	stream.indirect_vreg.gather [hbm4b:s6+s18], $0x80, v3, vm0, $0xb8;
	[tilespmem:$0x18080] =	vst v63  }
0x169: {  	_ = 	snop  }
0x16a: {  	[tilespmem:s31], [sflag:$0x1] =	stream.indirect_vreg.gather [hbm4b:s7+s18], $0x80, v3, vm0, $0xb8;
	[tilespmem:$0x18080] =	vst v63  }
0x16b: {  	v3 =	vld [tilespmem:$0x30];
	_ =	sdelay $0x4  }
0x16c: {  	v4 =	vshrl.u32 v3, $0x3  }
0x16d: {  	v4 =	vmul.u32 $0x30, v4  }
0x16e: {  	v3 =	vand.u32 $0x7, v3  }
0x16f: {  	v3 =	vor.u32 v3, v4  }
0x170: {  	v4 =	vperm.xlane v3, v0;
	_ =	sdelay $0x1  }
0x171: {  	v4 =	vadd.s32 v1, v4;
	_ =	sdelay $0x3  }
0x172: {  	v3 =	vperm.xlane v3, v2  }
0x173: {  	[tilespmem:s1], [sflag:$0x1] =	stream.indirect_vreg.gather [hbm4b:s3+s18], $0x80, v4, vm0, $0xb8;
	[tilespmem:$0x18080] =	vst v63  }
0x174: {  	v3 =	vadd.s32 v1, v3  }
0x175: {  	[tilespmem:s0], [sflag:$0x1] =	stream.indirect_vreg.gather [hbm4b:s6+s18], $0x80, v4, vm0, $0xb8;
	[tilespmem:$0x18080] =	vst v63  }
0x176: {  	_ = 	snop  }
0x177: {  	[tilespmem:s11], [sflag:$0x1] =	stream.indirect_vreg.gather [hbm4b:s7+s18], $0x80, v4, vm0, $0xb8;
	[tilespmem:$0x18080] =	vst v63  }
0x178: {  	_ = 	snop  }
0x179: {  	[tilespmem:s13], [sflag:$0x1] =	stream.indirect_vreg.gather [hbm4b:s3+s18], $0x80, v3, vm0, $0xb8;
	[tilespmem:$0x18080] =	vst v63  }
0x17a: {  	_ = 	snop  }
0x17b: {  	[tilespmem:s14], [sflag:$0x1] =	stream.indirect_vreg.gather [hbm4b:s6+s18], $0x80, v3, vm0, $0xb8;
	[tilespmem:$0x18080] =	vst v63  }
0x17c: {  	s22 =	simm.s32 $0x0  }
0x17d: {  	[tilespmem:s15], [sflag:$0x1] =	stream.indirect_vreg.gather [hbm4b:s7+s18], $0x80, v3, vm0, $0xb8;
	[tilespmem:$0x18080] =	vst v63  }
0x17e: {  	s19 =	smul.u32 $0x1800, s22;
	_ =	swait.ge [sflag:s16], $0xC000  }
0x17f: {  	s20 =	sand.u32 $0x380, s18;
	[sflag:s16] =	ssyncset.done $0x0  }
0x180: {  	s19 =	sor.u32 s20, s19;
	[sflag:s16] =	ssyncadd.s32 $0xFFFF4000  }
0x181: {  	v12 =	vld [tilespmem:s19+$0xC080]  }
0x182: {  	v13 =	vld [tilespmem:s19+$0xC090]  }
0x183: {  	v14 =	vld [tilespmem:s19+$0xC0A0]  }
0x184: {  	v15 =	vld [tilespmem:s19+$0xC0B0]  }
0x185: {  	v16 =	vld [tilespmem:s19+$0xC0C0]  }
0x186: {  	v17 =	vld [tilespmem:s19+$0xC0D0]  }
0x187: {  	v18 =	vld [tilespmem:s19+$0xC0E0]  }
0x188: {  	v19 =	vld [tilespmem:s19+$0xC0F0]  }
0x189: {  	v20 =	vld [tilespmem:s19+$0xC480]  }
0x18a: {  	v21 =	vld [tilespmem:s19+$0xC490]  }
0x18b: {  	v22 =	vld [tilespmem:s19+$0xC4A0]  }
0x18c: {  	v23 =	vld [tilespmem:s19+$0xC4B0]  }
0x18d: {  	v24 =	vld [tilespmem:s19+$0xC4C0]  }
0x18e: {  	v25 =	vld [tilespmem:s19+$0xC4D0]  }
0x18f: {  	v26 =	vld [tilespmem:s19+$0xC4E0]  }
0x190: {  	v27 =	vld [tilespmem:s19+$0xC4F0]  }
0x191: {  	v28 =	vld [tilespmem:s19+$0xC880]  }
0x192: {  	v29 =	vld [tilespmem:s19+$0xC890]  }
0x193: {  	v30 =	vld [tilespmem:s19+$0xC8A0]  }
0x194: {  	v31 =	vld [tilespmem:s19+$0xC8B0]  }
0x195: {  	v32 =	vld [tilespmem:s19+$0xC8C0]  }
0x196: {  	v33 =	vld [tilespmem:s19+$0xC8D0]  }
0x197: {  	v34 =	vld [tilespmem:s19+$0xC8E0]  }
0x198: {  	v35 =	vld [tilespmem:s19+$0xC8F0]  }
0x199: {  	v36 =	vld [tilespmem:s19+$0xCC80]  }
0x19a: {  	v37 =	vld [tilespmem:s19+$0xCC90]  }
0x19b: {  	v38 =	vld [tilespmem:s19+$0xCCA0]  }
0x19c: {  	v39 =	vld [tilespmem:s19+$0xCCB0]  }
0x19d: {  	v40 =	vld [tilespmem:s19+$0xCCC0]  }
0x19e: {  	v41 =	vld [tilespmem:s19+$0xCCD0]  }
0x19f: {  	v42 =	vld [tilespmem:s19+$0xCCE0]  }
0x1a0: {  	v43 =	vld [tilespmem:s19+$0xCCF0]  }
0x1a1: {  	v44 =	vld [tilespmem:s19+$0xD080]  }
0x1a2: {  	v45 =	vld [tilespmem:s19+$0xD090]  }
0x1a3: {  	v46 =	vld [tilespmem:s19+$0xD0A0]  }
0x1a4: {  	v47 =	vld [tilespmem:s19+$0xD0B0]  }
0x1a5: {  	v48 =	vld [tilespmem:s19+$0xD0C0]  }
0x1a6: {  	v49 =	vld [tilespmem:s19+$0xD0D0]  }
0x1a7: {  	v50 =	vld [tilespmem:s19+$0xD0E0]  }
0x1a8: {  	v11 =	vld [tilespmem:s19+$0xD0F0]  }
0x1a9: {  	v10 =	vld [tilespmem:s19+$0xD480]  }
0x1aa: {  	v9 =	vld [tilespmem:s19+$0xD490]  }
0x1ab: {  	v8 =	vld [tilespmem:s19+$0xD4A0]  }
0x1ac: {  	v7 =	vld [tilespmem:s19+$0xD4B0]  }
0x1ad: {  	v6 =	vld [tilespmem:s19+$0xD4C0]  }
0x1ae: {  	v51 =	vld [tilespmem:s19+$0x80]  }
0x1af: {  	v52 =	vld [tilespmem:s19+$0x90]  }
0x1b0: {  	v53 =	vld [tilespmem:s19+$0xA0]  }
0x1b1: {  	v54 =	vld [tilespmem:s19+$0xB0]  }
0x1b2: {  	v55 =	vld [tilespmem:s19+$0xC0]  }
0x1b3: {  	v62 =	vld [tilespmem:s19+$0xD0];
	v12 =	vadd.f32 v12, v51  }
0x1b4: {  	v63 =	vld [tilespmem:s19+$0xE0];
	v13 =	vadd.f32 v13, v52  }
0x1b5: {  	[tilespmem:s19+$0x80] =	vst v12;
	v12 =	vadd.f32 v14, v53;
	v14 =	vld [tilespmem:s19+$0xF0]  }
0x1b6: {  	[tilespmem:s19+$0x90] =	vst v13;
	v13 =	vadd.f32 v15, v54;
	v15 =	vld [tilespmem:s19+$0x480]  }
0x1b7: {  	[tilespmem:s19+$0xA0] =	vst v12;
	v12 =	vadd.f32 v16, v55;
	v16 =	vld [tilespmem:s19+$0x490]  }
0x1b8: {  	[tilespmem:s19+$0xB0] =	vst v13;
	v13 =	vadd.f32 v17, v62;
	v17 =	vld [tilespmem:s19+$0x4A0]  }
0x1b9: {  	v5 =	vld [tilespmem:s19+$0xD4D0]  }
0x1ba: {  	[tilespmem:s19+$0xC0] =	vst v12;
	v12 =	vadd.f32 v18, v63;
	v18 =	vld [tilespmem:s19+$0x4F0]  }
0x1bb: {  	[tilespmem:s19+$0xD0] =	vst v13;
	v13 =	vadd.f32 v19, v14;
	v14 =	vld [tilespmem:s19+$0x4B0]  }
0x1bc: {  	[tilespmem:s19+$0xE0] =	vst v12;
	v12 =	vadd.f32 v20, v15;
	v15 =	vld [tilespmem:s19+$0x4C0]  }
0x1bd: {  	[tilespmem:s19+$0xF0] =	vst v13;
	v13 =	vadd.f32 v21, v16;
	v16 =	vadd.f32 v22, v17;
	v17 =	vld [tilespmem:s19+$0x4E0]  }
0x1be: {  	[tilespmem:s19+$0x480] =	vst v12;
	v12 =	vld [tilespmem:s19+$0x4D0]  }
0x1bf: {  	[tilespmem:s19+$0x490] =	vst v13;
	v13 =	vld [tilespmem:s19+$0x880];
	v18 =	vadd.f32 v27, v18  }
0x1c0: {  	[tilespmem:s19+$0x4A0] =	vst v16;
	v16 =	vld [tilespmem:s19+$0x890];
	v14 =	vadd.f32 v23, v14  }
0x1c1: {  	v4 =	vld [tilespmem:s19+$0xD4E0];
	v15 =	vadd.f32 v24, v15;
	[tilespmem:s19+$0x4F0] =	vst v18  }
0x1c2: {  	[tilespmem:s19+$0x4B0] =	vst v14;
	v14 =	vld [tilespmem:s19+$0x8A0];
	v17 =	vadd.f32 v26, v17  }
0x1c3: {  	v12 =	vadd.f32 v25, v12;
	[tilespmem:s19+$0x4C0] =	vst v15;
	v15 =	vld [tilespmem:s19+$0x8B0]  }
0x1c4: {  	v18 =	vld [tilespmem:s19+$0x8F0];
	[tilespmem:s19+$0x4E0] =	vst v17;
	v13 =	vadd.f32 v28, v13  }
0x1c5: {  	v16 =	vadd.f32 v29, v16;
	[tilespmem:s19+$0x4D0] =	vst v12;
	v12 =	vld [tilespmem:s19+$0x8C0]  }
0x1c6: {  	v17 =	vld [tilespmem:s19+$0x8D0];
	[tilespmem:s19+$0x880] =	vst v13  }
0x1c7: {  	[tilespmem:s19+$0x890] =	vst v16;
	v16 =	vld [tilespmem:s19+$0x8E0];
	v13 =	vadd.f32 v30, v14  }
0x1c8: {  	v14 =	vld [tilespmem:s19+$0xC80];
	v15 =	vadd.f32 v31, v15  }
0x1c9: {  	[tilespmem:s19+$0x8A0] =	vst v13;
	v13 =	vld [tilespmem:s19+$0xC90]  }
0x1ca: {  	v12 =	vadd.f32 v32, v12;
	[tilespmem:s19+$0x8B0] =	vst v15;
	v15 =	vld [tilespmem:s19+$0xCA0]  }
0x1cb: {  	v3 =	vld [tilespmem:s19+$0xD4F0];
	v17 =	vadd.f32 v33, v17  }
0x1cc: {  	v16 =	vadd.f32 v34, v16;
	[tilespmem:s19+$0x8C0] =	vst v12;
	v12 =	vld [tilespmem:s19+$0xCB0]  }
0x1cd: {  	[tilespmem:s19+$0x8D0] =	vst v17;
	v17 =	vld [tilespmem:s19+$0xCC0];
	v14 =	vadd.f32 v36, v14  }
0x1ce: {  	v18 =	vadd.f32 v35, v18;
	[tilespmem:s19+$0x8E0] =	vst v16;
	v16 =	vld [tilespmem:s19+$0xCD0]  }
0x1cf: {  	v13 =	vadd.f32 v37, v13;
	[tilespmem:s19+$0xC80] =	vst v14;
	v14 =	vadd.f32 v38, v15;
	v15 =	vld [tilespmem:s19+$0xCE0]  }
0x1d0: {  	[tilespmem:s19+$0x8F0] =	vst v18;
	v18 =	vld [tilespmem:s19+$0xCF0]  }
0x1d1: {  	[tilespmem:s19+$0xC90] =	vst v13;
	v13 =	vld [tilespmem:s19+$0x1080];
	v12 =	vadd.f32 v39, v12  }
0x1d2: {  	v17 =	vadd.f32 v40, v17;
	[tilespmem:s19+$0xCA0] =	vst v14;
	v14 =	vld [tilespmem:s19+$0x1090]  }
0x1d3: {  	v16 =	vadd.f32 v41, v16;
	[tilespmem:s19+$0xCB0] =	vst v12;
	v12 =	vld [tilespmem:s19+$0x10A0]  }
0x1d4: {  	[tilespmem:s19+$0xCC0] =	vst v17;
	v17 =	vld [tilespmem:s19+$0x10B0];
	v15 =	vadd.f32 v42, v15  }
0x1d5: {  	v19 =	vld [tilespmem:s19+$0x10C0];
	[tilespmem:s19+$0xCD0] =	vst v16;
	v16 =	vadd.f32 v43, v18  }
0x1d6: {  	v18 =	vld [tilespmem:s19+$0x10D0];
	v13 =	vadd.f32 v44, v13;
	[tilespmem:s19+$0xCE0] =	vst v15  }
0x1d7: {  	v20 =	vld [tilespmem:s19+$0x10E0];
	[tilespmem:s19+$0xCF0] =	vst v16;
	v14 =	vadd.f32 v45, v14  }
0x1d8: {  	v16 =	vld [tilespmem:s19+$0x10F0];
	[tilespmem:s19+$0x1080] =	vst v13;
	v12 =	vadd.f32 v46, v12  }
0x1d9: {  	v15 =	vld [tilespmem:s19+$0x1480];
	v13 =	vadd.f32 v47, v17;
	[tilespmem:s19+$0x1090] =	vst v14  }
0x1da: {  	v14 =	vld [tilespmem:s19+$0x1490];
	[tilespmem:s19+$0x10A0] =	vst v12;
	v12 =	vadd.f32 v48, v19  }
0x1db: {  	[tilespmem:s19+$0x10B0] =	vst v13;
	v13 =	vld [tilespmem:s19+$0x14A0];
	v18 =	vadd.f32 v49, v18  }
0x1dc: {  	s20 =	simm.s32 $0x1;
	v17 =	vadd.f32 v50, v20;
	[tilespmem:s19+$0x10C0] =	vst v12;
	v12 =	vld [tilespmem:s19+$0x14B0]  }
.LBB2_4:
0x1dd: {  	s21 =	sshrl.u32 s20, $0x3;
	p0 =	sne.s32 s20, $0x3F;
	[tilespmem:s19+$0x10D0] =	vst v18;
	v11 =	vadd.f32 v11, v16;
	v16 =	vld [tilespmem:s19+$0x14C0]  }
0x1de: {  	s18 =	sadd.s32 $0x80, s18;
	s21 =	smul.u32 $0x1800, s21;
	[tilespmem:s19+$0x10E0] =	vst v17;
	v10 =	vadd.f32 v10, v15;
	v15 =	vld [tilespmem:s19+$0x14D0]  }
0x1df: {  	s22 =	sand.u32 $0x380, s18;
	[tilespmem:s19+$0x10F0] =	vst v11;
	v9 =	vadd.f32 v9, v14;
	v11 =	vld [tilespmem:s19+$0x14E0]  }
0x1e0: {  	s21 =	sor.u32 s22, s21;
	[tilespmem:s19+$0x1480] =	vst v10;
	v8 =	vadd.f32 v8, v13;
	v10 =	vld [tilespmem:s19+$0x14F0]  }
0x1e1: {  	v39 =	vld [tilespmem:s21+$0xC080];
	[tilespmem:s19+$0x1490] =	vst v9;
	v7 =	vadd.f32 v7, v12  }
0x1e2: {  	v40 =	vld [tilespmem:s21+$0xC090];
	[tilespmem:s19+$0x14A0] =	vst v8;
	v6 =	vadd.f32 v6, v16  }
0x1e3: {  	v41 =	vld [tilespmem:s21+$0xC0A0];
	[tilespmem:s19+$0x14B0] =	vst v7;
	v5 =	vadd.f32 v5, v15  }
0x1e4: {  	v42 =	vld [tilespmem:s21+$0xC0B0];
	[tilespmem:s19+$0x14C0] =	vst v6;
	v4 =	vadd.f32 v4, v11  }
0x1e5: {  	v43 =	vld [tilespmem:s21+$0xC0C0];
	[tilespmem:s19+$0x14D0] =	vst v5;
	v3 =	vadd.f32 v3, v10  }
0x1e6: {  	v44 =	vld [tilespmem:s21+$0xC0D0];
	[tilespmem:s19+$0x14E0] =	vst v4  }
0x1e7: {  	v45 =	vld [tilespmem:s21+$0xC0E0];
	[tilespmem:s19+$0x14F0] =	vst v3;
	s19 =	smov.u32 s21  }
0x1e8: {  	v46 =	vld [tilespmem:s19+$0xC0F0]  }
0x1e9: {  	v47 =	vld [tilespmem:s19+$0xC480]  }
0x1ea: {  	v48 =	vld [tilespmem:s19+$0xC490]  }
0x1eb: {  	v49 =	vld [tilespmem:s19+$0xC4A0]  }
0x1ec: {  	v50 =	vld [tilespmem:s19+$0xC4B0]  }
0x1ed: {  	v38 =	vld [tilespmem:s19+$0xC4C0]  }
0x1ee: {  	v37 =	vld [tilespmem:s19+$0xC4D0]  }
0x1ef: {  	v36 =	vld [tilespmem:s19+$0xC4E0]  }
0x1f0: {  	v35 =	vld [tilespmem:s19+$0xC4F0]  }
0x1f1: {  	v34 =	vld [tilespmem:s19+$0xC880]  }
0x1f2: {  	v33 =	vld [tilespmem:s19+$0xC890]  }
0x1f3: {  	v32 =	vld [tilespmem:s19+$0xC8A0]  }
0x1f4: {  	v31 =	vld [tilespmem:s19+$0xC8B0]  }
0x1f5: {  	v30 =	vld [tilespmem:s19+$0xC8C0]  }
0x1f6: {  	v29 =	vld [tilespmem:s19+$0xC8D0]  }
0x1f7: {  	v28 =	vld [tilespmem:s19+$0xC8E0]  }
0x1f8: {  	v27 =	vld [tilespmem:s19+$0xC8F0]  }
0x1f9: {  	v26 =	vld [tilespmem:s19+$0xCC80]  }
0x1fa: {  	v25 =	vld [tilespmem:s19+$0xCC90]  }
0x1fb: {  	v24 =	vld [tilespmem:s19+$0xCCA0]  }
0x1fc: {  	v23 =	vld [tilespmem:s19+$0xCCB0]  }
0x1fd: {  	v22 =	vld [tilespmem:s19+$0xCCC0]  }
0x1fe: {  	v21 =	vld [tilespmem:s19+$0xCCD0]  }
0x1ff: {  	v20 =	vld [tilespmem:s19+$0xCCE0]  }
0x200: {  	v19 =	vld [tilespmem:s19+$0xCCF0]  }
0x201: {  	v18 =	vld [tilespmem:s19+$0xD080]  }
0x202: {  	v17 =	vld [tilespmem:s19+$0xD090]  }
0x203: {  	v16 =	vld [tilespmem:s19+$0xD0A0]  }
0x204: {  	v15 =	vld [tilespmem:s19+$0xD0B0]  }
0x205: {  	v14 =	vld [tilespmem:s19+$0xD0C0]  }
0x206: {  	v13 =	vld [tilespmem:s19+$0xD0D0]  }
0x207: {  	v12 =	vld [tilespmem:s19+$0xD0E0]  }
0x208: {  	v11 =	vld [tilespmem:s19+$0xD0F0]  }
0x209: {  	v10 =	vld [tilespmem:s19+$0xD480]  }
0x20a: {  	v9 =	vld [tilespmem:s19+$0xD490]  }
0x20b: {  	v8 =	vld [tilespmem:s19+$0xD4A0]  }
0x20c: {  	v7 =	vld [tilespmem:s19+$0xD4B0]  }
0x20d: {  	v6 =	vld [tilespmem:s19+$0xD4C0]  }
0x20e: {  	v5 =	vld [tilespmem:s19+$0xD4D0]  }
0x20f: {  	v4 =	vld [tilespmem:s19+$0xD4E0]  }
0x210: {  	v3 =	vld [tilespmem:s19+$0xD4F0]  }
0x211: {  	v51 =	vld [tilespmem:s19+$0x80]  }
0x212: {  	v52 =	vld [tilespmem:s19+$0x90]  }
0x213: {  	v53 =	vld [tilespmem:s19+$0xA0]  }
0x214: {  	v54 =	vld [tilespmem:s19+$0xB0]  }
0x215: {  	v55 =	vld [tilespmem:s19+$0xC0]  }
0x216: {  	v39 =	vadd.f32 v39, v51;
	v51 =	vld [tilespmem:s19+$0xD0]  }
0x217: {  	v40 =	vadd.f32 v40, v52;
	v52 =	vld [tilespmem:s19+$0xE0]  }
0x218: {  	[tilespmem:s19+$0x80] =	vst v39;
	v39 =	vadd.f32 v41, v53;
	v41 =	vld [tilespmem:s19+$0xF0]  }
0x219: {  	[tilespmem:s19+$0x90] =	vst v40;
	v40 =	vadd.f32 v42, v54;
	v42 =	vld [tilespmem:s19+$0x480]  }
0x21a: {  	[tilespmem:s19+$0xA0] =	vst v39;
	v39 =	vadd.f32 v43, v55;
	v43 =	vld [tilespmem:s19+$0x490]  }
0x21b: {  	[tilespmem:s19+$0xB0] =	vst v40;
	v40 =	vadd.f32 v44, v51;
	v44 =	vld [tilespmem:s19+$0x4A0]  }
0x21c: {  	[tilespmem:s19+$0xC0] =	vst v39;
	v39 =	vadd.f32 v45, v52;
	v45 =	vld [tilespmem:s19+$0x4B0]  }
0x21d: {  	[tilespmem:s19+$0xD0] =	vst v40;
	v40 =	vadd.f32 v46, v41;
	v41 =	vld [tilespmem:s19+$0x4C0]  }
0x21e: {  	[tilespmem:s19+$0xE0] =	vst v39;
	v39 =	vadd.f32 v47, v42;
	v42 =	vld [tilespmem:s19+$0x4D0]  }
0x21f: {  	[tilespmem:s19+$0xF0] =	vst v40;
	v40 =	vadd.f32 v48, v43;
	v43 =	vld [tilespmem:s19+$0x4E0]  }
0x220: {  	[tilespmem:s19+$0x480] =	vst v39;
	v39 =	vadd.f32 v49, v44;
	v44 =	vld [tilespmem:s19+$0x4F0]  }
0x221: {  	[tilespmem:s19+$0x490] =	vst v40;
	v40 =	vadd.f32 v50, v45;
	v45 =	vld [tilespmem:s19+$0x880]  }
0x222: {  	[tilespmem:s19+$0x4A0] =	vst v39;
	v38 =	vadd.f32 v38, v41;
	v39 =	vld [tilespmem:s19+$0x890]  }
0x223: {  	[tilespmem:s19+$0x4B0] =	vst v40;
	v37 =	vadd.f32 v37, v42;
	v40 =	vld [tilespmem:s19+$0x8A0]  }
0x224: {  	[tilespmem:s19+$0x4C0] =	vst v38;
	v36 =	vadd.f32 v36, v43;
	v38 =	vld [tilespmem:s19+$0x8B0]  }
0x225: {  	[tilespmem:s19+$0x4D0] =	vst v37;
	v35 =	vadd.f32 v35, v44;
	v37 =	vld [tilespmem:s19+$0x8C0]  }
0x226: {  	[tilespmem:s19+$0x4E0] =	vst v36;
	v34 =	vadd.f32 v34, v45;
	v36 =	vld [tilespmem:s19+$0x8D0]  }
0x227: {  	[tilespmem:s19+$0x4F0] =	vst v35;
	v33 =	vadd.f32 v33, v39;
	v35 =	vld [tilespmem:s19+$0x8E0]  }
0x228: {  	[tilespmem:s19+$0x880] =	vst v34;
	v32 =	vadd.f32 v32, v40;
	v34 =	vld [tilespmem:s19+$0x8F0]  }
0x229: {  	[tilespmem:s19+$0x890] =	vst v33;
	v31 =	vadd.f32 v31, v38;
	v33 =	vld [tilespmem:s19+$0xC80]  }
0x22a: {  	[tilespmem:s19+$0x8A0] =	vst v32;
	v30 =	vadd.f32 v30, v37;
	v32 =	vld [tilespmem:s19+$0xC90]  }
0x22b: {  	[tilespmem:s19+$0x8B0] =	vst v31;
	v29 =	vadd.f32 v29, v36;
	v31 =	vld [tilespmem:s19+$0xCA0]  }
0x22c: {  	[tilespmem:s19+$0x8C0] =	vst v30;
	v28 =	vadd.f32 v28, v35;
	v30 =	vld [tilespmem:s19+$0xCB0]  }
0x22d: {  	[tilespmem:s19+$0x8D0] =	vst v29;
	v27 =	vadd.f32 v27, v34;
	v29 =	vld [tilespmem:s19+$0xCC0]  }
0x22e: {  	[tilespmem:s19+$0x8E0] =	vst v28;
	v26 =	vadd.f32 v26, v33;
	v28 =	vld [tilespmem:s19+$0xCD0]  }
0x22f: {  	[tilespmem:s19+$0x8F0] =	vst v27;
	v25 =	vadd.f32 v25, v32;
	v27 =	vld [tilespmem:s19+$0xCE0]  }
0x230: {  	[tilespmem:s19+$0xC80] =	vst v26;
	v24 =	vadd.f32 v24, v31;
	v26 =	vld [tilespmem:s19+$0xCF0]  }
0x231: {  	[tilespmem:s19+$0xC90] =	vst v25;
	v23 =	vadd.f32 v23, v30;
	v25 =	vld [tilespmem:s19+$0x1080]  }
0x232: {  	[tilespmem:s19+$0xCA0] =	vst v24;
	v22 =	vadd.f32 v22, v29;
	v24 =	vld [tilespmem:s19+$0x1090]  }
0x233: {  	[tilespmem:s19+$0xCB0] =	vst v23;
	v21 =	vadd.f32 v21, v28;
	v23 =	vld [tilespmem:s19+$0x10A0]  }
0x234: {  	[tilespmem:s19+$0xCC0] =	vst v22;
	v20 =	vadd.f32 v20, v27;
	v22 =	vld [tilespmem:s19+$0x10B0]  }
0x235: {  	[tilespmem:s19+$0xCD0] =	vst v21;
	v19 =	vadd.f32 v19, v26;
	v21 =	vld [tilespmem:s19+$0x10C0]  }
0x236: {  	[tilespmem:s19+$0xCE0] =	vst v20;
	v18 =	vadd.f32 v18, v25;
	v20 =	vld [tilespmem:s19+$0x10D0]  }
0x237: {  	[tilespmem:s19+$0xCF0] =	vst v19;
	v17 =	vadd.f32 v17, v24;
	v19 =	vld [tilespmem:s19+$0x10E0]  }
.Ltmp1:
0x238: {  	[tilespmem:s19+$0x1080] =	vst v18;
	v18 =	vadd.f32 v16, v23;
	v16 =	vld [tilespmem:s19+$0x10F0];
	(pc) =	sbr.rel @p0 .LBB2_4-.Ltmp1, $4  }
0x239: {  	[tilespmem:s19+$0x1090] =	vst v17;
	v17 =	vadd.f32 v15, v22;
	v15 =	vld [tilespmem:s19+$0x1480]  }
0x23a: {  	[tilespmem:s19+$0x10A0] =	vst v18;
	v21 =	vadd.f32 v14, v21;
	v14 =	vld [tilespmem:s19+$0x1490]  }
0x23b: {  	[tilespmem:s19+$0x10B0] =	vst v17;
	v18 =	vadd.f32 v13, v20;
	v13 =	vld [tilespmem:s19+$0x14A0]  }
0x23c: {  	s20 =	sadd.s32 $0x1, s20;
	[tilespmem:s19+$0x10C0] =	vst v21;
	v17 =	vadd.f32 v12, v19;
	v12 =	vld [tilespmem:s19+$0x14B0]  }
0x23d: {  	[tilespmem:s19+$0x10D0] =	vst v18;
	v60 =	vld [tilespmem:s19+$0x14C0];
	v11 =	vadd.f32 v11, v16  }
0x23e: {  	v61 =	vld [tilespmem:s19+$0x14D0];
	[tilespmem:s19+$0x10E0] =	vst v17;
	v10 =	vadd.f32 v10, v15  }
0x23f: {  	v62 =	vld [tilespmem:s19+$0x14E0];
	[tilespmem:s19+$0x10F0] =	vst v11;
	v9 =	vadd.f32 v9, v14  }
0x240: {  	v63 =	vld [tilespmem:s19+$0x14F0];
	[tilespmem:s19+$0x1480] =	vst v10;
	v8 =	vadd.f32 v8, v13  }
0x241: {  	[tilespmem:s19+$0x1490] =	vst v9;
	v7 =	vadd.f32 v7, v12  }
0x242: {  	[tilespmem:s19+$0x14A0] =	vst v8;
	v6 =	vadd.f32 v6, v60  }
0x243: {  	v5 =	vadd.f32 v5, v61;
	[tilespmem:s19+$0x14B0] =	vst v7  }
0x244: {  	v4 =	vadd.f32 v4, v62;
	[tilespmem:s19+$0x14C0] =	vst v6  }
0x245: {  	s17 =	sadd.s32 $0x1, s17;
	v3 =	vadd.f32 v3, v63;
	[tilespmem:s19+$0x14D0] =	vst v5  }
0x246: {  	p0 =	sne.s32 s17, s10;
	[tilespmem:s19+$0x14E0] =	vst v4  }
.Ltmp2:
0x247: {  	s18 =	simm.s32 $0x80;
	[tilespmem:s19+$0x14F0] =	vst v3;
	(pc) =	sbr.rel @p0 .LBB2_1-.Ltmp2, $4  }
0x248: {  	[hbm4b:s9+s2] =	stream.linear.scatter [tilespmem:s18], [sflag:$0x2], $0xC000, $0x38;
	[tilespmem:$0x18080] =	vst v63  }
0x249: {  	_ =	swait.ge [sflag:s12], $0xC000  }
0x24a: {  	[sflag:s12] =	ssyncset.done $0x0  }
0x24b: {  	[sflag:s12] =	ssyncadd.s32 $0xFFFF4000  }
0x24c: {  	_ =	sfence.sel $0x180000  }
0x24d: {  	[bflag:$0x0] =	sbarrier.arrive $0xFFFF  }
0x24e: {  	_ =	strace $0x9000004A  }
0x24f: {  	s0 =	stileid.u32;
	[bflag:$0x2] =	sbarrier.arrive $0xFFFF  }
0x250: {  	p0 =	sne.s32 s0, $0x0;
	s0 =	rddreg [dreg:$0x2]  }
0x251: {  	s0 =	sadd.s32 @!p0 $0x100000, s0  }
0x252: {  	[sflag:s0] =	ssyncadd.tile.s32 @!p0 $0x1;
	_ =	shalt  }
.Lfunc_end2:
_tile_overlayer_lowered:
.L_overlay_start_2:
0x253: {  	(tag) =	ssettag $0x2  }
0x254: {  	s0 =	rddreg [dreg:$0x0];
	s2 =	stileid.u32  }
0x255: {  	s1 =	rddreg [dreg:$0x1];
	p0 =	sne.s32 s2, $0x0  }
0x256: {  	s3 =	rddreg [dreg:$0x2];
	[bflag:$0x3] =	sbarrier.arrive $0xFFFF;
	s2 =	simm.s32 @!p0 $0x1C02  }
0x257: {  	[timem:s3], [sflag:s2] =	dma.local @!p0 [hbm:s0], s1  }
0x258: {  	s0 =	simm.s32 @!p0 $0x2  }
0x259: {  	_ =	swait.ge @!p0 [sflag:s0], s1  }
0x25a: {  	s1 =	ssub.s32 @!p0 $0x0, s1;
	[sflag:s0] =	ssyncset.done @!p0 $0x0  }
0x25b: {  	[sflag:s0] =	ssyncadd.s32 @!p0 s1  }
0x25c: {  	[bflag:$0x3] =	sbarrier.arrive $0xFFFF  }
0x25d: {  	_ =	shalt  }

// kernel: kernel.7.cloned.1.call-start
scs
__scs_entry_jumppad:
0x0: {  	(pc) =	sbr.rel $0x88, $3  }
0x1: {  	(tag) =	ssettag $0x0;
	lr =	simm.s32 $0x1  }
0x2: {  	[smem:$0x3F99] =	sst lr;
	_ =	strace $0xD0000000  }
0x3: {  	_ = 	snop  }
0x4: {  	_ = 	snop  }
0x5: {  	_ = 	snop  }
0x6: {  	_ = 	snop  }
0x7: {  	_ = 	snop  }
__scs_overlays_trampoline_lowered:
0x8: {  	[smem:$0x3FA8] =	sst s0  }
0x9: {  	[smem:$0x3FA9] =	sst s1  }
0xa: {  	[smem:$0x3FAA] =	sst s2  }
0xb: {  	[smem:$0x3FAB] =	sst s3  }
0xc: {  	[smem:$0x3FAC] =	sst s4  }
0xd: {  	[smem:$0x3FAD] =	sst s5  }
0xe: {  	[smem:$0x3FAE] =	sst s6  }
0xf: {  	[smem:$0x3FAF] =	sst s7  }
0x10: {  	[smem:$0x3FB0] =	sst s8  }
0x11: {  	[smem:$0x3FB1] =	sst s9;
	s0 =	simm.s32 @!p0 $0x0  }
0x12: {  	s1 =	sld [smem:$0x3F97];
	s0 =	simm.s32 @p0 $0x1  }
0x13: {  	[smem:$0x3FB2] =	sst s0;
	s0 =	simm.s32 @!p1 $0x0  }
0x14: {  	s2 =	sld [smem:$0x3F96];
	s0 =	simm.s32 @p1 $0x1  }
0x15: {  	[smem:$0x3FB3] =	sst s0;
	s0 =	simm.s32 @!p2 $0x0  }
0x16: {  	s3 =	sld [smem:$0x3FDB];
	s0 =	simm.s32 @p2 $0x1  }
0x17: {  	s4 =	simm.s32 $0x1BF5;
	[smem:$0x3FB5] =	sst s0  }
0x18: {  	s0 =	sld [smem:$0x3F98];
	_ =	swait.ge [sflag:s4], $0x0  }
0x19: {  	s7 =	sld [smem:$0x3F99]  }
0x1a: {  	s8 =	sadd.s32 $0xFFFFE003, lr  }
0x1b: {  	s9 =	sadd.s32 $0xFFFFFEF7, lr;
	s5 =	simm.s32 $0xFFFFFFFF;
	p2 =	slt.u32 s8, $0xFFFFF086  }
0x1c: {  	p1 =	slt.u32 s9, $0xF7A;
	s5 =	simm.s32 @!p2 $0x0  }
0x1d: {  	s5 =	simm.s32 @p1 $0x1;
	p0 =	seq.s32 s7, s2  }
0x1e: {  	s7 =	smul.u32 @!p0 $0xF7A, s2;
	p2 =	seq.s32 @!p0 s5, $0x0  }
0x1f: {  	s9 =	smul.u32 $0xF7A, s1;
	s8 =	simm.s32 @!p0 $0x1BF5;
	p2 =	por !p2, p0  }
0x20: {  	[sflag:s8] =	ssyncset.s32 @!p0 $0xFFFFF086;
	s6 =	sadd.s32 @!p0 s3, s7;
	s7 =	simm.s32 @!p0 $0x108  }
0x21: {  	s3 =	sadd.s32 s3, s9;
	s6 =	sadd.s32 @!p0 $0x88, s6;
	s7 =	simm.s32 @p2 $0x1082  }
0x22: {  	[simem:s7], [sflag:s8] =	dma.local @!p0 [hbm:s6], $0xF7A  }
0x23: {  	s9 =	sor.u32 $0xD0000000, s2;
	s6 =	simm.s32 $0x108;
	_ =	swait.ge @!p0 [sflag:s8], $0x0  }
0x24: {  	s3 =	sadd.s32 $0x88, s3;
	s6 =	simm.s32 @!p1 $0x1082;
	[sflag:s4] =	ssyncset.s32 $0xFFFFF086  }
0x25: {  	[simem:s6], [sflag:s4] =	dma.local [hbm:s3], $0xF7A  }
0x26: {  	[smem:$0x3F99] =	sst s1;
	(tag) =	ssettag s2;
	_ =	strace s9  }
0x27: {  	s1 =	sld [smem:$0x3FA9]  }
0x28: {  	s2 =	sld [smem:$0x3FAA]  }
0x29: {  	s4 =	sld [smem:$0x3FAC]  }
0x2a: {  	p0 =	seq.s32 s5, $0x0;
	s5 =	sld [smem:$0x3FAD]  }
0x2b: {  	s6 =	sld [smem:$0x3FAE]  }
0x2c: {  	s7 =	sld [smem:$0x3FAF]  }
0x2d: {  	s3 =	simm.s32 $0x108;
	s8 =	sld [smem:$0x3FB0]  }
0x2e: {  	s3 =	simm.s32 @!p0 $0x1082;
	s9 =	sld [smem:$0x3FB1]  }
0x2f: {  	lr =	sadd.s32 s0, s3;
	s0 =	sld [smem:$0x3FA8]  }
0x30: {  	s3 =	sld [smem:$0x3FAB]  }
0x31: {  	[smem:$0x3FB4] =	sst s10  }
0x32: {  	s10 =	sld [smem:$0x3FB2];
	_ =	sdelay $0x3  }
0x33: {  	p0 =	seq.s32 s10, $0x1;
	s10 =	sld [smem:$0x3FB4];
	_ =	sdelay $0x3  }
0x34: {  	[smem:$0x3FB4] =	sst s10  }
0x35: {  	s10 =	sld [smem:$0x3FB3];
	_ =	sdelay $0x3  }
0x36: {  	p1 =	seq.s32 s10, $0x1;
	s10 =	sld [smem:$0x3FB4];
	_ =	sdelay $0x3  }
0x37: {  	[smem:$0x3FB4] =	sst s10  }
0x38: {  	s10 =	sld [smem:$0x3FB5]  }
0x39: {  	_ = 	snop;
	(pc) =	sbr.ind lr, $3  }
0x3a: {  	_ = 	snop  }
0x3b: {  	_ = 	snop  }
0x3c: {  	p2 =	seq.s32 s10, $0x1;
	s10 =	sld [smem:$0x3FB4]  }
0x3d: {  	_ =	shalt  }
0x3e: {  	_ =	shalt  }
0x3f: {  	_ =	shalt  }
0x40: {  	_ =	shalt  }
0x41: {  	_ =	shalt  }
0x42: {  	_ =	shalt  }
0x43: {  	_ =	shalt  }
0x44: {  	_ =	shalt  }
0x45: {  	_ =	shalt  }
0x46: {  	_ =	shalt  }
0x47: {  	_ =	shalt  }
0x48: {  	_ =	shalt  }
0x49: {  	_ =	shalt  }
0x4a: {  	_ =	shalt  }
0x4b: {  	_ =	shalt  }
0x4c: {  	_ =	shalt  }
0x4d: {  	_ =	shalt  }
0x4e: {  	_ =	shalt  }
0x4f: {  	_ =	shalt  }
0x50: {  	_ =	shalt  }
0x51: {  	_ =	shalt  }
0x52: {  	_ =	shalt  }
0x53: {  	_ =	shalt  }
0x54: {  	_ =	shalt  }
0x55: {  	_ =	shalt  }
0x56: {  	_ =	shalt  }
0x57: {  	_ =	shalt  }
0x58: {  	_ =	shalt  }
0x59: {  	_ =	shalt  }
0x5a: {  	_ =	shalt  }
0x5b: {  	_ =	shalt  }
0x5c: {  	_ =	shalt  }
0x5d: {  	_ =	shalt  }
0x5e: {  	_ =	shalt  }
0x5f: {  	_ =	shalt  }
0x60: {  	_ =	shalt  }
0x61: {  	_ =	shalt  }
0x62: {  	_ =	shalt  }
0x63: {  	_ =	shalt  }
0x64: {  	_ =	shalt  }
0x65: {  	_ =	shalt  }
0x66: {  	_ =	shalt  }
0x67: {  	_ =	shalt  }
0x68: {  	_ =	shalt  }
0x69: {  	_ =	shalt  }
0x6a: {  	_ =	shalt  }
0x6b: {  	_ =	shalt  }
0x6c: {  	_ =	shalt  }
0x6d: {  	_ =	shalt  }
0x6e: {  	_ =	shalt  }
0x6f: {  	_ =	shalt  }
0x70: {  	_ =	shalt  }
0x71: {  	_ =	shalt  }
0x72: {  	_ =	shalt  }
0x73: {  	_ =	shalt  }
0x74: {  	_ =	shalt  }
0x75: {  	_ =	shalt  }
0x76: {  	_ =	shalt  }
0x77: {  	_ =	shalt  }
0x78: {  	_ =	shalt  }
0x79: {  	_ =	shalt  }
0x7a: {  	_ =	shalt  }
0x7b: {  	_ =	shalt  }
0x7c: {  	_ =	shalt  }
0x7d: {  	_ =	shalt  }
0x7e: {  	_ =	shalt  }
0x7f: {  	_ =	shalt  }
0x80: {  	_ =	shalt  }
0x81: {  	_ =	shalt  }
0x82: {  	_ =	shalt  }
0x83: {  	_ =	shalt  }
0x84: {  	_ =	shalt  }
0x85: {  	_ =	shalt  }
0x86: {  	_ =	shalt  }
0x87: {  	_ =	shalt  }
.Lfunc_end0:
.L_simem_size_0:
called_computation_lowered:
.L_overlay_start_0:
0x88: {  	s2 =	sld [smem:$0x3FD9]  }
0x89: {  	s3 =	sld [smem:$0x3FFE];
	_ =	sdelay $0x1  }
0x8a: {  	s1 =	srdreg.scid  }
0x8b: {  	s0 =	sand.u32 $0x1, s1  }
0x8c: {  	s17 =	sshll.u32 s0, $0xA;
	s2 =	sadd.s32 s3, s2  }
0x8d: {  	s2 =	sadd.s32 s2, s17  }
0x8e: {  	[smem:$0x3FC0] =	sst s2  }
0x8f: {  	_ = 	snop  }
0x90: {  	s2 =	sld [smem:$0x3FC9];
	(tm) =	ssettm $0x1  }
0x91: {  	s18 =	sld [smem:$0x3FFB];
	_ =	sdelay $0x3  }
0x92: {  	_ =	strace s18  }
0x93: {  	s3 =	sld [smem:$0x3FFC];
	_ =	sdelay $0x3  }
0x94: {  	_ =	strace s3  }
0x95: {  	s3 =	sld [smem:$0x3FFD];
	_ =	sdelay $0x3  }
0x96: {  	_ =	strace s3  }
0x97: {  	_ =	strace $0x8FFFFFFF  }
0x98: {  	s19 =	sld [smem:$0x3FDB];
	_ =	sdelay $0x1  }
0x99: {  	s4 =	simm.s32 $_scs_section_size  }
0x9a: {  	s5 =	simm.s32 $_size__tile_overlayer_lowered;
	s6 =	simm.s32 $_tile_overlayer_lowered  }
0x9b: {  	s22 =	simm.s32 $0x1BFF;
	s21 =	sshll.u32 s6, $0x1;
	s3 =	sadd.s32 s4, s19  }
0x9c: {  	s7 =	simm.s32 $0x0;
	s20 =	sshll.u32 s5, $0x1;
	s5 =	sadd.s32 s21, s3  }
0x9d: {  	[timem:s7], [sflag:s22] =	dma.local [hbm:s5], s20  }
0x9e: {  	_ =	swait.ge [sflag:s22], s20  }
0x9f: {  	s4 =	ssub.s32 $0x0, s20;
	[sflag:s22] =	ssyncset.done $0x0  }
0xa0: {  	[sflag:s22] =	ssyncadd.s32 s4;
	_ =	sdelay $0x1  }
0xa1: {  	s23 =	simm.s32 $0x1B8B  }
0xa2: {  	_ =	swait.ge [sflag:s23], $0x1  }
0xa3: {  	[sflag:s23] =	ssyncset.done $0x0  }
0xa4: {  	s25 =	simm.s32 $0x1B8E;
	s24 =	sld [smem:$0x3FFE];
	[sflag:s23] =	ssyncadd.s32 $0xFFFFFFFF  }
0xa5: {  	s26 =	simm.s32 $execute0_lowered;
	[smem:$0x3FD2] =	sst s25  }
0xa6: {  	s5 =	sshll.u32 s26, $0x1;
	_ =	strace $0x80000046;
	[dreg:$0x1] =	wrdreg $0xFFFFFFFF  }
0xa7: {  	s28 =	simm.s32 $_size_execute0_lowered;
	s3 =	sadd.s32 s3, s5;
	[dreg:$0x0] =	wrdreg $0x0  }
0xa8: {  	s5 =	sshll.u32 s28, $0x1;
	[dreg:$0x2] =	wrdreg s3  }
0xa9: {  	[dreg:$0x3] =	wrdreg s5  }
0xaa: {  	[dreg:$0x4] =	wrdreg $0xC0  }
0xab: {  	_ =	task [dreg:s7], $0x5FFFF  }
0xac: {  	[dreg:$0x1] =	wrdreg $0xFFFFFFFF  }
0xad: {  	[dreg:$0x0] =	wrdreg $0x60  }
0xae: {  	[dreg:$0x2] =	wrdreg s2  }
0xaf: {  	[dreg:$0x3] =	wrdreg s24  }
0xb0: {  	[dreg:$0x4] =	wrdreg $0x9  }
0xb1: {  	_ =	task.clear_ibuf [dreg:s7], $0x5FFFF;
	_ =	strace $0x90000046  }
0xb2: {  	s29 =	simm.s32 $0x9;
	_ =	strace $0x80000048  }
0xb3: {  	_ =	swait.ge [sflag:s29], $0x1  }
0xb4: {  	[sflag:s29] =	ssyncadd.s32 $0xFFFFFFFF  }
0xb5: {  	_ =	strace $0x90000048  }
0xb6: {  	_ =	sfence  }
0xb7: {  	s30 =	sld [smem:$0x0];
	_ =	sdelay $0x2  }
0xb8: {  	s31 =	sshll.u32 s1, $0xD;
	s1 =	sshrl.u32 s1, $0x2  }
0xb9: {  	s3 =	sand.u32 $0x4000, s31;
	s1 =	sadd.s32 s1, s30  }
0xba: {  	s0 =	sor.u32 s3, s0;
	s1 =	sshll.u32 s1, $0x11  }
0xbb: {  	s0 =	sor.u32 s1, s0  }
0xbc: {  	s0 =	sadd.s32 $0x8F2B, s0  }
0xbd: {  	[sflag:s0] =	ssyncadd.remote.s32 $0x1  }
0xbe: {  	_ =	sfence.sel $0xFFFF  }
0xbf: {  	[dreg:$0x0] =	wrdreg $0xFFFFFFFF;
	(pc) =	sbr.abs _section_cstart, $3  }
0xc0: {  	[dreg:$0x1] =	wrdreg $0xFFFFFFFF  }
0xc1: {  	_ =	task.clear_ibuf [dreg:s7], $0x2FFFF;
	_ =	strace $0x9FFFFFFF  }
0xc2: {  	(tm) =	ssettm $0x7FFFFFFF  }
0xc3: {  	_ =	shalt  }
tec
execute0_lowered:
.L_overlay_start_1:
0x0: {  	(tag) =	ssettag $0x1  }
0x1: {  	s0 =	rddreg [dreg:$0x0]  }
0x2: {  	s1 =	rddreg [dreg:$0x1]  }
0x3: {  	s3 =	srdreg.scid;
	s2 =	simm.s32 $0x0;
	s9 =	stileid.u32  }
0x4: {  	s14 =	simm.s32 $0x2880;
	s15 =	simm.s32 $0x3080;
	s16 =	simm.s32 $0x3880  }
0x5: {  	s17 =	simm.s32 $0x4080;
	s18 =	simm.s32 $0x4880;
	s19 =	simm.s32 $0x5080  }
0x6: {  	s20 =	simm.s32 $0x5880;
	s21 =	simm.s32 $0x6080;
	s28 =	simm.s32 $0x9080  }
0x7: {  	s29 =	simm.s32 $0x9880;
	s30 =	simm.s32 $0xA080;
	s31 =	simm.s32 $0xA880  }
0x8: {  	s3 =	sand.u32 $0x1, s3;
	[smem:$0x7FF] =	sst s2;
	s4 =	sshll.u32 s9, $0x8  }
0x9: {  	s6 =	sadd.s32 $0x3800, s1;
	s22 =	sadd.s32 $0x3A00, s1;
	p0 =	slt.u32 s9, $0x8  }
0xa: {  	s5 =	sshll.u32 s3, $0x7;
	_ =	strace $0x80000047;
	s8 =	ssub.s32 $0x2, s3  }
0xb: {  	s3 =	sadd.s32 $0x3C00, s1;
	s4 =	sor.u32 s5, s4;
	s23 =	sshrl.u32 s8, $0x1  }
0xc: {  	s5 =	sadd.s32 $0x3E00, s1;
	s7 =	sadd.s32 $0xFFFFF800, s4;
	s11 =	sshrl.u32 s4, $0x3  }
0xd: {  	s25 =	ssub.s32 s8, s23;
	s4 =	sadd.s32 $0x3D00, s1;
	s23 =	simm.s32 $0x7080  }
0xe: {  	s7 =	sshrl.u32 s7, $0x3;
	s13 =	sor.u32 $0x8, s11;
	s8 =	sadd.s32 s6, s11  }
0xf: {  	s9 =	sadd.s32 s22, s7;
	s10 =	sor.u32 $0x8, s7;
	s7 =	smov.u32 @p0 s11  }
0x10: {  	s1 =	sadd.s32 s6, s13;
	s6 =	smax.u32 s25, $0x1;
	s11 =	simm.s32 $0x1080  }
0x11: {  	s25 =	simm.s32 $0x8080;
	s12 =	sadd.s32 s22, s10;
	s24 =	smul.u32 $0x300, s7  }
0x12: {  	s10 =	smov.u32 @p0 s13;
	s9 =	smov.u32 @p0 s8;
	s8 =	simm.s32 $0x2  }
0x13: {  	s13 =	simm.s32 $0x2080;
	s22 =	simm.s32 $0x6880;
	s10 =	smul.u32 $0x300, s10  }
0x14: {  	[dreg:$0x3] =	wrdreg s9;
	s12 =	smov.u32 @p0 s1;
	s1 =	simm.s32 $0x1  }
0x15: {  	v2 =	vlaneseq.u32;
	s26 =	sadd.s32 s0, s24;
	[dreg:$0x5] =	wrdreg s12;
	s12 =	simm.s32 $0x1880  }
0x16: {  	vm0 =	vmmov $0xffff;
	v1 =	vshrl.u32 v2, $0x3;
	s24 =	simm.s32 $0x7880;
	[dreg:$0x6] =	wrdreg s26;
	s0 =	sadd.s32 s0, s10  }
0x17: {  	v0 =	vand.u32 $0x7, v2;
	v2 =	vor.u32 $0x8, v2;
	v1 =	vmul.u32 $0x8, v1;
	s10 =	simm.s32 $0x880;
	s26 =	simm.s32 $0x8880;
	[dreg:$0x4] =	wrdreg s0  }
.LBB2_1:
0x18: {  	s9 =	rddreg [dreg:$0x6];
	s0 =	simm.s32 $0x80  }
0x19: {  	[tilespmem:s0], [sflag:$0x2] =	stream.linear.gather [hbm4b:s9+s2], $0xC000, $0x38;
	[tilespmem:$0xC080] =	vst v63  }
0x1a: {  	_ =	swait.ge [sflag:s8], $0xC000  }
0x1b: {  	[sflag:s8] =	ssyncset.done $0x0  }
0x1c: {  	s7 =	rddreg [dreg:$0x3];
	[sflag:s8] =	ssyncadd.s32 $0xFFFF4000  }
0x1d: {  	[tilespmem:s2], [sflag:$0x2] =	stream.linear.gather [hbm4b:s7+s2], $0x40, $0x38;
	[tilespmem:$0xC080] =	vst v63  }
0x1e: {  	_ =	swait.ge [sflag:s8], $0x40  }
0x1f: {  	[sflag:s8] =	ssyncset.done $0x0  }
0x20: {  	[sflag:s8] =	ssyncadd.s32 $0xFFFFFFC0  }
0x21: {  	v3 =	vld [tilespmem:$0x0];
	_ =	sdelay $0x4  }
0x22: {  	v4 =	vshrl.u32 v3, $0x3  }
0x23: {  	v4 =	vmul.u32 $0x30, v4  }
0x24: {  	v3 =	vand.u32 $0x7, v3  }
0x25: {  	v3 =	vor.u32 v3, v4  }
0x26: {  	v4 =	vperm.xlane v3, v0;
	_ =	sdelay $0x1  }
0x27: {  	v4 =	vadd.s32 v1, v4;
	_ =	sdelay $0x3  }
0x28: {  	v3 =	vperm.xlane v3, v2  }
0x29: {  	[hbm4b:s3+s2] =	stream.indirect_vreg.scatter [tilespmem:s0], [sflag:$0x1], $0x80, v4, vm0, $0xb8;
	[tilespmem:$0xC080] =	vst v63  }
0x2a: {  	v3 =	vadd.s32 v1, v3  }
0x2b: {  	[hbm4b:s4+s2] =	stream.indirect_vreg.scatter [tilespmem:s10], [sflag:$0x1], $0x80, v4, vm0, $0xb8;
	[tilespmem:$0xC080] =	vst v63  }
0x2c: {  	_ = 	snop  }
0x2d: {  	[hbm4b:s5+s2] =	stream.indirect_vreg.scatter [tilespmem:s11], [sflag:$0x1], $0x80, v4, vm0, $0xb8;
	[tilespmem:$0xC080] =	vst v63  }
0x2e: {  	_ = 	snop  }
0x2f: {  	[hbm4b:s3+s2] =	stream.indirect_vreg.scatter [tilespmem:s12], [sflag:$0x1], $0x80, v3, vm0, $0xb8;
	[tilespmem:$0xC080] =	vst v63  }
0x30: {  	_ = 	snop  }
0x31: {  	[hbm4b:s4+s2] =	stream.indirect_vreg.scatter [tilespmem:s13], [sflag:$0x1], $0x80, v3, vm0, $0xb8;
	[tilespmem:$0xC080] =	vst v63  }
0x32: {  	_ = 	snop  }
0x33: {  	[hbm4b:s5+s2] =	stream.indirect_vreg.scatter [tilespmem:s14], [sflag:$0x1], $0x80, v3, vm0, $0xb8;
	[tilespmem:$0xC080] =	vst v63  }
0x34: {  	v3 =	vld [tilespmem:$0x10];
	_ =	sdelay $0x4  }
0x35: {  	v57 =	vshrl.u32 v3, $0x3  }
0x36: {  	v4 =	vmul.u32 $0x30, v57  }
0x37: {  	v3 =	vand.u32 $0x7, v3  }
0x38: {  	v3 =	vor.u32 v3, v4  }
0x39: {  	v4 =	vperm.xlane v3, v0;
	_ =	sdelay $0x1  }
0x3a: {  	v4 =	vadd.s32 v1, v4;
	_ =	sdelay $0x3  }
0x3b: {  	v3 =	vperm.xlane v3, v2  }
0x3c: {  	[hbm4b:s3+s2] =	stream.indirect_vreg.scatter [tilespmem:s15], [sflag:$0x1], $0x80, v4, vm0, $0xb8;
	[tilespmem:$0xC080] =	vst v63  }
0x3d: {  	v3 =	vadd.s32 v1, v3  }
0x3e: {  	[hbm4b:s4+s2] =	stream.indirect_vreg.scatter [tilespmem:s16], [sflag:$0x1], $0x80, v4, vm0, $0xb8;
	[tilespmem:$0xC080] =	vst v63  }
0x3f: {  	_ = 	snop  }
0x40: {  	[hbm4b:s5+s2] =	stream.indirect_vreg.scatter [tilespmem:s17], [sflag:$0x1], $0x80, v4, vm0, $0xb8;
	[tilespmem:$0xC080] =	vst v63  }
0x41: {  	_ = 	snop  }
0x42: {  	[hbm4b:s3+s2] =	stream.indirect_vreg.scatter [tilespmem:s18], [sflag:$0x1], $0x80, v3, vm0, $0xb8;
	[tilespmem:$0xC080] =	vst v63  }
0x43: {  	_ = 	snop  }
0x44: {  	[hbm4b:s4+s2] =	stream.indirect_vreg.scatter [tilespmem:s19], [sflag:$0x1], $0x80, v3, vm0, $0xb8;
	[tilespmem:$0xC080] =	vst v63  }
0x45: {  	_ = 	snop  }
0x46: {  	[hbm4b:s5+s2] =	stream.indirect_vreg.scatter [tilespmem:s20], [sflag:$0x1], $0x80, v3, vm0, $0xb8;
	[tilespmem:$0xC080] =	vst v63  }
0x47: {  	v3 =	vld [tilespmem:$0x20];
	_ =	sdelay $0x4  }
0x48: {  	v58 =	vshrl.u32 v3, $0x3  }
0x49: {  	v4 =	vmul.u32 $0x30, v58  }
0x4a: {  	v3 =	vand.u32 $0x7, v3  }
0x4b: {  	v3 =	vor.u32 v3, v4  }
0x4c: {  	v4 =	vperm.xlane v3, v0;
	_ =	sdelay $0x1  }
0x4d: {  	v4 =	vadd.s32 v1, v4;
	_ =	sdelay $0x3  }
0x4e: {  	v3 =	vperm.xlane v3, v2  }
0x4f: {  	[hbm4b:s3+s2] =	stream.indirect_vreg.scatter [tilespmem:s21], [sflag:$0x1], $0x80, v4, vm0, $0xb8;
	[tilespmem:$0xC080] =	vst v63  }
0x50: {  	v3 =	vadd.s32 v1, v3  }
0x51: {  	[hbm4b:s4+s2] =	stream.indirect_vreg.scatter [tilespmem:s22], [sflag:$0x1], $0x80, v4, vm0, $0xb8;
	[tilespmem:$0xC080] =	vst v63  }
0x52: {  	_ = 	snop  }
0x53: {  	[hbm4b:s5+s2] =	stream.indirect_vreg.scatter [tilespmem:s23], [sflag:$0x1], $0x80, v4, vm0, $0xb8;
	[tilespmem:$0xC080] =	vst v63  }
0x54: {  	_ = 	snop  }
0x55: {  	[hbm4b:s3+s2] =	stream.indirect_vreg.scatter [tilespmem:s24], [sflag:$0x1], $0x80, v3, vm0, $0xb8;
	[tilespmem:$0xC080] =	vst v63  }
0x56: {  	_ = 	snop  }
0x57: {  	[hbm4b:s4+s2] =	stream.indirect_vreg.scatter [tilespmem:s25], [sflag:$0x1], $0x80, v3, vm0, $0xb8;
	[tilespmem:$0xC080] =	vst v63  }
0x58: {  	_ = 	snop  }
0x59: {  	[hbm4b:s5+s2] =	stream.indirect_vreg.scatter [tilespmem:s26], [sflag:$0x1], $0x80, v3, vm0, $0xb8;
	[tilespmem:$0xC080] =	vst v63  }
0x5a: {  	v3 =	vld [tilespmem:$0x30];
	_ =	sdelay $0x4  }
0x5b: {  	v59 =	vshrl.u32 v3, $0x3  }
0x5c: {  	v4 =	vmul.u32 $0x30, v59  }
0x5d: {  	v3 =	vand.u32 $0x7, v3  }
0x5e: {  	v3 =	vor.u32 v3, v4  }
0x5f: {  	v4 =	vperm.xlane v3, v0;
	_ =	sdelay $0x1  }
0x60: {  	v4 =	vadd.s32 v1, v4;
	_ =	sdelay $0x3  }
0x61: {  	v3 =	vperm.xlane v3, v2  }
0x62: {  	[hbm4b:s3+s2] =	stream.indirect_vreg.scatter [tilespmem:s28], [sflag:$0x1], $0x80, v4, vm0, $0xb8;
	[tilespmem:$0xC080] =	vst v63  }
0x63: {  	v3 =	vadd.s32 v1, v3  }
0x64: {  	[hbm4b:s4+s2] =	stream.indirect_vreg.scatter [tilespmem:s29], [sflag:$0x1], $0x80, v4, vm0, $0xb8;
	[tilespmem:$0xC080] =	vst v63  }
0x65: {  	_ = 	snop  }
0x66: {  	[hbm4b:s5+s2] =	stream.indirect_vreg.scatter [tilespmem:s30], [sflag:$0x1], $0x80, v4, vm0, $0xb8;
	[tilespmem:$0xC080] =	vst v63  }
0x67: {  	_ = 	snop  }
0x68: {  	[hbm4b:s3+s2] =	stream.indirect_vreg.scatter [tilespmem:s31], [sflag:$0x1], $0x80, v3, vm0, $0xb8;
	[tilespmem:$0xC080] =	vst v63  }
0x69: {  	s7 =	simm.s32 $0xB080  }
0x6a: {  	[hbm4b:s4+s2] =	stream.indirect_vreg.scatter [tilespmem:s7], [sflag:$0x1], $0x80, v3, vm0, $0xb8;
	[tilespmem:$0xC080] =	vst v63  }
0x6b: {  	s7 =	simm.s32 $0xB880  }
0x6c: {  	[hbm4b:s5+s2] =	stream.indirect_vreg.scatter [tilespmem:s7], [sflag:$0x1], $0x80, v3, vm0, $0xb8;
	[tilespmem:$0xC080] =	vst v63  }
0x6d: {  	_ =	swait.ge [sflag:s1], $0xC000  }
0x6e: {  	[sflag:s1] =	ssyncset.done $0x0  }
0x6f: {  	s9 =	rddreg [dreg:$0x4];
	[sflag:s1] =	ssyncadd.s32 $0xFFFF4000  }
0x70: {  	[tilespmem:s0], [sflag:$0x2] =	stream.linear.gather [hbm4b:s9+s2], $0xC000, $0x38;
	[tilespmem:$0xC080] =	vst v63  }
0x71: {  	_ =	swait.ge [sflag:s8], $0xC000  }
0x72: {  	[sflag:s8] =	ssyncset.done $0x0  }
0x73: {  	s9 =	rddreg [dreg:$0x5];
	[sflag:s8] =	ssyncadd.s32 $0xFFFF4000  }
0x74: {  	[tilespmem:s2], [sflag:$0x2] =	stream.linear.gather [hbm4b:s9+s2], $0x40, $0x38;
	[tilespmem:$0xC080] =	vst v63  }
0x75: {  	_ =	swait.ge [sflag:s8], $0x40  }
0x76: {  	[sflag:s8] =	ssyncset.done $0x0  }
0x77: {  	[sflag:s8] =	ssyncadd.s32 $0xFFFFFFC0  }
0x78: {  	v3 =	vld [tilespmem:$0x0];
	_ =	sdelay $0x4  }
0x79: {  	v60 =	vshrl.u32 v3, $0x3  }
0x7a: {  	v4 =	vmul.u32 $0x30, v60  }
0x7b: {  	v3 =	vand.u32 $0x7, v3  }
0x7c: {  	v3 =	vor.u32 v3, v4  }
0x7d: {  	v4 =	vperm.xlane v3, v0;
	_ =	sdelay $0x1  }
0x7e: {  	v4 =	vadd.s32 v1, v4;
	_ =	sdelay $0x3  }
0x7f: {  	v3 =	vperm.xlane v3, v2  }
0x80: {  	[hbm4b:s3+s2] =	stream.indirect_vreg.scatter [tilespmem:s0], [sflag:$0x1], $0x80, v4, vm0, $0xb8;
	[tilespmem:$0xC080] =	vst v63  }
0x81: {  	v3 =	vadd.s32 v1, v3  }
0x82: {  	[hbm4b:s4+s2] =	stream.indirect_vreg.scatter [tilespmem:s10], [sflag:$0x1], $0x80, v4, vm0, $0xb8;
	[tilespmem:$0xC080] =	vst v63  }
0x83: {  	_ = 	snop  }
0x84: {  	[hbm4b:s5+s2] =	stream.indirect_vreg.scatter [tilespmem:s11], [sflag:$0x1], $0x80, v4, vm0, $0xb8;
	[tilespmem:$0xC080] =	vst v63  }
0x85: {  	_ = 	snop  }
0x86: {  	[hbm4b:s3+s2] =	stream.indirect_vreg.scatter [tilespmem:s12], [sflag:$0x1], $0x80, v3, vm0, $0xb8;
	[tilespmem:$0xC080] =	vst v63  }
0x87: {  	_ = 	snop  }
0x88: {  	[hbm4b:s4+s2] =	stream.indirect_vreg.scatter [tilespmem:s13], [sflag:$0x1], $0x80, v3, vm0, $0xb8;
	[tilespmem:$0xC080] =	vst v63  }
0x89: {  	_ = 	snop  }
0x8a: {  	[hbm4b:s5+s2] =	stream.indirect_vreg.scatter [tilespmem:s14], [sflag:$0x1], $0x80, v3, vm0, $0xb8;
	[tilespmem:$0xC080] =	vst v63  }
0x8b: {  	v3 =	vld [tilespmem:$0x10];
	_ =	sdelay $0x4  }
0x8c: {  	v61 =	vshrl.u32 v3, $0x3  }
0x8d: {  	v4 =	vmul.u32 $0x30, v61  }
0x8e: {  	v3 =	vand.u32 $0x7, v3  }
0x8f: {  	v3 =	vor.u32 v3, v4  }
0x90: {  	v4 =	vperm.xlane v3, v0;
	_ =	sdelay $0x1  }
0x91: {  	v4 =	vadd.s32 v1, v4;
	_ =	sdelay $0x3  }
0x92: {  	v3 =	vperm.xlane v3, v2  }
0x93: {  	[hbm4b:s3+s2] =	stream.indirect_vreg.scatter [tilespmem:s15], [sflag:$0x1], $0x80, v4, vm0, $0xb8;
	[tilespmem:$0xC080] =	vst v63  }
0x94: {  	v3 =	vadd.s32 v1, v3  }
0x95: {  	[hbm4b:s4+s2] =	stream.indirect_vreg.scatter [tilespmem:s16], [sflag:$0x1], $0x80, v4, vm0, $0xb8;
	[tilespmem:$0xC080] =	vst v63  }
0x96: {  	_ = 	snop  }
0x97: {  	[hbm4b:s5+s2] =	stream.indirect_vreg.scatter [tilespmem:s17], [sflag:$0x1], $0x80, v4, vm0, $0xb8;
	[tilespmem:$0xC080] =	vst v63  }
0x98: {  	_ = 	snop  }
0x99: {  	[hbm4b:s3+s2] =	stream.indirect_vreg.scatter [tilespmem:s18], [sflag:$0x1], $0x80, v3, vm0, $0xb8;
	[tilespmem:$0xC080] =	vst v63  }
0x9a: {  	_ = 	snop  }
0x9b: {  	[hbm4b:s4+s2] =	stream.indirect_vreg.scatter [tilespmem:s19], [sflag:$0x1], $0x80, v3, vm0, $0xb8;
	[tilespmem:$0xC080] =	vst v63  }
0x9c: {  	_ = 	snop  }
0x9d: {  	[hbm4b:s5+s2] =	stream.indirect_vreg.scatter [tilespmem:s20], [sflag:$0x1], $0x80, v3, vm0, $0xb8;
	[tilespmem:$0xC080] =	vst v63  }
0x9e: {  	v3 =	vld [tilespmem:$0x20];
	_ =	sdelay $0x4  }
0x9f: {  	v62 =	vshrl.u32 v3, $0x3  }
0xa0: {  	v4 =	vmul.u32 $0x30, v62  }
0xa1: {  	v3 =	vand.u32 $0x7, v3  }
0xa2: {  	v3 =	vor.u32 v3, v4  }
0xa3: {  	v4 =	vperm.xlane v3, v0;
	_ =	sdelay $0x1  }
0xa4: {  	v4 =	vadd.s32 v1, v4;
	_ =	sdelay $0x3  }
0xa5: {  	v3 =	vperm.xlane v3, v2  }
0xa6: {  	[hbm4b:s3+s2] =	stream.indirect_vreg.scatter [tilespmem:s21], [sflag:$0x1], $0x80, v4, vm0, $0xb8;
	[tilespmem:$0xC080] =	vst v63  }
0xa7: {  	v3 =	vadd.s32 v1, v3  }
0xa8: {  	[hbm4b:s4+s2] =	stream.indirect_vreg.scatter [tilespmem:s22], [sflag:$0x1], $0x80, v4, vm0, $0xb8;
	[tilespmem:$0xC080] =	vst v63  }
0xa9: {  	_ = 	snop  }
0xaa: {  	[hbm4b:s5+s2] =	stream.indirect_vreg.scatter [tilespmem:s23], [sflag:$0x1], $0x80, v4, vm0, $0xb8;
	[tilespmem:$0xC080] =	vst v63  }
0xab: {  	_ = 	snop  }
0xac: {  	[hbm4b:s3+s2] =	stream.indirect_vreg.scatter [tilespmem:s24], [sflag:$0x1], $0x80, v3, vm0, $0xb8;
	[tilespmem:$0xC080] =	vst v63  }
0xad: {  	_ = 	snop  }
0xae: {  	[hbm4b:s4+s2] =	stream.indirect_vreg.scatter [tilespmem:s25], [sflag:$0x1], $0x80, v3, vm0, $0xb8;
	[tilespmem:$0xC080] =	vst v63  }
0xaf: {  	_ = 	snop  }
0xb0: {  	[hbm4b:s5+s2] =	stream.indirect_vreg.scatter [tilespmem:s26], [sflag:$0x1], $0x80, v3, vm0, $0xb8;
	[tilespmem:$0xC080] =	vst v63  }
0xb1: {  	v3 =	vld [tilespmem:$0x30];
	_ =	sdelay $0x4  }
0xb2: {  	v63 =	vshrl.u32 v3, $0x3  }
0xb3: {  	v4 =	vmul.u32 $0x30, v63  }
0xb4: {  	v3 =	vand.u32 $0x7, v3  }
0xb5: {  	v3 =	vor.u32 v3, v4  }
0xb6: {  	v4 =	vperm.xlane v3, v0;
	_ =	sdelay $0x1  }
0xb7: {  	v4 =	vadd.s32 v1, v4;
	_ =	sdelay $0x3  }
0xb8: {  	v3 =	vperm.xlane v3, v2  }
0xb9: {  	[hbm4b:s3+s2] =	stream.indirect_vreg.scatter [tilespmem:s28], [sflag:$0x1], $0x80, v4, vm0, $0xb8;
	[tilespmem:$0xC080] =	vst v63  }
0xba: {  	v3 =	vadd.s32 v1, v3  }
0xbb: {  	[hbm4b:s4+s2] =	stream.indirect_vreg.scatter [tilespmem:s29], [sflag:$0x1], $0x80, v4, vm0, $0xb8;
	[tilespmem:$0xC080] =	vst v63  }
0xbc: {  	_ = 	snop  }
0xbd: {  	[hbm4b:s5+s2] =	stream.indirect_vreg.scatter [tilespmem:s30], [sflag:$0x1], $0x80, v4, vm0, $0xb8;
	[tilespmem:$0xC080] =	vst v63  }
0xbe: {  	_ = 	snop  }
0xbf: {  	[hbm4b:s3+s2] =	stream.indirect_vreg.scatter [tilespmem:s31], [sflag:$0x1], $0x80, v3, vm0, $0xb8;
	[tilespmem:$0xC080] =	vst v63  }
0xc0: {  	p0 =	sne.s32 s6, $0x1;
	s9 =	simm.s32 $0xB080  }
0xc1: {  	[hbm4b:s4+s2] =	stream.indirect_vreg.scatter [tilespmem:s9], [sflag:$0x1], $0x80, v3, vm0, $0xb8;
	[tilespmem:$0xC080] =	vst v63  }
.Ltmp0:
0xc2: {  	_ = 	snop;
	(pc) =	sbr.rel @p0 .LBB2_1-.Ltmp0, $4  }
0xc3: {  	[hbm4b:s5+s2] =	stream.indirect_vreg.scatter [tilespmem:s7], [sflag:$0x1], $0x80, v3, vm0, $0xb8;
	[tilespmem:$0xC080] =	vst v63  }
0xc4: {  	_ =	swait.ge [sflag:s1], $0xC000  }
0xc5: {  	[sflag:s1] =	ssyncset.done $0x0  }
0xc6: {  	s6 =	sadd.s32 $0xFFFFFFFF, s6;
	[sflag:s1] =	ssyncadd.s32 $0xFFFF4000  }
0xc7: {  	_ =	sfence.sel $0x180000  }
0xc8: {  	[bflag:$0x0] =	sbarrier.arrive $0xFFFF  }
0xc9: {  	_ =	strace $0x90000047  }
0xca: {  	s0 =	stileid.u32;
	[bflag:$0x2] =	sbarrier.arrive $0xFFFF  }
0xcb: {  	p0 =	sne.s32 s0, $0x0;
	s0 =	rddreg [dreg:$0x2]  }
0xcc: {  	s0 =	sadd.s32 @!p0 $0x100000, s0  }
0xcd: {  	[sflag:s0] =	ssyncadd.tile.s32 @!p0 $0x1;
	_ =	shalt  }
.Lfunc_end2:
_tile_overlayer_lowered:
.L_overlay_start_2:
0xce: {  	(tag) =	ssettag $0x2  }
0xcf: {  	s0 =	rddreg [dreg:$0x0];
	s2 =	stileid.u32  }
0xd0: {  	s1 =	rddreg [dreg:$0x1];
	p0 =	sne.s32 s2, $0x0  }
0xd1: {  	s3 =	rddreg [dreg:$0x2];
	[bflag:$0x3] =	sbarrier.arrive $0xFFFF;
	s2 =	simm.s32 @!p0 $0x1C02  }
0xd2: {  	[timem:s3], [sflag:s2] =	dma.local @!p0 [hbm:s0], s1  }
0xd3: {  	s0 =	simm.s32 @!p0 $0x2  }
0xd4: {  	_ =	swait.ge @!p0 [sflag:s0], s1  }
0xd5: {  	s1 =	ssub.s32 @!p0 $0x0, s1;
	[sflag:s0] =	ssyncset.done @!p0 $0x0  }
0xd6: {  	[sflag:s0] =	ssyncadd.s32 @!p0 s1  }
0xd7: {  	[bflag:$0x3] =	sbarrier.arrive $0xFFFF  }
0xd8: {  	_ =	shalt  }

</sc_bundles>
